<compile_context>
chip_gen: v7x
topology: tpu7x:2x2x1
jax: 0.10.2.dev20260603
libtpu: 0.0.44.dev20260713+nightly
codegen_flags: <defaults>
</compile_context>

<pallas_src>
import functools

import jax
import jax.numpy as jnp
from jax import lax
from jax.experimental import pallas as pl
from jax.experimental.pallas import tpu as pltpu
from jax.experimental.pallas import tpu_sc as plsc

B = 8
N = 4096
S = 512
K = 32
D = 64
MLP_CH = [64, 64, 128]
EPS = 1e-5


def _fps_body(x_ref, y_ref, z_ref, nx_ref, ny_ref, nz_ref, dist_ref):
    x = x_ref[...]
    y = y_ref[...]
    z = z_ref[...]
    iota = jax.lax.broadcasted_iota(jnp.int32, (B, N), 1)
    lane = jax.lax.broadcasted_iota(jnp.int32, (B, 128), 1)
    dist_ref[...] = jnp.full((B, N), 1e10, jnp.float32)

    def body(i, state):
        far, bx, by, bz = state
        onehot = iota == far
        cx = jnp.max(jnp.where(onehot, x, -jnp.inf), axis=1, keepdims=True)
        cy = jnp.max(jnp.where(onehot, y, -jnp.inf), axis=1, keepdims=True)
        cz = jnp.max(jnp.where(onehot, z, -jnp.inf), axis=1, keepdims=True)
        sel = lane == i
        bx = jnp.where(sel, cx, bx)
        by = jnp.where(sel, cy, by)
        bz = jnp.where(sel, cz, bz)
        dx = x - cx
        dy = y - cy
        dz = z - cz
        d = dx * dx + dy * dy + dz * dz
        dmin = jnp.minimum(dist_ref[...], d)
        dist_ref[...] = dmin
        m = jnp.max(dmin, axis=1, keepdims=True)
        far_new = jnp.min(jnp.where(dmin == m, iota, N), axis=1, keepdims=True)
        return far_new, bx, by, bz

    far = jnp.zeros((B, 1), jnp.int32)
    zbuf = jnp.zeros((B, 128), jnp.float32)
    for j in range(S // 128):
        far, bx, by, bz = jax.lax.fori_loop(0, 128, body, (far, zbuf, zbuf, zbuf))
        nx_ref[:, j * 128:(j + 1) * 128] = bx
        ny_ref[:, j * 128:(j + 1) * 128] = by
        nz_ref[:, j * 128:(j + 1) * 128] = bz


def _fps(x, y, z):
    out = pl.pallas_call(
        _fps_body,
        out_shape=[jax.ShapeDtypeStruct((B, S), jnp.float32)] * 3,
        scratch_shapes=[pltpu.VMEM((B, N), jnp.float32)],
    )(x, y, z)
    return out


SBLK = 128


NCH = N // 16


def _knn_body(x_ref, y_ref, z_ref, xp_ref, yp_ref, zp_ref,
              cx_ref, cy_ref, cz_ref, di_ref, cm_ref, thr_ref):
    cx = cx_ref[0]
    cy = cy_ref[0]
    cz = cz_ref[0]
    dx = x_ref[0] - cx
    dy = y_ref[0] - cy
    dz = z_ref[0] - cz
    d = dx * dx + dy * dy + dz * dz
    di_ref[...] = jax.lax.bitcast_convert_type(d, jnp.int32)[None]
    dpx = xp_ref[0] - cx
    dpy = yp_ref[0] - cy
    dpz = zp_ref[0] - cz
    dp = dpx * dpx + dpy * dpy + dpz * dpz
    cmv = dp[:, 0:NCH]
    for j in range(1, 16):
        cmv = jnp.minimum(cmv, dp[:, j * NCH:(j + 1) * NCH])
    cm_ref[...] = jax.lax.bitcast_convert_type(cmv, jnp.int32)[None]
    dip = jax.lax.bitcast_convert_type(dp, jnp.int32)
    acc = jnp.zeros((SBLK, 1), jnp.int32)
    for b in range(30, -1, -1):
        trial = acc | (1 << b)
        cnt = jnp.sum((dip < trial).astype(jnp.int32), axis=1, keepdims=True)
        acc = jnp.where(cnt < K, trial, acc)
    thr_ref[...] = acc[None]


def _knn_thresh(x, y, z, xp, yp, zp, cxg, cyg, czg):
    nsb = S // SBLK
    grid = (B, nsb)
    rowspec = pl.BlockSpec((1, 1, N), lambda b, s: (b, 0, 0))
    cspec = pl.BlockSpec((1, SBLK, 1), lambda b, s: (b * nsb + s, 0, 0))
    return pl.pallas_call(
        _knn_body,
        grid=grid,
        in_specs=[rowspec] * 6 + [cspec] * 3,
        out_specs=[
            pl.BlockSpec((1, SBLK, N), lambda b, s: (b, s, 0)),
            pl.BlockSpec((1, SBLK, NCH), lambda b, s: (b * nsb + s, 0, 0)),
            pl.BlockSpec((1, SBLK, 1), lambda b, s: (b * nsb + s, 0, 0)),
        ],
        out_shape=[
            jax.ShapeDtypeStruct((B, S, N), jnp.int32),
            jax.ShapeDtypeStruct((B * nsb, SBLK, NCH), jnp.int32),
            jax.ShapeDtypeStruct((B * nsb, SBLK, 1), jnp.int32),
        ],
    )(x, y, z, xp, yp, zp, cxg, cyg, czg)


XP = 16


NFD = 64


def _last_splat(v):
    return v.at[jnp.full((16,), 15, jnp.int32)].get(mode="promise_in_bounds")


def _sc_group_gather(dic, cm, thr, pts, xyzp):
    info = plsc.get_sparse_core_info()
    NC, NS = info.num_cores, info.num_subcores
    NW = NC * NS
    rpw = (B * S) // NW
    mesh = plsc.VectorSubcoreMesh(core_axis_name="c", subcore_axis_name="s")

    G = 8

    @functools.partial(
        pl.kernel, mesh=mesh,
        compiler_params=pltpu.CompilerParams(
            needs_layout_passes=False, use_tc_tiling_on_sc=False),
        out_type=[jax.ShapeDtypeStruct((B * S, K, D), jnp.float32),
                  jax.ShapeDtypeStruct((B * S, K, XP), jnp.float32)],
        scratch_types=[
            pltpu.VMEM((G, NCH), jnp.int32),
            pltpu.VMEM((G * NCH,), jnp.int32),
            pltpu.VMEM((G * NFD, 16), jnp.int32),
            pltpu.VMEM((NCH, 16), jnp.int32),
            pltpu.VMEM((G,), jnp.int32),
            pltpu.VMEM((rpw,), jnp.int32),
            pltpu.VMEM((G * K,), jnp.int32),
            pltpu.VMEM((K,), jnp.int32),
            pltpu.VMEM((G * K, D), jnp.float32),
            pltpu.VMEM((G * K, XP), jnp.float32),
            pltpu.SemaphoreType.DMA,
            pltpu.SemaphoreType.DMA,
            pltpu.SemaphoreType.DMA,
            pltpu.SemaphoreType.DMA,
        ],
    )
    def k(dic_hbm, cm_hbm, thr_hbm, pts_hbm, xyzp_hbm, gp_hbm,
          gx_hbm, cmbuf, cidxb, dchb, dchbig, nfbuf, thrv_ref, selgb,
          eqbuf, prowb, xrowb, sem1, sem2, sem3, sem4):
        wid = lax.axis_index("s") * NC + lax.axis_index("c")
        base = wid * rpw
        pltpu.sync_copy(thr_hbm.at[pl.ds(base, rpw)], thrv_ref)
        iota16 = lax.iota(jnp.int32, 16)
        z16 = jnp.zeros((16,), jnp.int32)
        for t in range(G * NCH // 16):
            cidxb[pl.ds(t * 16, 16)] = z16

        def batch_body(bb, carry):
            r0 = bb * G
            g0 = base + r0

            def p1_fire(i, c):
                pltpu.async_copy(cm_hbm.at[g0 + i], cmbuf.at[i], sem1)
                return c

            def p1_drain(i, c):
                pltpu.make_async_copy(cm_hbm.at[g0 + i], cmbuf.at[i],
                                      sem1).wait()
                return c

            lax.fori_loop(0, G, p1_fire, 0)
            lax.fori_loop(0, G, p1_drain, 0)

            def p2_fire(i, c):
                g = g0 + i
                thrv = plsc.load_gather(
                    thrv_ref, [jnp.full((16,), r0 + i, jnp.int32)])

                def scan_cm(t, offc):
                    v = plsc.load_gather(
                        cmbuf, [jnp.full((16,), i, jnp.int32),
                                t * 16 + iota16])
                    m = v <= thrv
                    rel = plsc.cumsum(m.astype(jnp.int32))
                    rank = i * NCH + offc + rel - 1
                    plsc.store_scatter(cidxb, [rank],
                                       g * NCH + t * 16 + iota16, mask=m)
                    return offc + _last_splat(rel)

                offc = lax.fori_loop(0, NCH // 16, scan_cm, z16)
                plsc.store_scatter(nfbuf, [jnp.full((16,), i, jnp.int32)],
                                   offc, mask=iota16 == 0)
                pltpu.async_copy(
                    dic_hbm.at[cidxb.at[pl.ds(i * NCH, NFD)]],
                    dchb.at[pl.ds(i * NFD, NFD)], sem2)
                return c

            def p2_drain(i, c):
                pltpu.make_async_copy(
                    dic_hbm.at[cidxb.at[pl.ds(i * NCH, NFD)]],
                    dchb.at[pl.ds(i * NFD, NFD)], sem2).wait()
                return c

            lax.fori_loop(0, G, p2_fire, 0)
            lax.fori_loop(0, G, p2_drain, 0)

            def p3_fire(i, c):
                g = g0 + i
                bn = (g // S) * N
                thrv = plsc.load_gather(
                    thrv_ref, [jnp.full((16,), r0 + i, jnp.int32)])
                nfv = plsc.load_gather(nfbuf, [jnp.full((16,), i, jnp.int32)])
                nf = jnp.max(nfv)

                def chunk_from(src, srcbase):
                    def chunk(j, offs):
                        offlt, offeq = offs
                        jj = jnp.full((16,), j, jnp.int32)
                        v = plsc.load_gather(src, [srcbase + jj, iota16])
                        cid = plsc.load_gather(cidxb,
                                               [i * NCH + jj]) - g * NCH
                        mlt = v < thrv
                        meq = v == thrv
                        gidx = cid * 16 + iota16 + bn
                        rellt = plsc.cumsum(mlt.astype(jnp.int32))
                        rlt = i * K + offlt + rellt - 1
                        plsc.store_scatter(selgb, [rlt], gidx, mask=mlt)
                        releq = plsc.cumsum(meq.astype(jnp.int32))
                        req = offeq + releq - 1
                        meq2 = meq & (req < K)
                        plsc.store_scatter(eqbuf, [req], gidx, mask=meq2)
                        return (offlt + _last_splat(rellt),
                                jnp.minimum(offeq + _last_splat(releq),
                                            jnp.full((16,), K, jnp.int32)))
                    return chunk

                def fast(nf):
                    return lax.fori_loop(0, nf, chunk_from(dchb, i * NFD),
                                         (z16, z16))

                def slow(nf):
                    h = NCH // 2
                    pltpu.async_copy(
                        dic_hbm.at[cidxb.at[pl.ds(i * NCH, h)]],
                        dchbig.at[pl.ds(0, h)], sem4)
                    pltpu.async_copy(
                        dic_hbm.at[cidxb.at[pl.ds(i * NCH + h, h)]],
                        dchbig.at[pl.ds(h, h)], sem4).wait()
                    pltpu.make_async_copy(
                        dic_hbm.at[cidxb.at[pl.ds(i * NCH, h)]],
                        dchbig.at[pl.ds(0, h)], sem4).wait()
                    return lax.fori_loop(0, nf, chunk_from(dchbig, 0),
                                         (z16, z16))

                nlt, _ = lax.cond(nf <= NFD, fast, slow, nf)

                def eqmove(t, c2):
                    e = eqbuf[pl.ds(t * 16, 16)]
                    ii = t * 16 + iota16
                    plsc.store_scatter(selgb, [i * K + nlt + ii], e,
                                       mask=ii < (K - nlt))
                    return c2

                lax.fori_loop(0, K // 16, eqmove, 0)
                pltpu.async_copy(pts_hbm.at[selgb.at[pl.ds(i * K, K)]],
                                 prowb.at[pl.ds(i * K, K)], sem3)
                pltpu.async_copy(xyzp_hbm.at[selgb.at[pl.ds(i * K, K)]],
                                 xrowb.at[pl.ds(i * K, K)], sem3)
                return c

            def p3_drain(i, c):
                pltpu.make_async_copy(pts_hbm.at[selgb.at[pl.ds(i * K, K)]],
                                      prowb.at[pl.ds(i * K, K)], sem3).wait()
                pltpu.make_async_copy(xyzp_hbm.at[selgb.at[pl.ds(i * K, K)]],
                                      xrowb.at[pl.ds(i * K, K)], sem3).wait()
                return c

            lax.fori_loop(0, G, p3_fire, 0)
            lax.fori_loop(0, G, p3_drain, 0)

            def p4_fire(i, c):
                g = g0 + i
                pltpu.async_copy(prowb.at[pl.ds(i * K, K)], gp_hbm.at[g],
                                 sem1)
                pltpu.async_copy(xrowb.at[pl.ds(i * K, K)], gx_hbm.at[g],
                                 sem1)
                return c

            def p4_drain(i, c):
                pltpu.make_async_copy(prowb.at[pl.ds(i * K, K)],
                                      gp_hbm.at[g0 + i], sem1).wait()
                pltpu.make_async_copy(xrowb.at[pl.ds(i * K, K)],
                                      gx_hbm.at[g0 + i], sem1).wait()
                return c

            lax.fori_loop(0, G, p4_fire, 0)
            lax.fori_loop(0, G, p4_drain, 0)
            return carry

        lax.fori_loop(0, rpw // G, batch_body, 0)

    return k(dic, cm, thr, pts, xyzp)


M = B * S * K
MB = 4096


def _stats_pad(y, oc):
    s = jnp.sum(y, axis=0, keepdims=True)
    q = jnp.sum(y * y, axis=0, keepdims=True)
    if oc < 128:
        z = jnp.zeros((1, 128 - oc), jnp.float32)
        s = jnp.concatenate([s, z], axis=1)
        q = jnp.concatenate([q, z], axis=1)
    return jnp.concatenate([s, q, jnp.zeros((6, 128), jnp.float32)], axis=0)


def _acc_stats(st_ref, st):
    @pl.when(pl.program_id(0) == 0)
    def _():
        st_ref[...] = jnp.zeros((8, 128), jnp.float32)

    st_ref[...] += st


def _l1_body(gp_ref, gx_ref, cen_ref, wp_ref, wx_ref, y_ref, st_ref):
    y = jnp.dot(gp_ref[...], wp_ref[...], preferred_element_type=jnp.float32)
    y = y + jnp.dot(gx_ref[...], wx_ref[...],
                    preferred_element_type=jnp.float32)
    corr = jnp.dot(cen_ref[...], wx_ref[...],
                   preferred_element_type=jnp.float32)
    y = y - jnp.broadcast_to(corr[:, None, :],
                             (MB // K, K, 64)).reshape(MB, 64)
    y_ref[...] = y
    _acc_stats(st_ref, _stats_pad(y, 64))


def _layer1(gp, gx, cen, wp, wx):
    return pl.pallas_call(
        _l1_body,
        grid=(M // MB,),
        in_specs=[
            pl.BlockSpec((MB, D), lambda i: (i, 0)),
            pl.BlockSpec((MB, XP), lambda i: (i, 0)),
            pl.BlockSpec((MB // K, XP), lambda i: (i, 0)),
            pl.BlockSpec((D, 64), lambda i: (0, 0)),
            pl.BlockSpec((XP, 64), lambda i: (0, 0)),
        ],
        out_specs=[
            pl.BlockSpec((MB, 64), lambda i: (i, 0)),
            pl.BlockSpec((8, 128), lambda i: (0, 0)),
        ],
        out_shape=[
            jax.ShapeDtypeStruct((M, 64), jnp.float32),
            jax.ShapeDtypeStruct((8, 128), jnp.float32),
        ],
    )(gp, gx, cen, wp, wx)


def _bn_affine(st, g, be, ic):
    mean = st[0:1, :ic] * (1.0 / M)
    var = st[1:2, :ic] * (1.0 / M) - mean * mean
    a = g / jnp.sqrt(var + EPS)
    c = be - mean * a
    return a, c


def _mid_body(ic, oc, y_ref, st_ref, g_ref, be_ref, w_ref, o_ref, so_ref):
    a, c = _bn_affine(st_ref[...], g_ref[...], be_ref[...], ic)
    z = jnp.maximum(y_ref[...] * a + c, 0.0)
    o = jnp.dot(z, w_ref[...], preferred_element_type=jnp.float32)
    o_ref[...] = o
    _acc_stats(so_ref, _stats_pad(o, oc))


def _mid_layer(y, st, g, be, w, ic, oc):
    return pl.pallas_call(
        functools.partial(_mid_body, ic, oc),
        grid=(M // MB,),
        in_specs=[
            pl.BlockSpec((MB, ic), lambda i: (i, 0)),
            pl.BlockSpec((8, 128), lambda i: (0, 0)),
            pl.BlockSpec((1, ic), lambda i: (0, 0)),
            pl.BlockSpec((1, ic), lambda i: (0, 0)),
            pl.BlockSpec((ic, oc), lambda i: (0, 0)),
        ],
        out_specs=[
            pl.BlockSpec((MB, oc), lambda i: (i, 0)),
            pl.BlockSpec((8, 128), lambda i: (0, 0)),
        ],
        out_shape=[
            jax.ShapeDtypeStruct((M, oc), jnp.float32),
            jax.ShapeDtypeStruct((8, 128), jnp.float32),
        ],
    )(y, st, g, be, w)


def _pool_body(y_ref, st_ref, g_ref, be_ref, o_ref):
    a, c = _bn_affine(st_ref[...], g_ref[...], be_ref[...], 128)
    z = jnp.maximum(y_ref[...] * a + c, 0.0)
    o_ref[...] = jnp.max(z.reshape(MB // K, K, 128), axis=1)


def _pool_layer(y, st, g, be):
    return pl.pallas_call(
        _pool_body,
        grid=(M // MB,),
        in_specs=[
            pl.BlockSpec((MB, 128), lambda i: (i, 0)),
            pl.BlockSpec((8, 128), lambda i: (0, 0)),
            pl.BlockSpec((1, 128), lambda i: (0, 0)),
            pl.BlockSpec((1, 128), lambda i: (0, 0)),
        ],
        out_specs=pl.BlockSpec((MB // K, 128), lambda i: (i, 0)),
        out_shape=jax.ShapeDtypeStruct((M // K, 128), jnp.float32),
    )(y, st, g, be)


def kernel(xyz, points, params):
    x = xyz[:, :, 0]
    y = xyz[:, :, 1]
    z = xyz[:, :, 2]
    nx, ny, nz = _fps(x, y, z)
    new_xyz = jnp.stack([nx, ny, nz], axis=-1)

    def _cg(a):
        return a.reshape(B * (S // SBLK), SBLK, 1)

    def _pm(a):
        return a.reshape(B, NCH, 16).swapaxes(1, 2).reshape(B, 1, N)

    di, cm, thrg = _knn_thresh(
        x[:, None, :], y[:, None, :], z[:, None, :],
        _pm(x), _pm(y), _pm(z), _cg(nx), _cg(ny), _cg(nz))

    xyzp = jnp.pad(xyz, ((0, 0), (0, 0), (0, XP - 3))).reshape(B * N, XP)
    cen = jnp.pad(new_xyz, ((0, 0), (0, 0), (0, XP - 3))).reshape(B * S, XP)
    gp, gx = _sc_group_gather(
        di.reshape(B * S * NCH, 16), cm.reshape(B * S, NCH),
        thrg.reshape(B * S), points.reshape(B * N, D), xyzp)
    w0 = params["w0"]
    wx = jnp.pad(w0[:, :3].T, ((0, XP - 3), (0, 0)))
    wp = w0[:, 3:].T
    y1, st1 = _layer1(gp.reshape(M, D), gx.reshape(M, XP), cen, wp, wx)
    y2, st2 = _mid_layer(y1, st1, params["g0"][None, :], params["be0"][None, :],
                         params["w1"].T, 64, 64)
    y3, st3 = _mid_layer(y2, st2, params["g1"][None, :], params["be1"][None, :],
                         params["w2"].T, 64, 128)
    out = _pool_layer(y3, st3, params["g2"][None, :], params["be2"][None, :])
    return (new_xyz, out.reshape(B, S, 128))

# --- scband reference (transcript-rebuilt; emitter-appended) ---
"""Pipeline reference for scband-point-net-set-abstraction-687194767483 (READ-ONLY COPY).

The authoritative reference and input builder live on the scoring server;
editing this copy changes nothing except your own understanding.
"""

import jax, jax.numpy as jnp
import numpy as np

NPOINT = 512
NSAMPLE = 32
MLP = [64, 64, 128]
IN_CH = 67
EPS = 1e-5


def index_points(points, idx):
    raw = idx.shape
    B = raw[0]
    C = points.shape[-1]
    idx_flat = idx.reshape(B, -1)
    idx_exp = jnp.broadcast_to(idx_flat[..., None], (B, idx_flat.shape[1], C))
    res = jnp.take_along_axis(points, idx_exp, axis=1)
    return res.reshape(*raw, C)


def square_distance(src, dst):
    return jnp.sum((src[:, :, None, :] - dst[:, None, :, :]) ** 2, axis=-1)


def farthest_point_sample(xyz, npoint):
    # Deterministic start (index 0) instead of torch.randint for reproducibility.
    B, N, C = xyz.shape
    batch_idx = jnp.arange(B)

    def body(i, state):
        centroids, distance, farthest = state
        centroids = centroids.at[:, i].set(farthest)
        centroid = xyz[batch_idx, farthest, :].reshape(B, 1, C)
        dist = jnp.sum((xyz - centroid) ** 2, axis=-1)
        distance = jnp.minimum(distance, dist)
        farthest = jnp.argmax(distance, axis=-1).astype(jnp.int32)
        return (centroids, distance, farthest)

    init = (jnp.zeros((B, npoint), dtype=jnp.int32),
            jnp.full((B, N), 1e10, dtype=jnp.float32),
            jnp.zeros((B,), dtype=jnp.int32))
    centroids, _, _ = jax.lax.fori_loop(0, npoint, body, init)
    return centroids


def bn_train(x, gamma, beta):
    mean = jnp.mean(x, axis=(0, 2, 3), keepdims=True)
    var = jnp.var(x, axis=(0, 2, 3), keepdims=True)
    xh = (x - mean) / jnp.sqrt(var + EPS)
    return xh * gamma[None, :, None, None] + beta[None, :, None, None]


def setup_inputs(seed: int = 0) -> dict:
    key = jax.random.key(seed)
    k1, k2, kp = jax.random.split(key, 3)
    xyz = jax.random.normal(k1, (8, 4096, 3), dtype=jnp.float32)
    points = jax.random.normal(k2, (8, 4096, 64), dtype=jnp.float32)
    params = {}
    last = IN_CH
    for i, out in enumerate(MLP):
        kp, kw = jax.random.split(kp)
        params[f"w{i}"] = jax.random.normal(kw, (out, last), dtype=jnp.float32) * 0.1
        params[f"b{i}"] = jnp.zeros((out,), dtype=jnp.float32)
        params[f"g{i}"] = jnp.ones((out,), dtype=jnp.float32)
        params[f"be{i}"] = jnp.zeros((out,), dtype=jnp.float32)
        last = out
    return {"xyz": xyz, "points": points, "params": params}


def reference(xyz, points, params):
    B, N, C = xyz.shape
    fps_idx = farthest_point_sample(xyz, NPOINT)
    new_xyz = index_points(xyz, fps_idx)                      # [B, S, 3]
    dists = square_distance(new_xyz, xyz)                     # [B, S, N]
    idx = jnp.argsort(dists, axis=-1)[:, :, :NSAMPLE]         # kNN indices
    grouped_xyz = index_points(xyz, idx)                      # [B, S, K, 3]
    grouped_xyz_norm = grouped_xyz - new_xyz[:, :, None, :]
    grouped_points = index_points(points, idx)                # [B, S, K, D]
    new_points = jnp.concatenate([grouped_xyz_norm, grouped_points], axis=-1)
    x = jnp.transpose(new_points, (0, 3, 2, 1))               # [B, C_in, K, S]
    for i in range(len(MLP)):
        x = jnp.einsum('oc,bcks->boks', params[f"w{i}"], x) + params[f"b{i}"][None, :, None, None]
        x = bn_train(x, params[f"g{i}"], params[f"be{i}"])
        x = jax.nn.relu(x)
    new_points_out = jnp.transpose(jnp.max(x, axis=2), (0, 2, 1))  # [B, S, C_out]
    return (new_xyz, new_points_out)

if __name__ == "__main__":
    import jax
    _d = setup_inputs()
    print(jax.jit(kernel)(*tuple(_d.values())))

</pallas_src>

<mosaic_0001>
#map = affine_map<(d0, d1) -> (0, 0)>
#map1 = affine_map<(d0, d1) -> (0)>
#map2 = affine_map<(d0, d1) -> (0, 0, 0)>
module attributes {stable_mosaic.version = 14 : i64} {
  func.func @k(%arg0: i32, %arg1: i32, %arg2: memref<1048576x16xi32, #tpu.memory_space<hbm>>, %arg3: memref<4096x256xi32, #tpu.memory_space<hbm>>, %arg4: memref<4096xi32, #tpu.memory_space<hbm>>, %arg5: memref<32768x64xf32, #tpu.memory_space<hbm>>, %arg6: memref<32768x16xf32, #tpu.memory_space<hbm>>, %arg7: memref<4096x32x64xf32, #tpu.memory_space<hbm>>, %arg8: memref<4096x32x16xf32, #tpu.memory_space<hbm>>, %arg9: memref<8x256xi32, #tpu.memory_space<vmem>>, %arg10: memref<2048xi32, #tpu.memory_space<vmem>>, %arg11: memref<512x16xi32, #tpu.memory_space<vmem>>, %arg12: memref<256x16xi32, #tpu.memory_space<vmem>>, %arg13: memref<8xi32, #tpu.memory_space<vmem>>, %arg14: memref<128xi32, #tpu.memory_space<vmem>>, %arg15: memref<256xi32, #tpu.memory_space<vmem>>, %arg16: memref<32xi32, #tpu.memory_space<vmem>>, %arg17: memref<256x64xf32, #tpu.memory_space<vmem>>, %arg18: memref<256x16xf32, #tpu.memory_space<vmem>>, %arg19: memref<!tpu.dma_semaphore, #tpu.memory_space<semaphore_mem>>, %arg20: memref<!tpu.dma_semaphore, #tpu.memory_space<semaphore_mem>>, %arg21: memref<!tpu.dma_semaphore, #tpu.memory_space<semaphore_mem>>, %arg22: memref<!tpu.dma_semaphore, #tpu.memory_space<semaphore_mem>>) attributes {dimension_semantics = [#tpu.dimension_semantics<core_parallel>, #tpu.dimension_semantics<subcore_parallel>], iteration_bounds = array<i64: 2, 16>, scalar_prefetch = 0 : i64, scratch_operands = 14 : i64, tpu.core_type = #tpu.core_type<sc_vector_subcore>, window_params = [{transform_indices = #map}, {transform_indices = #map}, {transform_indices = #map1}, {transform_indices = #map}, {transform_indices = #map}, {transform_indices = #map2}, {transform_indices = #map2}]} {
    %mul3A = arith.constant 2 : i32
    %mul3A_0 = arith.muli %arg1, %mul3A : i32
    %add3A = arith.addi %mul3A_0, %arg0 : i32
    %mul3A_1 = arith.constant 128 : i32
    %mul3A_2 = arith.muli %add3A, %mul3A_1 : i32
    "tpu.region"() ({
      %run_scoped3A = tpu.sem_alloc : memref<!tpu.dma_semaphore, #tpu.memory_space<semaphore_mem>>
      %dma_start3A = tpu.memref_slice %arg4[%mul3A_2] : memref<4096xi32, #tpu.memory_space<hbm>> -> memref<128xi32, #tpu.memory_space<hbm>>
      %dma_start3A_264 = tpu.memref_slice %arg4[%mul3A_2] : memref<4096xi32, #tpu.memory_space<hbm>> -> memref<128xi32, #tpu.memory_space<hbm>>
      tpu.enqueue_dma source(%dma_start3A_264 : memref<128xi32, #tpu.memory_space<hbm>>) target(%arg14 : memref<128xi32, #tpu.memory_space<vmem>>) target_semaphore(%run_scoped3A : memref<!tpu.dma_semaphore, #tpu.memory_space<semaphore_mem>>)
      %dma_wait3A = tpu.memref_slice %arg4[%mul3A_2] : memref<4096xi32, #tpu.memory_space<hbm>> -> memref<128xi32, #tpu.memory_space<hbm>>
      %dma_wait3A_265 = tpu.memref_slice %arg4[%mul3A_2] : memref<4096xi32, #tpu.memory_space<hbm>> -> memref<128xi32, #tpu.memory_space<hbm>>
      tpu.wait_dma2 semaphore(%run_scoped3A : memref<!tpu.dma_semaphore, #tpu.memory_space<semaphore_mem>>) src(%dma_wait3A_265 : memref<128xi32, #tpu.memory_space<hbm>>) dst(%arg14 : memref<128xi32, #tpu.memory_space<vmem>>)
      tpu.yield
    }) : () -> ()
    %iota3A = tpu.iota {dimensions = array<i32: 0>} : vector<16xi32>
    %broadcast_in_dim3A = arith.constant 0 : i32
    %broadcast_in_dim3A_3 = vector.broadcast %broadcast_in_dim3A : i32 to vector<16xi32>
    %swap3A = arith.constant 0 : index
    %swap3A_4 = tpu.vector_load %arg10[%swap3A] {strides = array<i32>} : memref<2048xi32, #tpu.memory_space<vmem>>, vector<16xi32>,
    tpu.vector_store %arg10[%swap3A], %broadcast_in_dim3A_3 {strides = array<i32>} : memref<2048xi32, #tpu.memory_space<vmem>>, vector<16xi32>,
    %swap3A_5 = arith.constant 16 : index
    %swap3A_6 = tpu.vector_load %arg10[%swap3A_5] {strides = array<i32>} : memref<2048xi32, #tpu.memory_space<vmem>>, vector<16xi32>,
    tpu.vector_store %arg10[%swap3A_5], %broadcast_in_dim3A_3 {strides = array<i32>} : memref<2048xi32, #tpu.memory_space<vmem>>, vector<16xi32>,
    %swap3A_7 = arith.constant 32 : index
    %swap3A_8 = tpu.vector_load %arg10[%swap3A_7] {strides = array<i32>} : memref<2048xi32, #tpu.memory_space<vmem>>, vector<16xi32>,
    tpu.vector_store %arg10[%swap3A_7], %broadcast_in_dim3A_3 {strides = array<i32>} : memref<2048xi32, #tpu.memory_space<vmem>>, vector<16xi32>,
    %swap3A_9 = arith.constant 48 : index
    %swap3A_10 = tpu.vector_load %arg10[%swap3A_9] {strides = array<i32>} : memref<2048xi32, #tpu.memory_space<vmem>>, vector<16xi32>,
    tpu.vector_store %arg10[%swap3A_9], %broadcast_in_dim3A_3 {strides = array<i32>} : memref<2048xi32, #tpu.memory_space<vmem>>, vector<16xi32>,
    %swap3A_11 = arith.constant 64 : index
    %swap3A_12 = tpu.vector_load %arg10[%swap3A_11] {strides = array<i32>} : memref<2048xi32, #tpu.memory_space<vmem>>, vector<16xi32>,
    tpu.vector_store %arg10[%swap3A_11], %broadcast_in_dim3A_3 {strides = array<i32>} : memref<2048xi32, #tpu.memory_space<vmem>>, vector<16xi32>,
    %swap3A_13 = arith.constant 80 : index
    %swap3A_14 = tpu.vector_load %arg10[%swap3A_13] {strides = array<i32>} : memref<2048xi32, #tpu.memory_space<vmem>>, vector<16xi32>,
    tpu.vector_store %arg10[%swap3A_13], %broadcast_in_dim3A_3 {strides = array<i32>} : memref<2048xi32, #tpu.memory_space<vmem>>, vector<16xi32>,
    %swap3A_15 = arith.constant 96 : index
    %swap3A_16 = tpu.vector_load %arg10[%swap3A_15] {strides = array<i32>} : memref<2048xi32, #tpu.memory_space<vmem>>, vector<16xi32>,
    tpu.vector_store %arg10[%swap3A_15], %broadcast_in_dim3A_3 {strides = array<i32>} : memref<2048xi32, #tpu.memory_space<vmem>>, vector<16xi32>,
    %swap3A_17 = arith.constant 112 : index
    %swap3A_18 = tpu.vector_load %arg10[%swap3A_17] {strides = array<i32>} : memref<2048xi32, #tpu.memory_space<vmem>>, vector<16xi32>,
    tpu.vector_store %arg10[%swap3A_17], %broadcast_in_dim3A_3 {strides = array<i32>} : memref<2048xi32, #tpu.memory_space<vmem>>, vector<16xi32>,
    %swap3A_19 = arith.constant 128 : index
    %swap3A_20 = tpu.vector_load %arg10[%swap3A_19] {strides = array<i32>} : memref<2048xi32, #tpu.memory_space<vmem>>, vector<16xi32>,
    tpu.vector_store %arg10[%swap3A_19], %broadcast_in_dim3A_3 {strides = array<i32>} : memref<2048xi32, #tpu.memory_space<vmem>>, vector<16xi32>,
    %swap3A_21 = arith.constant 144 : index
    %swap3A_22 = tpu.vector_load %arg10[%swap3A_21] {strides = array<i32>} : memref<2048xi32, #tpu.memory_space<vmem>>, vector<16xi32>,
    tpu.vector_store %arg10[%swap3A_21], %broadcast_in_dim3A_3 {strides = array<i32>} : memref<2048xi32, #tpu.memory_space<vmem>>, vector<16xi32>,
    %swap3A_23 = arith.constant 160 : index
    %swap3A_24 = tpu.vector_load %arg10[%swap3A_23] {strides = array<i32>} : memref<2048xi32, #tpu.memory_space<vmem>>, vector<16xi32>,
    tpu.vector_store %arg10[%swap3A_23], %broadcast_in_dim3A_3 {strides = array<i32>} : memref<2048xi32, #tpu.memory_space<vmem>>, vector<16xi32>,
    %swap3A_25 = arith.constant 176 : index
    %swap3A_26 = tpu.vector_load %arg10[%swap3A_25] {strides = array<i32>} : memref<2048xi32, #tpu.memory_space<vmem>>, vector<16xi32>,
    tpu.vector_store %arg10[%swap3A_25], %broadcast_in_dim3A_3 {strides = array<i32>} : memref<2048xi32, #tpu.memory_space<vmem>>, vector<16xi32>,
    %swap3A_27 = arith.constant 192 : index
    %swap3A_28 = tpu.vector_load %arg10[%swap3A_27] {strides = array<i32>} : memref<2048xi32, #tpu.memory_space<vmem>>, vector<16xi32>,
    tpu.vector_store %arg10[%swap3A_27], %broadcast_in_dim3A_3 {strides = array<i32>} : memref<2048xi32, #tpu.memory_space<vmem>>, vector<16xi32>,
    %swap3A_29 = arith.constant 208 : index
    %swap3A_30 = tpu.vector_load %arg10[%swap3A_29] {strides = array<i32>} : memref<2048xi32, #tpu.memory_space<vmem>>, vector<16xi32>,
    tpu.vector_store %arg10[%swap3A_29], %broadcast_in_dim3A_3 {strides = array<i32>} : memref<2048xi32, #tpu.memory_space<vmem>>, vector<16xi32>,
    %swap3A_31 = arith.constant 224 : index
    %swap3A_32 = tpu.vector_load %arg10[%swap3A_31] {strides = array<i32>} : memref<2048xi32, #tpu.memory_space<vmem>>, vector<16xi32>,
    tpu.vector_store %arg10[%swap3A_31], %broadcast_in_dim3A_3 {strides = array<i32>} : memref<2048xi32, #tpu.memory_space<vmem>>, vector<16xi32>,
    %swap3A_33 = arith.constant 240 : index
    %swap3A_34 = tpu.vector_load %arg10[%swap3A_33] {strides = array<i32>} : memref<2048xi32, #tpu.memory_space<vmem>>, vector<16xi32>,
    tpu.vector_store %arg10[%swap3A_33], %broadcast_in_dim3A_3 {strides = array<i32>} : memref<2048xi32, #tpu.memory_space<vmem>>, vector<16xi32>,
    %swap3A_35 = arith.constant 256 : index
    %swap3A_36 = tpu.vector_load %arg10[%swap3A_35] {strides = array<i32>} : memref<2048xi32, #tpu.memory_space<vmem>>, vector<16xi32>,
    tpu.vector_store %arg10[%swap3A_35], %broadcast_in_dim3A_3 {strides = array<i32>} : memref<2048xi32, #tpu.memory_space<vmem>>, vector<16xi32>,
    %swap3A_37 = arith.constant 272 : index
    %swap3A_38 = tpu.vector_load %arg10[%swap3A_37] {strides = array<i32>} : memref<2048xi32, #tpu.memory_space<vmem>>, vector<16xi32>,
    tpu.vector_store %arg10[%swap3A_37], %broadcast_in_dim3A_3 {strides = array<i32>} : memref<2048xi32, #tpu.memory_space<vmem>>, vector<16xi32>,
    %swap3A_39 = arith.constant 288 : index
    %swap3A_40 = tpu.vector_load %arg10[%swap3A_39] {strides = array<i32>} : memref<2048xi32, #tpu.memory_space<vmem>>, vector<16xi32>,
    tpu.vector_store %arg10[%swap3A_39], %broadcast_in_dim3A_3 {strides = array<i32>} : memref<2048xi32, #tpu.memory_space<vmem>>, vector<16xi32>,
    %swap3A_41 = arith.constant 304 : index
    %swap3A_42 = tpu.vector_load %arg10[%swap3A_41] {strides = array<i32>} : memref<2048xi32, #tpu.memory_space<vmem>>, vector<16xi32>,
    tpu.vector_store %arg10[%swap3A_41], %broadcast_in_dim3A_3 {strides = array<i32>} : memref<2048xi32, #tpu.memory_space<vmem>>, vector<16xi32>,
    %swap3A_43 = arith.constant 320 : index
    %swap3A_44 = tpu.vector_load %arg10[%swap3A_43] {strides = array<i32>} : memref<2048xi32, #tpu.memory_space<vmem>>, vector<16xi32>,
    tpu.vector_store %arg10[%swap3A_43], %broadcast_in_dim3A_3 {strides = array<i32>} : memref<2048xi32, #tpu.memory_space<vmem>>, vector<16xi32>,
    %swap3A_45 = arith.constant 336 : index
    %swap3A_46 = tpu.vector_load %arg10[%swap3A_45] {strides = array<i32>} : memref<2048xi32, #tpu.memory_space<vmem>>, vector<16xi32>,
    tpu.vector_store %arg10[%swap3A_45], %broadcast_in_dim3A_3 {strides = array<i32>} : memref<2048xi32, #tpu.memory_space<vmem>>, vector<16xi32>,
    %swap3A_47 = arith.constant 352 : index
    %swap3A_48 = tpu.vector_load %arg10[%swap3A_47] {strides = array<i32>} : memref<2048xi32, #tpu.memory_space<vmem>>, vector<16xi32>,
    tpu.vector_store %arg10[%swap3A_47], %broadcast_in_dim3A_3 {strides = array<i32>} : memref<2048xi32, #tpu.memory_space<vmem>>, vector<16xi32>,
    %swap3A_49 = arith.constant 368 : index
    %swap3A_50 = tpu.vector_load %arg10[%swap3A_49] {strides = array<i32>} : memref<2048xi32, #tpu.memory_space<vmem>>, vector<16xi32>,
    tpu.vector_store %arg10[%swap3A_49], %broadcast_in_dim3A_3 {strides = array<i32>} : memref<2048xi32, #tpu.memory_space<vmem>>, vector<16xi32>,
    %swap3A_51 = arith.constant 384 : index
    %swap3A_52 = tpu.vector_load %arg10[%swap3A_51] {strides = array<i32>} : memref<2048xi32, #tpu.memory_space<vmem>>, vector<16xi32>,
    tpu.vector_store %arg10[%swap3A_51], %broadcast_in_dim3A_3 {strides = array<i32>} : memref<2048xi32, #tpu.memory_space<vmem>>, vector<16xi32>,
    %swap3A_53 = arith.constant 400 : index
    %swap3A_54 = tpu.vector_load %arg10[%swap3A_53] {strides = array<i32>} : memref<2048xi32, #tpu.memory_space<vmem>>, vector<16xi32>,
    tpu.vector_store %arg10[%swap3A_53], %broadcast_in_dim3A_3 {strides = array<i32>} : memref<2048xi32, #tpu.memory_space<vmem>>, vector<16xi32>,
    %swap3A_55 = arith.constant 416 : index
    %swap3A_56 = tpu.vector_load %arg10[%swap3A_55] {strides = array<i32>} : memref<2048xi32, #tpu.memory_space<vmem>>, vector<16xi32>,
    tpu.vector_store %arg10[%swap3A_55], %broadcast_in_dim3A_3 {strides = array<i32>} : memref<2048xi32, #tpu.memory_space<vmem>>, vector<16xi32>,
    %swap3A_57 = arith.constant 432 : index
    %swap3A_58 = tpu.vector_load %arg10[%swap3A_57] {strides = array<i32>} : memref<2048xi32, #tpu.memory_space<vmem>>, vector<16xi32>,
    tpu.vector_store %arg10[%swap3A_57], %broadcast_in_dim3A_3 {strides = array<i32>} : memref<2048xi32, #tpu.memory_space<vmem>>, vector<16xi32>,
    %swap3A_59 = arith.constant 448 : index
    %swap3A_60 = tpu.vector_load %arg10[%swap3A_59] {strides = array<i32>} : memref<2048xi32, #tpu.memory_space<vmem>>, vector<16xi32>,
    tpu.vector_store %arg10[%swap3A_59], %broadcast_in_dim3A_3 {strides = array<i32>} : memref<2048xi32, #tpu.memory_space<vmem>>, vector<16xi32>,
    %swap3A_61 = arith.constant 464 : index
    %swap3A_62 = tpu.vector_load %arg10[%swap3A_61] {strides = array<i32>} : memref<2048xi32, #tpu.memory_space<vmem>>, vector<16xi32>,
    tpu.vector_store %arg10[%swap3A_61], %broadcast_in_dim3A_3 {strides = array<i32>} : memref<2048xi32, #tpu.memory_space<vmem>>, vector<16xi32>,
    %swap3A_63 = arith.constant 480 : index
    %swap3A_64 = tpu.vector_load %arg10[%swap3A_63] {strides = array<i32>} : memref<2048xi32, #tpu.memory_space<vmem>>, vector<16xi32>,
    tpu.vector_store %arg10[%swap3A_63], %broadcast_in_dim3A_3 {strides = array<i32>} : memref<2048xi32, #tpu.memory_space<vmem>>, vector<16xi32>,
    %swap3A_65 = arith.constant 496 : index
    %swap3A_66 = tpu.vector_load %arg10[%swap3A_65] {strides = array<i32>} : memref<2048xi32, #tpu.memory_space<vmem>>, vector<16xi32>,
    tpu.vector_store %arg10[%swap3A_65], %broadcast_in_dim3A_3 {strides = array<i32>} : memref<2048xi32, #tpu.memory_space<vmem>>, vector<16xi32>,
    %swap3A_67 = arith.constant 512 : index
    %swap3A_68 = tpu.vector_load %arg10[%swap3A_67] {strides = array<i32>} : memref<2048xi32, #tpu.memory_space<vmem>>, vector<16xi32>,
    tpu.vector_store %arg10[%swap3A_67], %broadcast_in_dim3A_3 {strides = array<i32>} : memref<2048xi32, #tpu.memory_space<vmem>>, vector<16xi32>,
    %swap3A_69 = arith.constant 528 : index
    %swap3A_70 = tpu.vector_load %arg10[%swap3A_69] {strides = array<i32>} : memref<2048xi32, #tpu.memory_space<vmem>>, vector<16xi32>,
    tpu.vector_store %arg10[%swap3A_69], %broadcast_in_dim3A_3 {strides = array<i32>} : memref<2048xi32, #tpu.memory_space<vmem>>, vector<16xi32>,
    %swap3A_71 = arith.constant 544 : index
    %swap3A_72 = tpu.vector_load %arg10[%swap3A_71] {strides = array<i32>} : memref<2048xi32, #tpu.memory_space<vmem>>, vector<16xi32>,
    tpu.vector_store %arg10[%swap3A_71], %broadcast_in_dim3A_3 {strides = array<i32>} : memref<2048xi32, #tpu.memory_space<vmem>>, vector<16xi32>,
    %swap3A_73 = arith.constant 560 : index
    %swap3A_74 = tpu.vector_load %arg10[%swap3A_73] {strides = array<i32>} : memref<2048xi32, #tpu.memory_space<vmem>>, vector<16xi32>,
    tpu.vector_store %arg10[%swap3A_73], %broadcast_in_dim3A_3 {strides = array<i32>} : memref<2048xi32, #tpu.memory_space<vmem>>, vector<16xi32>,
    %swap3A_75 = arith.constant 576 : index
    %swap3A_76 = tpu.vector_load %arg10[%swap3A_75] {strides = array<i32>} : memref<2048xi32, #tpu.memory_space<vmem>>, vector<16xi32>,
    tpu.vector_store %arg10[%swap3A_75], %broadcast_in_dim3A_3 {strides = array<i32>} : memref<2048xi32, #tpu.memory_space<vmem>>, vector<16xi32>,
    %swap3A_77 = arith.constant 592 : index
    %swap3A_78 = tpu.vector_load %arg10[%swap3A_77] {strides = array<i32>} : memref<2048xi32, #tpu.memory_space<vmem>>, vector<16xi32>,
    tpu.vector_store %arg10[%swap3A_77], %broadcast_in_dim3A_3 {strides = array<i32>} : memref<2048xi32, #tpu.memory_space<vmem>>, vector<16xi32>,
    %swap3A_79 = arith.constant 608 : index
    %swap3A_80 = tpu.vector_load %arg10[%swap3A_79] {strides = array<i32>} : memref<2048xi32, #tpu.memory_space<vmem>>, vector<16xi32>,
    tpu.vector_store %arg10[%swap3A_79], %broadcast_in_dim3A_3 {strides = array<i32>} : memref<2048xi32, #tpu.memory_space<vmem>>, vector<16xi32>,
    %swap3A_81 = arith.constant 624 : index
    %swap3A_82 = tpu.vector_load %arg10[%swap3A_81] {strides = array<i32>} : memref<2048xi32, #tpu.memory_space<vmem>>, vector<16xi32>,
    tpu.vector_store %arg10[%swap3A_81], %broadcast_in_dim3A_3 {strides = array<i32>} : memref<2048xi32, #tpu.memory_space<vmem>>, vector<16xi32>,
    %swap3A_83 = arith.constant 640 : index
    %swap3A_84 = tpu.vector_load %arg10[%swap3A_83] {strides = array<i32>} : memref<2048xi32, #tpu.memory_space<vmem>>, vector<16xi32>,
    tpu.vector_store %arg10[%swap3A_83], %broadcast_in_dim3A_3 {strides = array<i32>} : memref<2048xi32, #tpu.memory_space<vmem>>, vector<16xi32>,
    %swap3A_85 = arith.constant 656 : index
    %swap3A_86 = tpu.vector_load %arg10[%swap3A_85] {strides = array<i32>} : memref<2048xi32, #tpu.memory_space<vmem>>, vector<16xi32>,
    tpu.vector_store %arg10[%swap3A_85], %broadcast_in_dim3A_3 {strides = array<i32>} : memref<2048xi32, #tpu.memory_space<vmem>>, vector<16xi32>,
    %swap3A_87 = arith.constant 672 : index
    %swap3A_88 = tpu.vector_load %arg10[%swap3A_87] {strides = array<i32>} : memref<2048xi32, #tpu.memory_space<vmem>>, vector<16xi32>,
    tpu.vector_store %arg10[%swap3A_87], %broadcast_in_dim3A_3 {strides = array<i32>} : memref<2048xi32, #tpu.memory_space<vmem>>, vector<16xi32>,
    %swap3A_89 = arith.constant 688 : index
    %swap3A_90 = tpu.vector_load %arg10[%swap3A_89] {strides = array<i32>} : memref<2048xi32, #tpu.memory_space<vmem>>, vector<16xi32>,
    tpu.vector_store %arg10[%swap3A_89], %broadcast_in_dim3A_3 {strides = array<i32>} : memref<2048xi32, #tpu.memory_space<vmem>>, vector<16xi32>,
    %swap3A_91 = arith.constant 704 : index
    %swap3A_92 = tpu.vector_load %arg10[%swap3A_91] {strides = array<i32>} : memref<2048xi32, #tpu.memory_space<vmem>>, vector<16xi32>,
    tpu.vector_store %arg10[%swap3A_91], %broadcast_in_dim3A_3 {strides = array<i32>} : memref<2048xi32, #tpu.memory_space<vmem>>, vector<16xi32>,
    %swap3A_93 = arith.constant 720 : index
    %swap3A_94 = tpu.vector_load %arg10[%swap3A_93] {strides = array<i32>} : memref<2048xi32, #tpu.memory_space<vmem>>, vector<16xi32>,
    tpu.vector_store %arg10[%swap3A_93], %broadcast_in_dim3A_3 {strides = array<i32>} : memref<2048xi32, #tpu.memory_space<vmem>>, vector<16xi32>,
    %swap3A_95 = arith.constant 736 : index
    %swap3A_96 = tpu.vector_load %arg10[%swap3A_95] {strides = array<i32>} : memref<2048xi32, #tpu.memory_space<vmem>>, vector<16xi32>,
    tpu.vector_store %arg10[%swap3A_95], %broadcast_in_dim3A_3 {strides = array<i32>} : memref<2048xi32, #tpu.memory_space<vmem>>, vector<16xi32>,
    %swap3A_97 = arith.constant 752 : index
    %swap3A_98 = tpu.vector_load %arg10[%swap3A_97] {strides = array<i32>} : memref<2048xi32, #tpu.memory_space<vmem>>, vector<16xi32>,
    tpu.vector_store %arg10[%swap3A_97], %broadcast_in_dim3A_3 {strides = array<i32>} : memref<2048xi32, #tpu.memory_space<vmem>>, vector<16xi32>,
    %swap3A_99 = arith.constant 768 : index
    %swap3A_100 = tpu.vector_load %arg10[%swap3A_99] {strides = array<i32>} : memref<2048xi32, #tpu.memory_space<vmem>>, vector<16xi32>,
    tpu.vector_store %arg10[%swap3A_99], %broadcast_in_dim3A_3 {strides = array<i32>} : memref<2048xi32, #tpu.memory_space<vmem>>, vector<16xi32>,
    %swap3A_101 = arith.constant 784 : index
    %swap3A_102 = tpu.vector_load %arg10[%swap3A_101] {strides = array<i32>} : memref<2048xi32, #tpu.memory_space<vmem>>, vector<16xi32>,
    tpu.vector_store %arg10[%swap3A_101], %broadcast_in_dim3A_3 {strides = array<i32>} : memref<2048xi32, #tpu.memory_space<vmem>>, vector<16xi32>,
    %swap3A_103 = arith.constant 800 : index
    %swap3A_104 = tpu.vector_load %arg10[%swap3A_103] {strides = array<i32>} : memref<2048xi32, #tpu.memory_space<vmem>>, vector<16xi32>,
    tpu.vector_store %arg10[%swap3A_103], %broadcast_in_dim3A_3 {strides = array<i32>} : memref<2048xi32, #tpu.memory_space<vmem>>, vector<16xi32>,
    %swap3A_105 = arith.constant 816 : index
    %swap3A_106 = tpu.vector_load %arg10[%swap3A_105] {strides = array<i32>} : memref<2048xi32, #tpu.memory_space<vmem>>, vector<16xi32>,
    tpu.vector_store %arg10[%swap3A_105], %broadcast_in_dim3A_3 {strides = array<i32>} : memref<2048xi32, #tpu.memory_space<vmem>>, vector<16xi32>,
    %swap3A_107 = arith.constant 832 : index
    %swap3A_108 = tpu.vector_load %arg10[%swap3A_107] {strides = array<i32>} : memref<2048xi32, #tpu.memory_space<vmem>>, vector<16xi32>,
    tpu.vector_store %arg10[%swap3A_107], %broadcast_in_dim3A_3 {strides = array<i32>} : memref<2048xi32, #tpu.memory_space<vmem>>, vector<16xi32>,
    %swap3A_109 = arith.constant 848 : index
    %swap3A_110 = tpu.vector_load %arg10[%swap3A_109] {strides = array<i32>} : memref<2048xi32, #tpu.memory_space<vmem>>, vector<16xi32>,
    tpu.vector_store %arg10[%swap3A_109], %broadcast_in_dim3A_3 {strides = array<i32>} : memref<2048xi32, #tpu.memory_space<vmem>>, vector<16xi32>,
    %swap3A_111 = arith.constant 864 : index
    %swap3A_112 = tpu.vector_load %arg10[%swap3A_111] {strides = array<i32>} : memref<2048xi32, #tpu.memory_space<vmem>>, vector<16xi32>,
    tpu.vector_store %arg10[%swap3A_111], %broadcast_in_dim3A_3 {strides = array<i32>} : memref<2048xi32, #tpu.memory_space<vmem>>, vector<16xi32>,
    %swap3A_113 = arith.constant 880 : index
    %swap3A_114 = tpu.vector_load %arg10[%swap3A_113] {strides = array<i32>} : memref<2048xi32, #tpu.memory_space<vmem>>, vector<16xi32>,
    tpu.vector_store %arg10[%swap3A_113], %broadcast_in_dim3A_3 {strides = array<i32>} : memref<2048xi32, #tpu.memory_space<vmem>>, vector<16xi32>,
    %swap3A_115 = arith.constant 896 : index
    %swap3A_116 = tpu.vector_load %arg10[%swap3A_115] {strides = array<i32>} : memref<2048xi32, #tpu.memory_space<vmem>>, vector<16xi32>,
    tpu.vector_store %arg10[%swap3A_115], %broadcast_in_dim3A_3 {strides = array<i32>} : memref<2048xi32, #tpu.memory_space<vmem>>, vector<16xi32>,
    %swap3A_117 = arith.constant 912 : index
    %swap3A_118 = tpu.vector_load %arg10[%swap3A_117] {strides = array<i32>} : memref<2048xi32, #tpu.memory_space<vmem>>, vector<16xi32>,
    tpu.vector_store %arg10[%swap3A_117], %broadcast_in_dim3A_3 {strides = array<i32>} : memref<2048xi32, #tpu.memory_space<vmem>>, vector<16xi32>,
    %swap3A_119 = arith.constant 928 : index
    %swap3A_120 = tpu.vector_load %arg10[%swap3A_119] {strides = array<i32>} : memref<2048xi32, #tpu.memory_space<vmem>>, vector<16xi32>,
    tpu.vector_store %arg10[%swap3A_119], %broadcast_in_dim3A_3 {strides = array<i32>} : memref<2048xi32, #tpu.memory_space<vmem>>, vector<16xi32>,
    %swap3A_121 = arith.constant 944 : index
    %swap3A_122 = tpu.vector_load %arg10[%swap3A_121] {strides = array<i32>} : memref<2048xi32, #tpu.memory_space<vmem>>, vector<16xi32>,
    tpu.vector_store %arg10[%swap3A_121], %broadcast_in_dim3A_3 {strides = array<i32>} : memref<2048xi32, #tpu.memory_space<vmem>>, vector<16xi32>,
    %swap3A_123 = arith.constant 960 : index
    %swap3A_124 = tpu.vector_load %arg10[%swap3A_123] {strides = array<i32>} : memref<2048xi32, #tpu.memory_space<vmem>>, vector<16xi32>,
    tpu.vector_store %arg10[%swap3A_123], %broadcast_in_dim3A_3 {strides = array<i32>} : memref<2048xi32, #tpu.memory_space<vmem>>, vector<16xi32>,
    %swap3A_125 = arith.constant 976 : index
    %swap3A_126 = tpu.vector_load %arg10[%swap3A_125] {strides = array<i32>} : memref<2048xi32, #tpu.memory_space<vmem>>, vector<16xi32>,
    tpu.vector_store %arg10[%swap3A_125], %broadcast_in_dim3A_3 {strides = array<i32>} : memref<2048xi32, #tpu.memory_space<vmem>>, vector<16xi32>,
    %swap3A_127 = arith.constant 992 : index
    %swap3A_128 = tpu.vector_load %arg10[%swap3A_127] {strides = array<i32>} : memref<2048xi32, #tpu.memory_space<vmem>>, vector<16xi32>,
    tpu.vector_store %arg10[%swap3A_127], %broadcast_in_dim3A_3 {strides = array<i32>} : memref<2048xi32, #tpu.memory_space<vmem>>, vector<16xi32>,
    %swap3A_129 = arith.constant 1008 : index
    %swap3A_130 = tpu.vector_load %arg10[%swap3A_129] {strides = array<i32>} : memref<2048xi32, #tpu.memory_space<vmem>>, vector<16xi32>,
    tpu.vector_store %arg10[%swap3A_129], %broadcast_in_dim3A_3 {strides = array<i32>} : memref<2048xi32, #tpu.memory_space<vmem>>, vector<16xi32>,
    %swap3A_131 = arith.constant 1024 : index
    %swap3A_132 = tpu.vector_load %arg10[%swap3A_131] {strides = array<i32>} : memref<2048xi32, #tpu.memory_space<vmem>>, vector<16xi32>,
    tpu.vector_store %arg10[%swap3A_131], %broadcast_in_dim3A_3 {strides = array<i32>} : memref<2048xi32, #tpu.memory_space<vmem>>, vector<16xi32>,
    %swap3A_133 = arith.constant 1040 : index
    %swap3A_134 = tpu.vector_load %arg10[%swap3A_133] {strides = array<i32>} : memref<2048xi32, #tpu.memory_space<vmem>>, vector<16xi32>,
    tpu.vector_store %arg10[%swap3A_133], %broadcast_in_dim3A_3 {strides = array<i32>} : memref<2048xi32, #tpu.memory_space<vmem>>, vector<16xi32>,
    %swap3A_135 = arith.constant 1056 : index
    %swap3A_136 = tpu.vector_load %arg10[%swap3A_135] {strides = array<i32>} : memref<2048xi32, #tpu.memory_space<vmem>>, vector<16xi32>,
    tpu.vector_store %arg10[%swap3A_135], %broadcast_in_dim3A_3 {strides = array<i32>} : memref<2048xi32, #tpu.memory_space<vmem>>, vector<16xi32>,
    %swap3A_137 = arith.constant 1072 : index
    %swap3A_138 = tpu.vector_load %arg10[%swap3A_137] {strides = array<i32>} : memref<2048xi32, #tpu.memory_space<vmem>>, vector<16xi32>,
    tpu.vector_store %arg10[%swap3A_137], %broadcast_in_dim3A_3 {strides = array<i32>} : memref<2048xi32, #tpu.memory_space<vmem>>, vector<16xi32>,
    %swap3A_139 = arith.constant 1088 : index
    %swap3A_140 = tpu.vector_load %arg10[%swap3A_139] {strides = array<i32>} : memref<2048xi32, #tpu.memory_space<vmem>>, vector<16xi32>,
    tpu.vector_store %arg10[%swap3A_139], %broadcast_in_dim3A_3 {strides = array<i32>} : memref<2048xi32, #tpu.memory_space<vmem>>, vector<16xi32>,
    %swap3A_141 = arith.constant 1104 : index
    %swap3A_142 = tpu.vector_load %arg10[%swap3A_141] {strides = array<i32>} : memref<2048xi32, #tpu.memory_space<vmem>>, vector<16xi32>,
    tpu.vector_store %arg10[%swap3A_141], %broadcast_in_dim3A_3 {strides = array<i32>} : memref<2048xi32, #tpu.memory_space<vmem>>, vector<16xi32>,
    %swap3A_143 = arith.constant 1120 : index
    %swap3A_144 = tpu.vector_load %arg10[%swap3A_143] {strides = array<i32>} : memref<2048xi32, #tpu.memory_space<vmem>>, vector<16xi32>,
    tpu.vector_store %arg10[%swap3A_143], %broadcast_in_dim3A_3 {strides = array<i32>} : memref<2048xi32, #tpu.memory_space<vmem>>, vector<16xi32>,
    %swap3A_145 = arith.constant 1136 : index
    %swap3A_146 = tpu.vector_load %arg10[%swap3A_145] {strides = array<i32>} : memref<2048xi32, #tpu.memory_space<vmem>>, vector<16xi32>,
    tpu.vector_store %arg10[%swap3A_145], %broadcast_in_dim3A_3 {strides = array<i32>} : memref<2048xi32, #tpu.memory_space<vmem>>, vector<16xi32>,
    %swap3A_147 = arith.constant 1152 : index
    %swap3A_148 = tpu.vector_load %arg10[%swap3A_147] {strides = array<i32>} : memref<2048xi32, #tpu.memory_space<vmem>>, vector<16xi32>,
    tpu.vector_store %arg10[%swap3A_147], %broadcast_in_dim3A_3 {strides = array<i32>} : memref<2048xi32, #tpu.memory_space<vmem>>, vector<16xi32>,
    %swap3A_149 = arith.constant 1168 : index
    %swap3A_150 = tpu.vector_load %arg10[%swap3A_149] {strides = array<i32>} : memref<2048xi32, #tpu.memory_space<vmem>>, vector<16xi32>,
    tpu.vector_store %arg10[%swap3A_149], %broadcast_in_dim3A_3 {strides = array<i32>} : memref<2048xi32, #tpu.memory_space<vmem>>, vector<16xi32>,
    %swap3A_151 = arith.constant 1184 : index
    %swap3A_152 = tpu.vector_load %arg10[%swap3A_151] {strides = array<i32>} : memref<2048xi32, #tpu.memory_space<vmem>>, vector<16xi32>,
    tpu.vector_store %arg10[%swap3A_151], %broadcast_in_dim3A_3 {strides = array<i32>} : memref<2048xi32, #tpu.memory_space<vmem>>, vector<16xi32>,
    %swap3A_153 = arith.constant 1200 : index
    %swap3A_154 = tpu.vector_load %arg10[%swap3A_153] {strides = array<i32>} : memref<2048xi32, #tpu.memory_space<vmem>>, vector<16xi32>,
    tpu.vector_store %arg10[%swap3A_153], %broadcast_in_dim3A_3 {strides = array<i32>} : memref<2048xi32, #tpu.memory_space<vmem>>, vector<16xi32>,
    %swap3A_155 = arith.constant 1216 : index
    %swap3A_156 = tpu.vector_load %arg10[%swap3A_155] {strides = array<i32>} : memref<2048xi32, #tpu.memory_space<vmem>>, vector<16xi32>,
    tpu.vector_store %arg10[%swap3A_155], %broadcast_in_dim3A_3 {strides = array<i32>} : memref<2048xi32, #tpu.memory_space<vmem>>, vector<16xi32>,
    %swap3A_157 = arith.constant 1232 : index
    %swap3A_158 = tpu.vector_load %arg10[%swap3A_157] {strides = array<i32>} : memref<2048xi32, #tpu.memory_space<vmem>>, vector<16xi32>,
    tpu.vector_store %arg10[%swap3A_157], %broadcast_in_dim3A_3 {strides = array<i32>} : memref<2048xi32, #tpu.memory_space<vmem>>, vector<16xi32>,
    %swap3A_159 = arith.constant 1248 : index
    %swap3A_160 = tpu.vector_load %arg10[%swap3A_159] {strides = array<i32>} : memref<2048xi32, #tpu.memory_space<vmem>>, vector<16xi32>,
    tpu.vector_store %arg10[%swap3A_159], %broadcast_in_dim3A_3 {strides = array<i32>} : memref<2048xi32, #tpu.memory_space<vmem>>, vector<16xi32>,
    %swap3A_161 = arith.constant 1264 : index
    %swap3A_162 = tpu.vector_load %arg10[%swap3A_161] {strides = array<i32>} : memref<2048xi32, #tpu.memory_space<vmem>>, vector<16xi32>,
    tpu.vector_store %arg10[%swap3A_161], %broadcast_in_dim3A_3 {strides = array<i32>} : memref<2048xi32, #tpu.memory_space<vmem>>, vector<16xi32>,
    %swap3A_163 = arith.constant 1280 : index
    %swap3A_164 = tpu.vector_load %arg10[%swap3A_163] {strides = array<i32>} : memref<2048xi32, #tpu.memory_space<vmem>>, vector<16xi32>,
    tpu.vector_store %arg10[%swap3A_163], %broadcast_in_dim3A_3 {strides = array<i32>} : memref<2048xi32, #tpu.memory_space<vmem>>, vector<16xi32>,
    %swap3A_165 = arith.constant 1296 : index
    %swap3A_166 = tpu.vector_load %arg10[%swap3A_165] {strides = array<i32>} : memref<2048xi32, #tpu.memory_space<vmem>>, vector<16xi32>,
    tpu.vector_store %arg10[%swap3A_165], %broadcast_in_dim3A_3 {strides = array<i32>} : memref<2048xi32, #tpu.memory_space<vmem>>, vector<16xi32>,
    %swap3A_167 = arith.constant 1312 : index
    %swap3A_168 = tpu.vector_load %arg10[%swap3A_167] {strides = array<i32>} : memref<2048xi32, #tpu.memory_space<vmem>>, vector<16xi32>,
    tpu.vector_store %arg10[%swap3A_167], %broadcast_in_dim3A_3 {strides = array<i32>} : memref<2048xi32, #tpu.memory_space<vmem>>, vector<16xi32>,
    %swap3A_169 = arith.constant 1328 : index
    %swap3A_170 = tpu.vector_load %arg10[%swap3A_169] {strides = array<i32>} : memref<2048xi32, #tpu.memory_space<vmem>>, vector<16xi32>,
    tpu.vector_store %arg10[%swap3A_169], %broadcast_in_dim3A_3 {strides = array<i32>} : memref<2048xi32, #tpu.memory_space<vmem>>, vector<16xi32>,
    %swap3A_171 = arith.constant 1344 : index
    %swap3A_172 = tpu.vector_load %arg10[%swap3A_171] {strides = array<i32>} : memref<2048xi32, #tpu.memory_space<vmem>>, vector<16xi32>,
    tpu.vector_store %arg10[%swap3A_171], %broadcast_in_dim3A_3 {strides = array<i32>} : memref<2048xi32, #tpu.memory_space<vmem>>, vector<16xi32>,
    %swap3A_173 = arith.constant 1360 : index
    %swap3A_174 = tpu.vector_load %arg10[%swap3A_173] {strides = array<i32>} : memref<2048xi32, #tpu.memory_space<vmem>>, vector<16xi32>,
    tpu.vector_store %arg10[%swap3A_173], %broadcast_in_dim3A_3 {strides = array<i32>} : memref<2048xi32, #tpu.memory_space<vmem>>, vector<16xi32>,
    %swap3A_175 = arith.constant 1376 : index
    %swap3A_176 = tpu.vector_load %arg10[%swap3A_175] {strides = array<i32>} : memref<2048xi32, #tpu.memory_space<vmem>>, vector<16xi32>,
    tpu.vector_store %arg10[%swap3A_175], %broadcast_in_dim3A_3 {strides = array<i32>} : memref<2048xi32, #tpu.memory_space<vmem>>, vector<16xi32>,
    %swap3A_177 = arith.constant 1392 : index
    %swap3A_178 = tpu.vector_load %arg10[%swap3A_177] {strides = array<i32>} : memref<2048xi32, #tpu.memory_space<vmem>>, vector<16xi32>,
    tpu.vector_store %arg10[%swap3A_177], %broadcast_in_dim3A_3 {strides = array<i32>} : memref<2048xi32, #tpu.memory_space<vmem>>, vector<16xi32>,
    %swap3A_179 = arith.constant 1408 : index
    %swap3A_180 = tpu.vector_load %arg10[%swap3A_179] {strides = array<i32>} : memref<2048xi32, #tpu.memory_space<vmem>>, vector<16xi32>,
    tpu.vector_store %arg10[%swap3A_179], %broadcast_in_dim3A_3 {strides = array<i32>} : memref<2048xi32, #tpu.memory_space<vmem>>, vector<16xi32>,
    %swap3A_181 = arith.constant 1424 : index
    %swap3A_182 = tpu.vector_load %arg10[%swap3A_181] {strides = array<i32>} : memref<2048xi32, #tpu.memory_space<vmem>>, vector<16xi32>,
    tpu.vector_store %arg10[%swap3A_181], %broadcast_in_dim3A_3 {strides = array<i32>} : memref<2048xi32, #tpu.memory_space<vmem>>, vector<16xi32>,
    %swap3A_183 = arith.constant 1440 : index
    %swap3A_184 = tpu.vector_load %arg10[%swap3A_183] {strides = array<i32>} : memref<2048xi32, #tpu.memory_space<vmem>>, vector<16xi32>,
    tpu.vector_store %arg10[%swap3A_183], %broadcast_in_dim3A_3 {strides = array<i32>} : memref<2048xi32, #tpu.memory_space<vmem>>, vector<16xi32>,
    %swap3A_185 = arith.constant 1456 : index
    %swap3A_186 = tpu.vector_load %arg10[%swap3A_185] {strides = array<i32>} : memref<2048xi32, #tpu.memory_space<vmem>>, vector<16xi32>,
    tpu.vector_store %arg10[%swap3A_185], %broadcast_in_dim3A_3 {strides = array<i32>} : memref<2048xi32, #tpu.memory_space<vmem>>, vector<16xi32>,
    %swap3A_187 = arith.constant 1472 : index
    %swap3A_188 = tpu.vector_load %arg10[%swap3A_187] {strides = array<i32>} : memref<2048xi32, #tpu.memory_space<vmem>>, vector<16xi32>,
    tpu.vector_store %arg10[%swap3A_187], %broadcast_in_dim3A_3 {strides = array<i32>} : memref<2048xi32, #tpu.memory_space<vmem>>, vector<16xi32>,
    %swap3A_189 = arith.constant 1488 : index
    %swap3A_190 = tpu.vector_load %arg10[%swap3A_189] {strides = array<i32>} : memref<2048xi32, #tpu.memory_space<vmem>>, vector<16xi32>,
    tpu.vector_store %arg10[%swap3A_189], %broadcast_in_dim3A_3 {strides = array<i32>} : memref<2048xi32, #tpu.memory_space<vmem>>, vector<16xi32>,
    %swap3A_191 = arith.constant 1504 : index
    %swap3A_192 = tpu.vector_load %arg10[%swap3A_191] {strides = array<i32>} : memref<2048xi32, #tpu.memory_space<vmem>>, vector<16xi32>,
    tpu.vector_store %arg10[%swap3A_191], %broadcast_in_dim3A_3 {strides = array<i32>} : memref<2048xi32, #tpu.memory_space<vmem>>, vector<16xi32>,
    %swap3A_193 = arith.constant 1520 : index
    %swap3A_194 = tpu.vector_load %arg10[%swap3A_193] {strides = array<i32>} : memref<2048xi32, #tpu.memory_space<vmem>>, vector<16xi32>,
    tpu.vector_store %arg10[%swap3A_193], %broadcast_in_dim3A_3 {strides = array<i32>} : memref<2048xi32, #tpu.memory_space<vmem>>, vector<16xi32>,
    %swap3A_195 = arith.constant 1536 : index
    %swap3A_196 = tpu.vector_load %arg10[%swap3A_195] {strides = array<i32>} : memref<2048xi32, #tpu.memory_space<vmem>>, vector<16xi32>,
    tpu.vector_store %arg10[%swap3A_195], %broadcast_in_dim3A_3 {strides = array<i32>} : memref<2048xi32, #tpu.memory_space<vmem>>, vector<16xi32>,
    %swap3A_197 = arith.constant 1552 : index
    %swap3A_198 = tpu.vector_load %arg10[%swap3A_197] {strides = array<i32>} : memref<2048xi32, #tpu.memory_space<vmem>>, vector<16xi32>,
    tpu.vector_store %arg10[%swap3A_197], %broadcast_in_dim3A_3 {strides = array<i32>} : memref<2048xi32, #tpu.memory_space<vmem>>, vector<16xi32>,
    %swap3A_199 = arith.constant 1568 : index
    %swap3A_200 = tpu.vector_load %arg10[%swap3A_199] {strides = array<i32>} : memref<2048xi32, #tpu.memory_space<vmem>>, vector<16xi32>,
    tpu.vector_store %arg10[%swap3A_199], %broadcast_in_dim3A_3 {strides = array<i32>} : memref<2048xi32, #tpu.memory_space<vmem>>, vector<16xi32>,
    %swap3A_201 = arith.constant 1584 : index
    %swap3A_202 = tpu.vector_load %arg10[%swap3A_201] {strides = array<i32>} : memref<2048xi32, #tpu.memory_space<vmem>>, vector<16xi32>,
    tpu.vector_store %arg10[%swap3A_201], %broadcast_in_dim3A_3 {strides = array<i32>} : memref<2048xi32, #tpu.memory_space<vmem>>, vector<16xi32>,
    %swap3A_203 = arith.constant 1600 : index
    %swap3A_204 = tpu.vector_load %arg10[%swap3A_203] {strides = array<i32>} : memref<2048xi32, #tpu.memory_space<vmem>>, vector<16xi32>,
    tpu.vector_store %arg10[%swap3A_203], %broadcast_in_dim3A_3 {strides = array<i32>} : memref<2048xi32, #tpu.memory_space<vmem>>, vector<16xi32>,
    %swap3A_205 = arith.constant 1616 : index
    %swap3A_206 = tpu.vector_load %arg10[%swap3A_205] {strides = array<i32>} : memref<2048xi32, #tpu.memory_space<vmem>>, vector<16xi32>,
    tpu.vector_store %arg10[%swap3A_205], %broadcast_in_dim3A_3 {strides = array<i32>} : memref<2048xi32, #tpu.memory_space<vmem>>, vector<16xi32>,
    %swap3A_207 = arith.constant 1632 : index
    %swap3A_208 = tpu.vector_load %arg10[%swap3A_207] {strides = array<i32>} : memref<2048xi32, #tpu.memory_space<vmem>>, vector<16xi32>,
    tpu.vector_store %arg10[%swap3A_207], %broadcast_in_dim3A_3 {strides = array<i32>} : memref<2048xi32, #tpu.memory_space<vmem>>, vector<16xi32>,
    %swap3A_209 = arith.constant 1648 : index
    %swap3A_210 = tpu.vector_load %arg10[%swap3A_209] {strides = array<i32>} : memref<2048xi32, #tpu.memory_space<vmem>>, vector<16xi32>,
    tpu.vector_store %arg10[%swap3A_209], %broadcast_in_dim3A_3 {strides = array<i32>} : memref<2048xi32, #tpu.memory_space<vmem>>, vector<16xi32>,
    %swap3A_211 = arith.constant 1664 : index
    %swap3A_212 = tpu.vector_load %arg10[%swap3A_211] {strides = array<i32>} : memref<2048xi32, #tpu.memory_space<vmem>>, vector<16xi32>,
    tpu.vector_store %arg10[%swap3A_211], %broadcast_in_dim3A_3 {strides = array<i32>} : memref<2048xi32, #tpu.memory_space<vmem>>, vector<16xi32>,
    %swap3A_213 = arith.constant 1680 : index
    %swap3A_214 = tpu.vector_load %arg10[%swap3A_213] {strides = array<i32>} : memref<2048xi32, #tpu.memory_space<vmem>>, vector<16xi32>,
    tpu.vector_store %arg10[%swap3A_213], %broadcast_in_dim3A_3 {strides = array<i32>} : memref<2048xi32, #tpu.memory_space<vmem>>, vector<16xi32>,
    %swap3A_215 = arith.constant 1696 : index
    %swap3A_216 = tpu.vector_load %arg10[%swap3A_215] {strides = array<i32>} : memref<2048xi32, #tpu.memory_space<vmem>>, vector<16xi32>,
    tpu.vector_store %arg10[%swap3A_215], %broadcast_in_dim3A_3 {strides = array<i32>} : memref<2048xi32, #tpu.memory_space<vmem>>, vector<16xi32>,
    %swap3A_217 = arith.constant 1712 : index
    %swap3A_218 = tpu.vector_load %arg10[%swap3A_217] {strides = array<i32>} : memref<2048xi32, #tpu.memory_space<vmem>>, vector<16xi32>,
    tpu.vector_store %arg10[%swap3A_217], %broadcast_in_dim3A_3 {strides = array<i32>} : memref<2048xi32, #tpu.memory_space<vmem>>, vector<16xi32>,
    %swap3A_219 = arith.constant 1728 : index
    %swap3A_220 = tpu.vector_load %arg10[%swap3A_219] {strides = array<i32>} : memref<2048xi32, #tpu.memory_space<vmem>>, vector<16xi32>,
    tpu.vector_store %arg10[%swap3A_219], %broadcast_in_dim3A_3 {strides = array<i32>} : memref<2048xi32, #tpu.memory_space<vmem>>, vector<16xi32>,
    %swap3A_221 = arith.constant 1744 : index
    %swap3A_222 = tpu.vector_load %arg10[%swap3A_221] {strides = array<i32>} : memref<2048xi32, #tpu.memory_space<vmem>>, vector<16xi32>,
    tpu.vector_store %arg10[%swap3A_221], %broadcast_in_dim3A_3 {strides = array<i32>} : memref<2048xi32, #tpu.memory_space<vmem>>, vector<16xi32>,
    %swap3A_223 = arith.constant 1760 : index
    %swap3A_224 = tpu.vector_load %arg10[%swap3A_223] {strides = array<i32>} : memref<2048xi32, #tpu.memory_space<vmem>>, vector<16xi32>,
    tpu.vector_store %arg10[%swap3A_223], %broadcast_in_dim3A_3 {strides = array<i32>} : memref<2048xi32, #tpu.memory_space<vmem>>, vector<16xi32>,
    %swap3A_225 = arith.constant 1776 : index
    %swap3A_226 = tpu.vector_load %arg10[%swap3A_225] {strides = array<i32>} : memref<2048xi32, #tpu.memory_space<vmem>>, vector<16xi32>,
    tpu.vector_store %arg10[%swap3A_225], %broadcast_in_dim3A_3 {strides = array<i32>} : memref<2048xi32, #tpu.memory_space<vmem>>, vector<16xi32>,
    %swap3A_227 = arith.constant 1792 : index
    %swap3A_228 = tpu.vector_load %arg10[%swap3A_227] {strides = array<i32>} : memref<2048xi32, #tpu.memory_space<vmem>>, vector<16xi32>,
    tpu.vector_store %arg10[%swap3A_227], %broadcast_in_dim3A_3 {strides = array<i32>} : memref<2048xi32, #tpu.memory_space<vmem>>, vector<16xi32>,
    %swap3A_229 = arith.constant 1808 : index
    %swap3A_230 = tpu.vector_load %arg10[%swap3A_229] {strides = array<i32>} : memref<2048xi32, #tpu.memory_space<vmem>>, vector<16xi32>,
    tpu.vector_store %arg10[%swap3A_229], %broadcast_in_dim3A_3 {strides = array<i32>} : memref<2048xi32, #tpu.memory_space<vmem>>, vector<16xi32>,
    %swap3A_231 = arith.constant 1824 : index
    %swap3A_232 = tpu.vector_load %arg10[%swap3A_231] {strides = array<i32>} : memref<2048xi32, #tpu.memory_space<vmem>>, vector<16xi32>,
    tpu.vector_store %arg10[%swap3A_231], %broadcast_in_dim3A_3 {strides = array<i32>} : memref<2048xi32, #tpu.memory_space<vmem>>, vector<16xi32>,
    %swap3A_233 = arith.constant 1840 : index
    %swap3A_234 = tpu.vector_load %arg10[%swap3A_233] {strides = array<i32>} : memref<2048xi32, #tpu.memory_space<vmem>>, vector<16xi32>,
    tpu.vector_store %arg10[%swap3A_233], %broadcast_in_dim3A_3 {strides = array<i32>} : memref<2048xi32, #tpu.memory_space<vmem>>, vector<16xi32>,
    %swap3A_235 = arith.constant 1856 : index
    %swap3A_236 = tpu.vector_load %arg10[%swap3A_235] {strides = array<i32>} : memref<2048xi32, #tpu.memory_space<vmem>>, vector<16xi32>,
    tpu.vector_store %arg10[%swap3A_235], %broadcast_in_dim3A_3 {strides = array<i32>} : memref<2048xi32, #tpu.memory_space<vmem>>, vector<16xi32>,
    %swap3A_237 = arith.constant 1872 : index
    %swap3A_238 = tpu.vector_load %arg10[%swap3A_237] {strides = array<i32>} : memref<2048xi32, #tpu.memory_space<vmem>>, vector<16xi32>,
    tpu.vector_store %arg10[%swap3A_237], %broadcast_in_dim3A_3 {strides = array<i32>} : memref<2048xi32, #tpu.memory_space<vmem>>, vector<16xi32>,
    %swap3A_239 = arith.constant 1888 : index
    %swap3A_240 = tpu.vector_load %arg10[%swap3A_239] {strides = array<i32>} : memref<2048xi32, #tpu.memory_space<vmem>>, vector<16xi32>,
    tpu.vector_store %arg10[%swap3A_239], %broadcast_in_dim3A_3 {strides = array<i32>} : memref<2048xi32, #tpu.memory_space<vmem>>, vector<16xi32>,
    %swap3A_241 = arith.constant 1904 : index
    %swap3A_242 = tpu.vector_load %arg10[%swap3A_241] {strides = array<i32>} : memref<2048xi32, #tpu.memory_space<vmem>>, vector<16xi32>,
    tpu.vector_store %arg10[%swap3A_241], %broadcast_in_dim3A_3 {strides = array<i32>} : memref<2048xi32, #tpu.memory_space<vmem>>, vector<16xi32>,
    %swap3A_243 = arith.constant 1920 : index
    %swap3A_244 = tpu.vector_load %arg10[%swap3A_243] {strides = array<i32>} : memref<2048xi32, #tpu.memory_space<vmem>>, vector<16xi32>,
    tpu.vector_store %arg10[%swap3A_243], %broadcast_in_dim3A_3 {strides = array<i32>} : memref<2048xi32, #tpu.memory_space<vmem>>, vector<16xi32>,
    %swap3A_245 = arith.constant 1936 : index
    %swap3A_246 = tpu.vector_load %arg10[%swap3A_245] {strides = array<i32>} : memref<2048xi32, #tpu.memory_space<vmem>>, vector<16xi32>,
    tpu.vector_store %arg10[%swap3A_245], %broadcast_in_dim3A_3 {strides = array<i32>} : memref<2048xi32, #tpu.memory_space<vmem>>, vector<16xi32>,
    %swap3A_247 = arith.constant 1952 : index
    %swap3A_248 = tpu.vector_load %arg10[%swap3A_247] {strides = array<i32>} : memref<2048xi32, #tpu.memory_space<vmem>>, vector<16xi32>,
    tpu.vector_store %arg10[%swap3A_247], %broadcast_in_dim3A_3 {strides = array<i32>} : memref<2048xi32, #tpu.memory_space<vmem>>, vector<16xi32>,
    %swap3A_249 = arith.constant 1968 : index
    %swap3A_250 = tpu.vector_load %arg10[%swap3A_249] {strides = array<i32>} : memref<2048xi32, #tpu.memory_space<vmem>>, vector<16xi32>,
    tpu.vector_store %arg10[%swap3A_249], %broadcast_in_dim3A_3 {strides = array<i32>} : memref<2048xi32, #tpu.memory_space<vmem>>, vector<16xi32>,
    %swap3A_251 = arith.constant 1984 : index
    %swap3A_252 = tpu.vector_load %arg10[%swap3A_251] {strides = array<i32>} : memref<2048xi32, #tpu.memory_space<vmem>>, vector<16xi32>,
    tpu.vector_store %arg10[%swap3A_251], %broadcast_in_dim3A_3 {strides = array<i32>} : memref<2048xi32, #tpu.memory_space<vmem>>, vector<16xi32>,
    %swap3A_253 = arith.constant 2000 : index
    %swap3A_254 = tpu.vector_load %arg10[%swap3A_253] {strides = array<i32>} : memref<2048xi32, #tpu.memory_space<vmem>>, vector<16xi32>,
    tpu.vector_store %arg10[%swap3A_253], %broadcast_in_dim3A_3 {strides = array<i32>} : memref<2048xi32, #tpu.memory_space<vmem>>, vector<16xi32>,
    %swap3A_255 = arith.constant 2016 : index
    %swap3A_256 = tpu.vector_load %arg10[%swap3A_255] {strides = array<i32>} : memref<2048xi32, #tpu.memory_space<vmem>>, vector<16xi32>,
    tpu.vector_store %arg10[%swap3A_255], %broadcast_in_dim3A_3 {strides = array<i32>} : memref<2048xi32, #tpu.memory_space<vmem>>, vector<16xi32>,
    %swap3A_257 = arith.constant 2032 : index
    %swap3A_258 = tpu.vector_load %arg10[%swap3A_257] {strides = array<i32>} : memref<2048xi32, #tpu.memory_space<vmem>>, vector<16xi32>,
    tpu.vector_store %arg10[%swap3A_257], %broadcast_in_dim3A_3 {strides = array<i32>} : memref<2048xi32, #tpu.memory_space<vmem>>, vector<16xi32>,
    %scan3A = arith.constant 0 : i32
    %scan3A_259 = arith.constant 0 : i32
    %scan3A_260 = arith.constant 16 : i32
    %scan3A_261 = arith.addi %scan3A_259, %scan3A_260 : i32
    %scan3A_262 = arith.constant 1 : i32
    scf.for %scan3A_264 = %scan3A_259 to %scan3A_261 step %scan3A_262  : i32 {
      %mul3A_265 = arith.constant 8 : i32
      %mul3A_266 = arith.muli %scan3A_264, %mul3A_265 : i32
      %add3A_267 = arith.addi %mul3A_2, %mul3A_266 : i32
      %scan3A_268 = arith.constant 0 : i32
      %scan3A_269 = arith.constant 0 : i32
      %scan3A_270 = arith.constant 8 : i32
      %scan3A_271 = arith.addi %scan3A_269, %scan3A_270 : i32
      %scan3A_272 = arith.constant 1 : i32
      scf.for %scan3A_316 = %scan3A_269 to %scan3A_271 step %scan3A_272  : i32 {
        %add3A_317 = arith.addi %add3A_267, %scan3A_316 : i32
        %dma_start3A = arith.constant 0 : i32
        %dma_start3A_318 = tpu.memref_slice %arg9[%scan3A_316, %dma_start3A] : memref<8x256xi32, #tpu.memory_space<vmem>> -> memref<1x256xi32, #tpu.memory_space<vmem>>
        %dma_start3A_319 = tpu.memref_squeeze %dma_start3A_318 : memref<1x256xi32, #tpu.memory_space<vmem>> -> memref<256xi32, #tpu.memory_space<vmem>>
        %dma_start3A_320 = arith.constant 0 : i32
        %dma_start3A_321 = tpu.memref_slice %arg3[%add3A_317, %dma_start3A_320] : memref<4096x256xi32, #tpu.memory_space<hbm>> -> memref<1x256xi32, #tpu.memory_space<hbm>>
        %dma_start3A_322 = tpu.memref_squeeze %dma_start3A_321 : memref<1x256xi32, #tpu.memory_space<hbm>> -> memref<256xi32, #tpu.memory_space<hbm>>
        %dma_start3A_323 = arith.constant 0 : i32
        %dma_start3A_324 = tpu.memref_slice %arg9[%scan3A_316, %dma_start3A_323] : memref<8x256xi32, #tpu.memory_space<vmem>> -> memref<1x256xi32, #tpu.memory_space<vmem>>
        %dma_start3A_325 = tpu.memref_squeeze %dma_start3A_324 : memref<1x256xi32, #tpu.memory_space<vmem>> -> memref<256xi32, #tpu.memory_space<vmem>>
        %dma_start3A_326 = arith.constant 0 : i32
        %dma_start3A_327 = tpu.memref_slice %arg3[%add3A_317, %dma_start3A_326] : memref<4096x256xi32, #tpu.memory_space<hbm>> -> memref<1x256xi32, #tpu.memory_space<hbm>>
        %dma_start3A_328 = tpu.memref_squeeze %dma_start3A_327 : memref<1x256xi32, #tpu.memory_space<hbm>> -> memref<256xi32, #tpu.memory_space<hbm>>
        tpu.enqueue_dma source(%dma_start3A_328 : memref<256xi32, #tpu.memory_space<hbm>>) target(%dma_start3A_325 : memref<256xi32, #tpu.memory_space<vmem>>) target_semaphore(%arg19 : memref<!tpu.dma_semaphore, #tpu.memory_space<semaphore_mem>>)
      }
      %scan3A_273 = arith.constant 8 : i32
      %scan3A_274 = arith.constant 0 : i32
      %scan3A_275 = arith.constant 0 : i32
      %scan3A_276 = arith.constant 8 : i32
      %scan3A_277 = arith.addi %scan3A_275, %scan3A_276 : i32
      %scan3A_278 = arith.constant 1 : i32
      scf.for %scan3A_316 = %scan3A_275 to %scan3A_277 step %scan3A_278  : i32 {
        %add3A_317 = arith.addi %add3A_267, %scan3A_316 : i32
        %dma_wait3A = arith.constant 0 : i32
        %dma_wait3A_318 = tpu.memref_slice %arg9[%scan3A_316, %dma_wait3A] : memref<8x256xi32, #tpu.memory_space<vmem>> -> memref<1x256xi32, #tpu.memory_space<vmem>>
        %dma_wait3A_319 = tpu.memref_squeeze %dma_wait3A_318 : memref<1x256xi32, #tpu.memory_space<vmem>> -> memref<256xi32, #tpu.memory_space<vmem>>
        %dma_wait3A_320 = arith.constant 0 : i32
        %dma_wait3A_321 = tpu.memref_slice %arg3[%add3A_317, %dma_wait3A_320] : memref<4096x256xi32, #tpu.memory_space<hbm>> -> memref<1x256xi32, #tpu.memory_space<hbm>>
        %dma_wait3A_322 = tpu.memref_squeeze %dma_wait3A_321 : memref<1x256xi32, #tpu.memory_space<hbm>> -> memref<256xi32, #tpu.memory_space<hbm>>
        %dma_wait3A_323 = arith.constant 0 : i32
        %dma_wait3A_324 = tpu.memref_slice %arg9[%scan3A_316, %dma_wait3A_323] : memref<8x256xi32, #tpu.memory_space<vmem>> -> memref<1x256xi32, #tpu.memory_space<vmem>>
        %dma_wait3A_325 = tpu.memref_squeeze %dma_wait3A_324 : memref<1x256xi32, #tpu.memory_space<vmem>> -> memref<256xi32, #tpu.memory_space<vmem>>
        %dma_wait3A_326 = arith.constant 0 : i32
        %dma_wait3A_327 = tpu.memref_slice %arg3[%add3A_317, %dma_wait3A_326] : memref<4096x256xi32, #tpu.memory_space<hbm>> -> memref<1x256xi32, #tpu.memory_space<hbm>>
        %dma_wait3A_328 = tpu.memref_squeeze %dma_wait3A_327 : memref<1x256xi32, #tpu.memory_space<hbm>> -> memref<256xi32, #tpu.memory_space<hbm>>
        tpu.wait_dma2 semaphore(%arg19 : memref<!tpu.dma_semaphore, #tpu.memory_space<semaphore_mem>>) src(%dma_wait3A_328 : memref<256xi32, #tpu.memory_space<hbm>>) dst(%dma_wait3A_325 : memref<256xi32, #tpu.memory_space<vmem>>)
      }
      %scan3A_279 = arith.constant 8 : i32
      %scan3A_280 = arith.constant 0 : i32
      %scan3A_281 = arith.constant 0 : i32
      %scan3A_282 = arith.constant 8 : i32
      %scan3A_283 = arith.addi %scan3A_281, %scan3A_282 : i32
      %scan3A_284 = arith.constant 1 : i32
      scf.for %scan3A_316 = %scan3A_281 to %scan3A_283 step %scan3A_284  : i32 {
        %add3A_317 = arith.addi %add3A_267, %scan3A_316 : i32
        %add3A_318 = arith.addi %mul3A_266, %scan3A_316 : i32
        %broadcast_in_dim3A_319 = vector.broadcast %add3A_318 : i32 to vector<16xi32>
        %gather3A = tpu.vector_load_idx %arg14[%broadcast_in_dim3A_319] : memref<128xi32, #tpu.memory_space<vmem>>[vector<16xi32>], vector<16xi32>,
        %scan3A_320 = arith.constant 0 : i32
        %scan3A_321 = arith.constant 16 : i32
        %scan3A_322 = arith.addi %scan3A_320, %scan3A_321 : i32
        %scan3A_323 = arith.constant 1 : i32
        %scan3A_324 = scf.for %scan3A_338 = %scan3A_320 to %scan3A_322 step %scan3A_323 iter_args(%scan3A_339 = %broadcast_in_dim3A_3) -> (vector<16xi32>)  : i32 {
          %broadcast_in_dim3A_340 = vector.broadcast %scan3A_316 : i32 to vector<16xi32>
          %mul3A_341 = arith.constant 16 : i32
          %mul3A_342 = arith.muli %scan3A_338, %mul3A_341 : i32
          %add3A_343 = vector.broadcast %mul3A_342 : i32 to vector<16xi32>
          %add3A_344 = arith.addi %add3A_343, %iota3A : vector<16xi32>
          %gather3A_345 = tpu.vector_load_idx %arg9[%broadcast_in_dim3A_340, %add3A_344] : memref<8x256xi32, #tpu.memory_space<vmem>>[vector<16xi32>, vector<16xi32>], vector<16xi32>,
          %le3A = arith.cmpi sle, %gather3A_345, %gather3A : vector<16xi32>
          %convert_element_type3A = arith.extui %le3A : vector<16xi1> to vector<16xi32>
          %broadcast_in_dim3A_346 = arith.constant true
          %broadcast_in_dim3A_347 = vector.broadcast %broadcast_in_dim3A_346 : i1 to vector<16xi1>
          %masked_cumsum3A = tpu.scan <sum>, %convert_element_type3A masked %broadcast_in_dim3A_347 : vector<16xi32>, vector<16xi1> -> vector<16xi32>
          %mul3A_348 = arith.constant 256 : i32
          %mul3A_349 = arith.muli %scan3A_316, %mul3A_348 : i32
          %add3A_350 = vector.broadcast %mul3A_349 : i32 to vector<16xi32>
          %add3A_351 = arith.addi %add3A_350, %scan3A_339 : vector<16xi32>
          %add3A_352 = arith.addi %add3A_351, %masked_cumsum3A : vector<16xi32>
          %sub3A = arith.constant 1 : i32
          %sub3A_353 = vector.broadcast %sub3A : i32 to vector<16xi32>
          %sub3A_354 = arith.subi %add3A_352, %sub3A_353 : vector<16xi32>
          %mul3A_355 = arith.constant 256 : i32
          %mul3A_356 = arith.muli %add3A_317, %mul3A_355 : i32
          %mul3A_357 = arith.constant 16 : i32
          %mul3A_358 = arith.muli %scan3A_338, %mul3A_357 : i32
          %add3A_359 = arith.addi %mul3A_356, %mul3A_358 : i32
          %add3A_360 = vector.broadcast %add3A_359 : i32 to vector<16xi32>
          %add3A_361 = arith.addi %add3A_360, %iota3A : vector<16xi32>
          tpu.vector_store_idx %arg10[%sub3A_354], %add3A_361 masked %le3A : memref<2048xi32, #tpu.memory_space<vmem>>[vector<16xi32>], vector<16xi32>, vector<16xi1>
          %broadcast_in_dim3A_362 = arith.constant 15 : i32
          %broadcast_in_dim3A_363 = vector.broadcast %broadcast_in_dim3A_362 : i32 to vector<16xi32>
          %lt3A = arith.constant 0 : i32
          %lt3A_364 = vector.broadcast %lt3A : i32 to vector<16xi32>
          %lt3A_365 = arith.cmpi slt, %broadcast_in_dim3A_363, %lt3A_364 : vector<16xi32>
          %add3A_366 = arith.constant 16 : i32
          %add3A_367 = vector.broadcast %add3A_366 : i32 to vector<16xi32>
          %add3A_368 = arith.addi %broadcast_in_dim3A_363, %add3A_367 : vector<16xi32>
          %select_n3A = arith.select %lt3A_365, %add3A_368, %broadcast_in_dim3A_363 : vector<16xi1>, vector<16xi32>
          %broadcast_in_dim3A_369 = vector.shape_cast %select_n3A : vector<16xi32> to vector<16x1xi32>
          %gather3A_370 = vector.shape_cast %broadcast_in_dim3A_369 : vector<16x1xi32> to vector<16xi32>
          %gather3A_371 = tpu.dynamic_gather %masked_cumsum3A[%gather3A_370] in [0] : vector<16xi32>, vector<16xi32> -> vector<16xi32>
          %add3A_372 = arith.addi %scan3A_339, %gather3A_371 : vector<16xi32>
          scf.yield %add3A_372 : vector<16xi32>
        }
        %scan3A_325 = arith.constant 16 : i32
        %broadcast_in_dim3A_326 = vector.broadcast %scan3A_316 : i32 to vector<16xi32>
        %eq3A = arith.constant 0 : i32
        %eq3A_327 = vector.broadcast %eq3A : i32 to vector<16xi32>
        %eq3A_328 = arith.cmpi eq, %iota3A, %eq3A_327 : vector<16xi32>
        tpu.vector_store_idx %arg13[%broadcast_in_dim3A_326], %scan3A_324 masked %eq3A_328 : memref<8xi32, #tpu.memory_space<vmem>>[vector<16xi32>], vector<16xi32>, vector<16xi1>
        %mul3A_329 = arith.constant 256 : i32
        %mul3A_330 = arith.muli %scan3A_316, %mul3A_329 : i32
        %mul3A_331 = arith.constant 64 : i32
        %mul3A_332 = arith.muli %scan3A_316, %mul3A_331 : i32
        %dma_start3A = arith.constant 0 : i32
        %dma_start3A_333 = tpu.memref_slice %arg11[%mul3A_332, %dma_start3A] : memref<512x16xi32, #tpu.memory_space<vmem>> -> memref<64x16xi32, #tpu.memory_space<vmem>>
        %dma_start3A_334 = tpu.memref_slice %arg10[%mul3A_330] : memref<2048xi32, #tpu.memory_space<vmem>> -> memref<64xi32, #tpu.memory_space<vmem>>
        %dma_start3A_335 = arith.constant 0 : i32
        %dma_start3A_336 = arith.constant 0 : i32
        %dma_start3A_337 = tpu.memref_slice %arg2[%dma_start3A_335, %dma_start3A_336] : memref<1048576x16xi32, #tpu.memory_space<hbm>> -> memref<1048576x16xi32, #tpu.memory_space<hbm>>
        tpu.enqueue_indirect_dma source(%dma_start3A_337 : memref<1048576x16xi32, #tpu.memory_space<hbm>>) target(%dma_start3A_333 : memref<64x16xi32, #tpu.memory_space<vmem>>) offsets(%dma_start3A_334 : memref<64xi32, #tpu.memory_space<vmem>>) semaphore(%arg20 : memref<!tpu.dma_semaphore, #tpu.memory_space<semaphore_mem>>)
      }
      %scan3A_285 = arith.constant 8 : i32
      %scan3A_286 = arith.constant 0 : i32
      %scan3A_287 = arith.constant 0 : i32
      %scan3A_288 = arith.constant 8 : i32
      %scan3A_289 = arith.addi %scan3A_287, %scan3A_288 : i32
      %scan3A_290 = arith.constant 1 : i32
      scf.for %scan3A_316 = %scan3A_287 to %scan3A_289 step %scan3A_290  : i32 {
        %mul3A_317 = arith.constant 256 : i32
        %mul3A_318 = arith.muli %scan3A_316, %mul3A_317 : i32
        %mul3A_319 = arith.constant 64 : i32
        %mul3A_320 = arith.muli %scan3A_316, %mul3A_319 : i32
        %dma_wait3A = arith.constant 0 : i32
        %dma_wait3A_321 = tpu.memref_slice %arg11[%mul3A_320, %dma_wait3A] : memref<512x16xi32, #tpu.memory_space<vmem>> -> memref<64x16xi32, #tpu.memory_space<vmem>>
        %dma_wait3A_322 = tpu.memref_slice %arg10[%mul3A_318] : memref<2048xi32, #tpu.memory_space<vmem>> -> memref<64xi32, #tpu.memory_space<vmem>>
        %dma_wait3A_323 = arith.constant 0 : i32
        %dma_wait3A_324 = arith.constant 0 : i32
        %dma_wait3A_325 = tpu.memref_slice %arg2[%dma_wait3A_323, %dma_wait3A_324] : memref<1048576x16xi32, #tpu.memory_space<hbm>> -> memref<1048576x16xi32, #tpu.memory_space<hbm>>
        tpu.wait_indirect_dma semaphore(%arg20 : memref<!tpu.dma_semaphore, #tpu.memory_space<semaphore_mem>>) src(%dma_wait3A_325 : memref<1048576x16xi32, #tpu.memory_space<hbm>>) dst(%dma_wait3A_321 : memref<64x16xi32, #tpu.memory_space<vmem>>)
      }
      %scan3A_291 = arith.constant 8 : i32
      %scan3A_292 = arith.constant 0 : i32
      %scan3A_293 = arith.constant 0 : i32
      %scan3A_294 = arith.constant 8 : i32
      %scan3A_295 = arith.addi %scan3A_293, %scan3A_294 : i32
      %scan3A_296 = arith.constant 1 : i32
      scf.for %scan3A_316 = %scan3A_293 to %scan3A_295 step %scan3A_296  : i32 {
        %add3A_317 = arith.addi %add3A_267, %scan3A_316 : i32
        %jit3A = arith.constant 512 : i32
        %div3A = arith.divsi %add3A_317, %jit3A : i32
        %sign3A = arith.constant 0 : i32
        %sign3A_318 = arith.cmpi sgt, %add3A_317, %sign3A : i32
        %sign3A_319 = arith.extui %sign3A_318 : i1 to i32
        %sign3A_320 = arith.constant 0 : i32
        %sign3A_321 = arith.cmpi slt, %add3A_317, %sign3A_320 : i32
        %sign3A_322 = arith.extui %sign3A_321 : i1 to i32
        %sign3A_323 = arith.subi %sign3A_319, %sign3A_322 : i32
        %sign3A_324 = arith.constant 0 : i32
        %sign3A_325 = arith.cmpi sgt, %jit3A, %sign3A_324 : i32
        %sign3A_326 = arith.extui %sign3A_325 : i1 to i32
        %sign3A_327 = arith.constant 0 : i32
        %sign3A_328 = arith.cmpi slt, %jit3A, %sign3A_327 : i32
        %sign3A_329 = arith.extui %sign3A_328 : i1 to i32
        %sign3A_330 = arith.subi %sign3A_326, %sign3A_329 : i32
        %ne3A = arith.cmpi ne, %sign3A_323, %sign3A_330 : i32
        %rem3A = arith.remsi %add3A_317, %jit3A : i32
        %ne3A_331 = arith.constant 0 : i32
        %ne3A_332 = arith.cmpi ne, %rem3A, %ne3A_331 : i32
        %and3A = arith.andi %ne3A, %ne3A_332 : i1
        %sub3A = arith.constant 1 : i32
        %sub3A_333 = arith.subi %div3A, %sub3A : i32
        %select_n3A = arith.select %and3A, %sub3A_333, %div3A : i32
        %mul3A_334 = arith.constant 4096 : i32
        %mul3A_335 = arith.muli %select_n3A, %mul3A_334 : i32
        %add3A_336 = arith.addi %mul3A_266, %scan3A_316 : i32
        %broadcast_in_dim3A_337 = vector.broadcast %add3A_336 : i32 to vector<16xi32>
        %gather3A = tpu.vector_load_idx %arg14[%broadcast_in_dim3A_337] : memref<128xi32, #tpu.memory_space<vmem>>[vector<16xi32>], vector<16xi32>,
        %broadcast_in_dim3A_338 = vector.broadcast %scan3A_316 : i32 to vector<16xi32>
        %gather3A_339 = tpu.vector_load_idx %arg13[%broadcast_in_dim3A_338] : memref<8xi32, #tpu.memory_space<vmem>>[vector<16xi32>], vector<16xi32>,
        %reduce_max3A = arith.constant true
        %reduce_max3A_340 = vector.broadcast %reduce_max3A : i1 to vector<16xi1>
        %reduce_max3A_341 = arith.constant -2147483648 : i32
        %reduce_max3A_342 = vector.broadcast %reduce_max3A_341 : i32 to vector<16xi32>
        %reduce_max3A_343 = arith.xori %gather3A_339, %reduce_max3A_342 : vector<16xi32>
        %reduce_max3A_344 = tpu.scan <max>, %reduce_max3A_343 masked %reduce_max3A_340 : vector<16xi32>, vector<16xi1> -> vector<16xi32>
        %reduce_max3A_345 = arith.xori %reduce_max3A_344, %reduce_max3A_342 : vector<16xi32>
        %reduce_max3A_346 = vector.extract %reduce_max3A_345[15] : i32 from vector<16xi32>
        %le3A = arith.constant 64 : i32
        %le3A_347 = arith.cmpi sle, %reduce_max3A_346, %le3A : i32
        %convert_element_type3A = arith.extui %le3A_347 : i1 to i32
        %cond3A = arith.constant 0 : i32
        %cond3A_348 = arith.cmpi ne, %convert_element_type3A, %cond3A : i32
        %cond3A_349:2 = scf.if %cond3A_348 -> (vector<16xi32>, vector<16xi32>) {
          %mul3A_375 = arith.constant 64 : i32
          %mul3A_376 = arith.muli %scan3A_316, %mul3A_375 : i32
          %while3A = arith.constant 0 : i32
          %while3A_377 = arith.subi %reduce_max3A_346, %while3A : i32
          %while3A_378 = arith.addi %while3A, %while3A_377 : i32
          %while3A_379 = arith.constant 1 : i32
          %while3A_380 = arith.divsi %while3A_377, %while3A_379 : i32
          %while3A_381 = arith.muli %while3A_380, %while3A_379 : i32
          %while3A_382 = arith.addi %while3A, %while3A_381 : i32
          %while3A_383 = arith.constant 1 : i32
          %while3A_384:2 = scf.for %while3A_387 = %while3A to %while3A_382 step %while3A_383 iter_args(%while3A_388 = %broadcast_in_dim3A_3, %while3A_389 = %broadcast_in_dim3A_3) -> (vector<16xi32>, vector<16xi32>)  : i32 {
            %broadcast_in_dim3A_390 = vector.broadcast %while3A_387 : i32 to vector<16xi32>
            %add3A_391 = vector.broadcast %mul3A_376 : i32 to vector<16xi32>
            %add3A_392 = arith.addi %add3A_391, %broadcast_in_dim3A_390 : vector<16xi32>
            %gather3A_393 = tpu.vector_load_idx %arg11[%add3A_392, %iota3A] : memref<512x16xi32, #tpu.memory_space<vmem>>[vector<16xi32>, vector<16xi32>], vector<16xi32>,
            %mul3A_394 = arith.constant 256 : i32
            %mul3A_395 = arith.muli %scan3A_316, %mul3A_394 : i32
            %add3A_396 = vector.broadcast %mul3A_395 : i32 to vector<16xi32>
            %add3A_397 = arith.addi %add3A_396, %broadcast_in_dim3A_390 : vector<16xi32>
            %gather3A_398 = tpu.vector_load_idx %arg10[%add3A_397] : memref<2048xi32, #tpu.memory_space<vmem>>[vector<16xi32>], vector<16xi32>,
            %mul3A_399 = arith.constant 256 : i32
            %mul3A_400 = arith.muli %add3A_317, %mul3A_399 : i32
            %sub3A_401 = vector.broadcast %mul3A_400 : i32 to vector<16xi32>
            %sub3A_402 = arith.subi %gather3A_398, %sub3A_401 : vector<16xi32>
            %lt3A = arith.cmpi slt, %gather3A_393, %gather3A : vector<16xi32>
            %eq3A = arith.cmpi eq, %gather3A_393, %gather3A : vector<16xi32>
            %mul3A_403 = arith.constant 16 : i32
            %mul3A_404 = vector.broadcast %mul3A_403 : i32 to vector<16xi32>
            %mul3A_405 = arith.muli %sub3A_402, %mul3A_404 : vector<16xi32>
            %add3A_406 = arith.addi %mul3A_405, %iota3A : vector<16xi32>
            %add3A_407 = vector.broadcast %mul3A_335 : i32 to vector<16xi32>
            %add3A_408 = arith.addi %add3A_406, %add3A_407 : vector<16xi32>
            %convert_element_type3A_409 = arith.extui %lt3A : vector<16xi1> to vector<16xi32>
            %broadcast_in_dim3A_410 = arith.constant true
            %broadcast_in_dim3A_411 = vector.broadcast %broadcast_in_dim3A_410 : i1 to vector<16xi1>
            %masked_cumsum3A = tpu.scan <sum>, %convert_element_type3A_409 masked %broadcast_in_dim3A_411 : vector<16xi32>, vector<16xi1> -> vector<16xi32>
            %mul3A_412 = arith.constant 32 : i32
            %mul3A_413 = arith.muli %scan3A_316, %mul3A_412 : i32
            %add3A_414 = vector.broadcast %mul3A_413 : i32 to vector<16xi32>
            %add3A_415 = arith.addi %add3A_414, %while3A_388 : vector<16xi32>
            %add3A_416 = arith.addi %add3A_415, %masked_cumsum3A : vector<16xi32>
            %sub3A_417 = arith.constant 1 : i32
            %sub3A_418 = vector.broadcast %sub3A_417 : i32 to vector<16xi32>
            %sub3A_419 = arith.subi %add3A_416, %sub3A_418 : vector<16xi32>
            tpu.vector_store_idx %arg15[%sub3A_419], %add3A_408 masked %lt3A : memref<256xi32, #tpu.memory_space<vmem>>[vector<16xi32>], vector<16xi32>, vector<16xi1>
            %convert_element_type3A_420 = arith.extui %eq3A : vector<16xi1> to vector<16xi32>
            %broadcast_in_dim3A_421 = arith.constant true
            %broadcast_in_dim3A_422 = vector.broadcast %broadcast_in_dim3A_421 : i1 to vector<16xi1>
            %masked_cumsum3A_423 = tpu.scan <sum>, %convert_element_type3A_420 masked %broadcast_in_dim3A_422 : vector<16xi32>, vector<16xi1> -> vector<16xi32>
            %add3A_424 = arith.addi %while3A_389, %masked_cumsum3A_423 : vector<16xi32>
            %sub3A_425 = arith.constant 1 : i32
            %sub3A_426 = vector.broadcast %sub3A_425 : i32 to vector<16xi32>
            %sub3A_427 = arith.subi %add3A_424, %sub3A_426 : vector<16xi32>
            %lt3A_428 = arith.constant 32 : i32
            %lt3A_429 = vector.broadcast %lt3A_428 : i32 to vector<16xi32>
            %lt3A_430 = arith.cmpi slt, %sub3A_427, %lt3A_429 : vector<16xi32>
            %and3A_431 = arith.andi %eq3A, %lt3A_430 : vector<16xi1>
            tpu.vector_store_idx %arg16[%sub3A_427], %add3A_408 masked %and3A_431 : memref<32xi32, #tpu.memory_space<vmem>>[vector<16xi32>], vector<16xi32>, vector<16xi1>
            %broadcast_in_dim3A_432 = arith.constant 15 : i32
            %broadcast_in_dim3A_433 = vector.broadcast %broadcast_in_dim3A_432 : i32 to vector<16xi32>
            %lt3A_434 = arith.constant 0 : i32
            %lt3A_435 = vector.broadcast %lt3A_434 : i32 to vector<16xi32>
            %lt3A_436 = arith.cmpi slt, %broadcast_in_dim3A_433, %lt3A_435 : vector<16xi32>
            %add3A_437 = arith.constant 16 : i32
            %add3A_438 = vector.broadcast %add3A_437 : i32 to vector<16xi32>
            %add3A_439 = arith.addi %broadcast_in_dim3A_433, %add3A_438 : vector<16xi32>
            %select_n3A_440 = arith.select %lt3A_436, %add3A_439, %broadcast_in_dim3A_433 : vector<16xi1>, vector<16xi32>
            %broadcast_in_dim3A_441 = vector.shape_cast %select_n3A_440 : vector<16xi32> to vector<16x1xi32>
            %gather3A_442 = vector.shape_cast %broadcast_in_dim3A_441 : vector<16x1xi32> to vector<16xi32>
            %gather3A_443 = tpu.dynamic_gather %masked_cumsum3A[%gather3A_442] in [0] : vector<16xi32>, vector<16xi32> -> vector<16xi32>
            %add3A_444 = arith.addi %while3A_388, %gather3A_443 : vector<16xi32>
            %broadcast_in_dim3A_445 = arith.constant 15 : i32
            %broadcast_in_dim3A_446 = vector.broadcast %broadcast_in_dim3A_445 : i32 to vector<16xi32>
            %lt3A_447 = arith.constant 0 : i32
            %lt3A_448 = vector.broadcast %lt3A_447 : i32 to vector<16xi32>
            %lt3A_449 = arith.cmpi slt, %broadcast_in_dim3A_446, %lt3A_448 : vector<16xi32>
            %add3A_450 = arith.constant 16 : i32
            %add3A_451 = vector.broadcast %add3A_450 : i32 to vector<16xi32>
            %add3A_452 = arith.addi %broadcast_in_dim3A_446, %add3A_451 : vector<16xi32>
            %select_n3A_453 = arith.select %lt3A_449, %add3A_452, %broadcast_in_dim3A_446 : vector<16xi1>, vector<16xi32>
            %broadcast_in_dim3A_454 = vector.shape_cast %select_n3A_453 : vector<16xi32> to vector<16x1xi32>
            %gather3A_455 = vector.shape_cast %broadcast_in_dim3A_454 : vector<16x1xi32> to vector<16xi32>
            %gather3A_456 = tpu.dynamic_gather %masked_cumsum3A_423[%gather3A_455] in [0] : vector<16xi32>, vector<16xi32> -> vector<16xi32>
            %add3A_457 = arith.addi %while3A_389, %gather3A_456 : vector<16xi32>
            %broadcast_in_dim3A_458 = arith.constant 32 : i32
            %broadcast_in_dim3A_459 = vector.broadcast %broadcast_in_dim3A_458 : i32 to vector<16xi32>
            %min3A = arith.minsi %add3A_457, %broadcast_in_dim3A_459 : vector<16xi32>
            scf.yield %add3A_444, %min3A : vector<16xi32>, vector<16xi32>
          }
          %while3A_385 = arith.constant 1 : i32
          %while3A_386:2 = scf.for %while3A_387 = %while3A_382 to %while3A_378 step %while3A_385 iter_args(%while3A_388 = %while3A_384#0, %while3A_389 = %while3A_384#1) -> (vector<16xi32>, vector<16xi32>)  : i32 {
            %broadcast_in_dim3A_390 = vector.broadcast %while3A_387 : i32 to vector<16xi32>
            %add3A_391 = vector.broadcast %mul3A_376 : i32 to vector<16xi32>
            %add3A_392 = arith.addi %add3A_391, %broadcast_in_dim3A_390 : vector<16xi32>
            %gather3A_393 = tpu.vector_load_idx %arg11[%add3A_392, %iota3A] : memref<512x16xi32, #tpu.memory_space<vmem>>[vector<16xi32>, vector<16xi32>], vector<16xi32>,
            %mul3A_394 = arith.constant 256 : i32
            %mul3A_395 = arith.muli %scan3A_316, %mul3A_394 : i32
            %add3A_396 = vector.broadcast %mul3A_395 : i32 to vector<16xi32>
            %add3A_397 = arith.addi %add3A_396, %broadcast_in_dim3A_390 : vector<16xi32>
            %gather3A_398 = tpu.vector_load_idx %arg10[%add3A_397] : memref<2048xi32, #tpu.memory_space<vmem>>[vector<16xi32>], vector<16xi32>,
            %mul3A_399 = arith.constant 256 : i32
            %mul3A_400 = arith.muli %add3A_317, %mul3A_399 : i32
            %sub3A_401 = vector.broadcast %mul3A_400 : i32 to vector<16xi32>
            %sub3A_402 = arith.subi %gather3A_398, %sub3A_401 : vector<16xi32>
            %lt3A = arith.cmpi slt, %gather3A_393, %gather3A : vector<16xi32>
            %eq3A = arith.cmpi eq, %gather3A_393, %gather3A : vector<16xi32>
            %mul3A_403 = arith.constant 16 : i32
            %mul3A_404 = vector.broadcast %mul3A_403 : i32 to vector<16xi32>
            %mul3A_405 = arith.muli %sub3A_402, %mul3A_404 : vector<16xi32>
            %add3A_406 = arith.addi %mul3A_405, %iota3A : vector<16xi32>
            %add3A_407 = vector.broadcast %mul3A_335 : i32 to vector<16xi32>
            %add3A_408 = arith.addi %add3A_406, %add3A_407 : vector<16xi32>
            %convert_element_type3A_409 = arith.extui %lt3A : vector<16xi1> to vector<16xi32>
            %broadcast_in_dim3A_410 = arith.constant true
            %broadcast_in_dim3A_411 = vector.broadcast %broadcast_in_dim3A_410 : i1 to vector<16xi1>
            %masked_cumsum3A = tpu.scan <sum>, %convert_element_type3A_409 masked %broadcast_in_dim3A_411 : vector<16xi32>, vector<16xi1> -> vector<16xi32>
            %mul3A_412 = arith.constant 32 : i32
            %mul3A_413 = arith.muli %scan3A_316, %mul3A_412 : i32
            %add3A_414 = vector.broadcast %mul3A_413 : i32 to vector<16xi32>
            %add3A_415 = arith.addi %add3A_414, %while3A_388 : vector<16xi32>
            %add3A_416 = arith.addi %add3A_415, %masked_cumsum3A : vector<16xi32>
            %sub3A_417 = arith.constant 1 : i32
            %sub3A_418 = vector.broadcast %sub3A_417 : i32 to vector<16xi32>
            %sub3A_419 = arith.subi %add3A_416, %sub3A_418 : vector<16xi32>
            tpu.vector_store_idx %arg15[%sub3A_419], %add3A_408 masked %lt3A : memref<256xi32, #tpu.memory_space<vmem>>[vector<16xi32>], vector<16xi32>, vector<16xi1>
            %convert_element_type3A_420 = arith.extui %eq3A : vector<16xi1> to vector<16xi32>
            %broadcast_in_dim3A_421 = arith.constant true
            %broadcast_in_dim3A_422 = vector.broadcast %broadcast_in_dim3A_421 : i1 to vector<16xi1>
            %masked_cumsum3A_423 = tpu.scan <sum>, %convert_element_type3A_420 masked %broadcast_in_dim3A_422 : vector<16xi32>, vector<16xi1> -> vector<16xi32>
            %add3A_424 = arith.addi %while3A_389, %masked_cumsum3A_423 : vector<16xi32>
            %sub3A_425 = arith.constant 1 : i32
            %sub3A_426 = vector.broadcast %sub3A_425 : i32 to vector<16xi32>
            %sub3A_427 = arith.subi %add3A_424, %sub3A_426 : vector<16xi32>
            %lt3A_428 = arith.constant 32 : i32
            %lt3A_429 = vector.broadcast %lt3A_428 : i32 to vector<16xi32>
            %lt3A_430 = arith.cmpi slt, %sub3A_427, %lt3A_429 : vector<16xi32>
            %and3A_431 = arith.andi %eq3A, %lt3A_430 : vector<16xi1>
            tpu.vector_store_idx %arg16[%sub3A_427], %add3A_408 masked %and3A_431 : memref<32xi32, #tpu.memory_space<vmem>>[vector<16xi32>], vector<16xi32>, vector<16xi1>
            %broadcast_in_dim3A_432 = arith.constant 15 : i32
            %broadcast_in_dim3A_433 = vector.broadcast %broadcast_in_dim3A_432 : i32 to vector<16xi32>
            %lt3A_434 = arith.constant 0 : i32
            %lt3A_435 = vector.broadcast %lt3A_434 : i32 to vector<16xi32>
            %lt3A_436 = arith.cmpi slt, %broadcast_in_dim3A_433, %lt3A_435 : vector<16xi32>
            %add3A_437 = arith.constant 16 : i32
            %add3A_438 = vector.broadcast %add3A_437 : i32 to vector<16xi32>
            %add3A_439 = arith.addi %broadcast_in_dim3A_433, %add3A_438 : vector<16xi32>
            %select_n3A_440 = arith.select %lt3A_436, %add3A_439, %broadcast_in_dim3A_433 : vector<16xi1>, vector<16xi32>
            %broadcast_in_dim3A_441 = vector.shape_cast %select_n3A_440 : vector<16xi32> to vector<16x1xi32>
            %gather3A_442 = vector.shape_cast %broadcast_in_dim3A_441 : vector<16x1xi32> to vector<16xi32>
            %gather3A_443 = tpu.dynamic_gather %masked_cumsum3A[%gather3A_442] in [0] : vector<16xi32>, vector<16xi32> -> vector<16xi32>
            %add3A_444 = arith.addi %while3A_388, %gather3A_443 : vector<16xi32>
            %broadcast_in_dim3A_445 = arith.constant 15 : i32
            %broadcast_in_dim3A_446 = vector.broadcast %broadcast_in_dim3A_445 : i32 to vector<16xi32>
            %lt3A_447 = arith.constant 0 : i32
            %lt3A_448 = vector.broadcast %lt3A_447 : i32 to vector<16xi32>
            %lt3A_449 = arith.cmpi slt, %broadcast_in_dim3A_446, %lt3A_448 : vector<16xi32>
            %add3A_450 = arith.constant 16 : i32
            %add3A_451 = vector.broadcast %add3A_450 : i32 to vector<16xi32>
            %add3A_452 = arith.addi %broadcast_in_dim3A_446, %add3A_451 : vector<16xi32>
            %select_n3A_453 = arith.select %lt3A_449, %add3A_452, %broadcast_in_dim3A_446 : vector<16xi1>, vector<16xi32>
            %broadcast_in_dim3A_454 = vector.shape_cast %select_n3A_453 : vector<16xi32> to vector<16x1xi32>
            %gather3A_455 = vector.shape_cast %broadcast_in_dim3A_454 : vector<16x1xi32> to vector<16xi32>
            %gather3A_456 = tpu.dynamic_gather %masked_cumsum3A_423[%gather3A_455] in [0] : vector<16xi32>, vector<16xi32> -> vector<16xi32>
            %add3A_457 = arith.addi %while3A_389, %gather3A_456 : vector<16xi32>
            %broadcast_in_dim3A_458 = arith.constant 32 : i32
            %broadcast_in_dim3A_459 = vector.broadcast %broadcast_in_dim3A_458 : i32 to vector<16xi32>
            %min3A = arith.minsi %add3A_457, %broadcast_in_dim3A_459 : vector<16xi32>
            scf.yield %add3A_444, %min3A : vector<16xi32>, vector<16xi32>
          }
          scf.yield %while3A_386#0, %while3A_386#1 : vector<16xi32>, vector<16xi32>
        } else {
          %mul3A_375 = arith.constant 256 : i32
          %mul3A_376 = arith.muli %scan3A_316, %mul3A_375 : i32
          %dma_start3A_377 = arith.constant 0 : i32
          %dma_start3A_378 = arith.constant 0 : i32
          %dma_start3A_379 = tpu.memref_slice %arg12[%dma_start3A_377, %dma_start3A_378] : memref<256x16xi32, #tpu.memory_space<vmem>> -> memref<128x16xi32, #tpu.memory_space<vmem>>
          %dma_start3A_380 = tpu.memref_slice %arg10[%mul3A_376] : memref<2048xi32, #tpu.memory_space<vmem>> -> memref<128xi32, #tpu.memory_space<vmem>>
          %dma_start3A_381 = arith.constant 0 : i32
          %dma_start3A_382 = arith.constant 0 : i32
          %dma_start3A_383 = tpu.memref_slice %arg2[%dma_start3A_381, %dma_start3A_382] : memref<1048576x16xi32, #tpu.memory_space<hbm>> -> memref<1048576x16xi32, #tpu.memory_space<hbm>>
          tpu.enqueue_indirect_dma source(%dma_start3A_383 : memref<1048576x16xi32, #tpu.memory_space<hbm>>) target(%dma_start3A_379 : memref<128x16xi32, #tpu.memory_space<vmem>>) offsets(%dma_start3A_380 : memref<128xi32, #tpu.memory_space<vmem>>) semaphore(%arg22 : memref<!tpu.dma_semaphore, #tpu.memory_space<semaphore_mem>>)
          %mul3A_384 = arith.constant 256 : i32
          %mul3A_385 = arith.muli %scan3A_316, %mul3A_384 : i32
          %add3A_386 = arith.constant 128 : i32
          %add3A_387 = arith.addi %mul3A_385, %add3A_386 : i32
          %dma_start3A_388 = arith.constant 128 : i32
          %dma_start3A_389 = arith.constant 0 : i32
          %dma_start3A_390 = tpu.memref_slice %arg12[%dma_start3A_388, %dma_start3A_389] : memref<256x16xi32, #tpu.memory_space<vmem>> -> memref<128x16xi32, #tpu.memory_space<vmem>>
          %dma_start3A_391 = tpu.memref_slice %arg10[%add3A_387] : memref<2048xi32, #tpu.memory_space<vmem>> -> memref<128xi32, #tpu.memory_space<vmem>>
          %dma_start3A_392 = arith.constant 0 : i32
          %dma_start3A_393 = arith.constant 0 : i32
          %dma_start3A_394 = tpu.memref_slice %arg2[%dma_start3A_392, %dma_start3A_393] : memref<1048576x16xi32, #tpu.memory_space<hbm>> -> memref<1048576x16xi32, #tpu.memory_space<hbm>>
          tpu.enqueue_indirect_dma source(%dma_start3A_394 : memref<1048576x16xi32, #tpu.memory_space<hbm>>) target(%dma_start3A_390 : memref<128x16xi32, #tpu.memory_space<vmem>>) offsets(%dma_start3A_391 : memref<128xi32, #tpu.memory_space<vmem>>) semaphore(%arg22 : memref<!tpu.dma_semaphore, #tpu.memory_space<semaphore_mem>>)
          %dma_wait3A = arith.constant 128 : i32
          %dma_wait3A_395 = arith.constant 0 : i32
          %dma_wait3A_396 = tpu.memref_slice %arg12[%dma_wait3A, %dma_wait3A_395] : memref<256x16xi32, #tpu.memory_space<vmem>> -> memref<128x16xi32, #tpu.memory_space<vmem>>
          %dma_wait3A_397 = tpu.memref_slice %arg10[%add3A_387] : memref<2048xi32, #tpu.memory_space<vmem>> -> memref<128xi32, #tpu.memory_space<vmem>>
          %dma_wait3A_398 = arith.constant 0 : i32
          %dma_wait3A_399 = arith.constant 0 : i32
          %dma_wait3A_400 = tpu.memref_slice %arg2[%dma_wait3A_398, %dma_wait3A_399] : memref<1048576x16xi32, #tpu.memory_space<hbm>> -> memref<1048576x16xi32, #tpu.memory_space<hbm>>
          tpu.wait_indirect_dma semaphore(%arg22 : memref<!tpu.dma_semaphore, #tpu.memory_space<semaphore_mem>>) src(%dma_wait3A_400 : memref<1048576x16xi32, #tpu.memory_space<hbm>>) dst(%dma_wait3A_396 : memref<128x16xi32, #tpu.memory_space<vmem>>)
          %mul3A_401 = arith.constant 256 : i32
          %mul3A_402 = arith.muli %scan3A_316, %mul3A_401 : i32
          %dma_wait3A_403 = arith.constant 0 : i32
          %dma_wait3A_404 = arith.constant 0 : i32
          %dma_wait3A_405 = tpu.memref_slice %arg12[%dma_wait3A_403, %dma_wait3A_404] : memref<256x16xi32, #tpu.memory_space<vmem>> -> memref<128x16xi32, #tpu.memory_space<vmem>>
          %dma_wait3A_406 = tpu.memref_slice %arg10[%mul3A_402] : memref<2048xi32, #tpu.memory_space<vmem>> -> memref<128xi32, #tpu.memory_space<vmem>>
          %dma_wait3A_407 = arith.constant 0 : i32
          %dma_wait3A_408 = arith.constant 0 : i32
          %dma_wait3A_409 = tpu.memref_slice %arg2[%dma_wait3A_407, %dma_wait3A_408] : memref<1048576x16xi32, #tpu.memory_space<hbm>> -> memref<1048576x16xi32, #tpu.memory_space<hbm>>
          tpu.wait_indirect_dma semaphore(%arg22 : memref<!tpu.dma_semaphore, #tpu.memory_space<semaphore_mem>>) src(%dma_wait3A_409 : memref<1048576x16xi32, #tpu.memory_space<hbm>>) dst(%dma_wait3A_405 : memref<128x16xi32, #tpu.memory_space<vmem>>)
          %while3A = arith.constant 0 : i32
          %while3A_410 = arith.subi %reduce_max3A_346, %while3A : i32
          %while3A_411 = arith.addi %while3A, %while3A_410 : i32
          %while3A_412 = arith.constant 1 : i32
          %while3A_413 = arith.divsi %while3A_410, %while3A_412 : i32
          %while3A_414 = arith.muli %while3A_413, %while3A_412 : i32
          %while3A_415 = arith.addi %while3A, %while3A_414 : i32
          %while3A_416 = arith.constant 1 : i32
          %while3A_417:2 = scf.for %while3A_420 = %while3A to %while3A_415 step %while3A_416 iter_args(%while3A_421 = %broadcast_in_dim3A_3, %while3A_422 = %broadcast_in_dim3A_3) -> (vector<16xi32>, vector<16xi32>)  : i32 {
            %broadcast_in_dim3A_423 = vector.broadcast %while3A_420 : i32 to vector<16xi32>
            %add3A_424 = arith.constant 0 : i32
            %add3A_425 = vector.broadcast %add3A_424 : i32 to vector<16xi32>
            %add3A_426 = arith.addi %add3A_425, %broadcast_in_dim3A_423 : vector<16xi32>
            %gather3A_427 = tpu.vector_load_idx %arg12[%add3A_426, %iota3A] : memref<256x16xi32, #tpu.memory_space<vmem>>[vector<16xi32>, vector<16xi32>], vector<16xi32>,
            %mul3A_428 = arith.constant 256 : i32
            %mul3A_429 = arith.muli %scan3A_316, %mul3A_428 : i32
            %add3A_430 = vector.broadcast %mul3A_429 : i32 to vector<16xi32>
            %add3A_431 = arith.addi %add3A_430, %broadcast_in_dim3A_423 : vector<16xi32>
            %gather3A_432 = tpu.vector_load_idx %arg10[%add3A_431] : memref<2048xi32, #tpu.memory_space<vmem>>[vector<16xi32>], vector<16xi32>,
            %mul3A_433 = arith.constant 256 : i32
            %mul3A_434 = arith.muli %add3A_317, %mul3A_433 : i32
            %sub3A_435 = vector.broadcast %mul3A_434 : i32 to vector<16xi32>
            %sub3A_436 = arith.subi %gather3A_432, %sub3A_435 : vector<16xi32>
            %lt3A = arith.cmpi slt, %gather3A_427, %gather3A : vector<16xi32>
            %eq3A = arith.cmpi eq, %gather3A_427, %gather3A : vector<16xi32>
            %mul3A_437 = arith.constant 16 : i32
            %mul3A_438 = vector.broadcast %mul3A_437 : i32 to vector<16xi32>
            %mul3A_439 = arith.muli %sub3A_436, %mul3A_438 : vector<16xi32>
            %add3A_440 = arith.addi %mul3A_439, %iota3A : vector<16xi32>
            %add3A_441 = vector.broadcast %mul3A_335 : i32 to vector<16xi32>
            %add3A_442 = arith.addi %add3A_440, %add3A_441 : vector<16xi32>
            %convert_element_type3A_443 = arith.extui %lt3A : vector<16xi1> to vector<16xi32>
            %broadcast_in_dim3A_444 = arith.constant true
            %broadcast_in_dim3A_445 = vector.broadcast %broadcast_in_dim3A_444 : i1 to vector<16xi1>
            %masked_cumsum3A = tpu.scan <sum>, %convert_element_type3A_443 masked %broadcast_in_dim3A_445 : vector<16xi32>, vector<16xi1> -> vector<16xi32>
            %mul3A_446 = arith.constant 32 : i32
            %mul3A_447 = arith.muli %scan3A_316, %mul3A_446 : i32
            %add3A_448 = vector.broadcast %mul3A_447 : i32 to vector<16xi32>
            %add3A_449 = arith.addi %add3A_448, %while3A_421 : vector<16xi32>
            %add3A_450 = arith.addi %add3A_449, %masked_cumsum3A : vector<16xi32>
            %sub3A_451 = arith.constant 1 : i32
            %sub3A_452 = vector.broadcast %sub3A_451 : i32 to vector<16xi32>
            %sub3A_453 = arith.subi %add3A_450, %sub3A_452 : vector<16xi32>
            tpu.vector_store_idx %arg15[%sub3A_453], %add3A_442 masked %lt3A : memref<256xi32, #tpu.memory_space<vmem>>[vector<16xi32>], vector<16xi32>, vector<16xi1>
            %convert_element_type3A_454 = arith.extui %eq3A : vector<16xi1> to vector<16xi32>
            %broadcast_in_dim3A_455 = arith.constant true
            %broadcast_in_dim3A_456 = vector.broadcast %broadcast_in_dim3A_455 : i1 to vector<16xi1>
            %masked_cumsum3A_457 = tpu.scan <sum>, %convert_element_type3A_454 masked %broadcast_in_dim3A_456 : vector<16xi32>, vector<16xi1> -> vector<16xi32>
            %add3A_458 = arith.addi %while3A_422, %masked_cumsum3A_457 : vector<16xi32>
            %sub3A_459 = arith.constant 1 : i32
            %sub3A_460 = vector.broadcast %sub3A_459 : i32 to vector<16xi32>
            %sub3A_461 = arith.subi %add3A_458, %sub3A_460 : vector<16xi32>
            %lt3A_462 = arith.constant 32 : i32
            %lt3A_463 = vector.broadcast %lt3A_462 : i32 to vector<16xi32>
            %lt3A_464 = arith.cmpi slt, %sub3A_461, %lt3A_463 : vector<16xi32>
            %and3A_465 = arith.andi %eq3A, %lt3A_464 : vector<16xi1>
            tpu.vector_store_idx %arg16[%sub3A_461], %add3A_442 masked %and3A_465 : memref<32xi32, #tpu.memory_space<vmem>>[vector<16xi32>], vector<16xi32>, vector<16xi1>
            %broadcast_in_dim3A_466 = arith.constant 15 : i32
            %broadcast_in_dim3A_467 = vector.broadcast %broadcast_in_dim3A_466 : i32 to vector<16xi32>
            %lt3A_468 = arith.constant 0 : i32
            %lt3A_469 = vector.broadcast %lt3A_468 : i32 to vector<16xi32>
            %lt3A_470 = arith.cmpi slt, %broadcast_in_dim3A_467, %lt3A_469 : vector<16xi32>
            %add3A_471 = arith.constant 16 : i32
            %add3A_472 = vector.broadcast %add3A_471 : i32 to vector<16xi32>
            %add3A_473 = arith.addi %broadcast_in_dim3A_467, %add3A_472 : vector<16xi32>
            %select_n3A_474 = arith.select %lt3A_470, %add3A_473, %broadcast_in_dim3A_467 : vector<16xi1>, vector<16xi32>
            %broadcast_in_dim3A_475 = vector.shape_cast %select_n3A_474 : vector<16xi32> to vector<16x1xi32>
            %gather3A_476 = vector.shape_cast %broadcast_in_dim3A_475 : vector<16x1xi32> to vector<16xi32>
            %gather3A_477 = tpu.dynamic_gather %masked_cumsum3A[%gather3A_476] in [0] : vector<16xi32>, vector<16xi32> -> vector<16xi32>
            %add3A_478 = arith.addi %while3A_421, %gather3A_477 : vector<16xi32>
            %broadcast_in_dim3A_479 = arith.constant 15 : i32
            %broadcast_in_dim3A_480 = vector.broadcast %broadcast_in_dim3A_479 : i32 to vector<16xi32>
            %lt3A_481 = arith.constant 0 : i32
            %lt3A_482 = vector.broadcast %lt3A_481 : i32 to vector<16xi32>
            %lt3A_483 = arith.cmpi slt, %broadcast_in_dim3A_480, %lt3A_482 : vector<16xi32>
            %add3A_484 = arith.constant 16 : i32
            %add3A_485 = vector.broadcast %add3A_484 : i32 to vector<16xi32>
            %add3A_486 = arith.addi %broadcast_in_dim3A_480, %add3A_485 : vector<16xi32>
            %select_n3A_487 = arith.select %lt3A_483, %add3A_486, %broadcast_in_dim3A_480 : vector<16xi1>, vector<16xi32>
            %broadcast_in_dim3A_488 = vector.shape_cast %select_n3A_487 : vector<16xi32> to vector<16x1xi32>
            %gather3A_489 = vector.shape_cast %broadcast_in_dim3A_488 : vector<16x1xi32> to vector<16xi32>
            %gather3A_490 = tpu.dynamic_gather %masked_cumsum3A_457[%gather3A_489] in [0] : vector<16xi32>, vector<16xi32> -> vector<16xi32>
            %add3A_491 = arith.addi %while3A_422, %gather3A_490 : vector<16xi32>
            %broadcast_in_dim3A_492 = arith.constant 32 : i32
            %broadcast_in_dim3A_493 = vector.broadcast %broadcast_in_dim3A_492 : i32 to vector<16xi32>
            %min3A = arith.minsi %add3A_491, %broadcast_in_dim3A_493 : vector<16xi32>
            scf.yield %add3A_478, %min3A : vector<16xi32>, vector<16xi32>
          }
          %while3A_418 = arith.constant 1 : i32
          %while3A_419:2 = scf.for %while3A_420 = %while3A_415 to %while3A_411 step %while3A_418 iter_args(%while3A_421 = %while3A_417#0, %while3A_422 = %while3A_417#1) -> (vector<16xi32>, vector<16xi32>)  : i32 {
            %broadcast_in_dim3A_423 = vector.broadcast %while3A_420 : i32 to vector<16xi32>
            %add3A_424 = arith.constant 0 : i32
            %add3A_425 = vector.broadcast %add3A_424 : i32 to vector<16xi32>
            %add3A_426 = arith.addi %add3A_425, %broadcast_in_dim3A_423 : vector<16xi32>
            %gather3A_427 = tpu.vector_load_idx %arg12[%add3A_426, %iota3A] : memref<256x16xi32, #tpu.memory_space<vmem>>[vector<16xi32>, vector<16xi32>], vector<16xi32>,
            %mul3A_428 = arith.constant 256 : i32
            %mul3A_429 = arith.muli %scan3A_316, %mul3A_428 : i32
            %add3A_430 = vector.broadcast %mul3A_429 : i32 to vector<16xi32>
            %add3A_431 = arith.addi %add3A_430, %broadcast_in_dim3A_423 : vector<16xi32>
            %gather3A_432 = tpu.vector_load_idx %arg10[%add3A_431] : memref<2048xi32, #tpu.memory_space<vmem>>[vector<16xi32>], vector<16xi32>,
            %mul3A_433 = arith.constant 256 : i32
            %mul3A_434 = arith.muli %add3A_317, %mul3A_433 : i32
            %sub3A_435 = vector.broadcast %mul3A_434 : i32 to vector<16xi32>
            %sub3A_436 = arith.subi %gather3A_432, %sub3A_435 : vector<16xi32>
            %lt3A = arith.cmpi slt, %gather3A_427, %gather3A : vector<16xi32>
            %eq3A = arith.cmpi eq, %gather3A_427, %gather3A : vector<16xi32>
            %mul3A_437 = arith.constant 16 : i32
            %mul3A_438 = vector.broadcast %mul3A_437 : i32 to vector<16xi32>
            %mul3A_439 = arith.muli %sub3A_436, %mul3A_438 : vector<16xi32>
            %add3A_440 = arith.addi %mul3A_439, %iota3A : vector<16xi32>
            %add3A_441 = vector.broadcast %mul3A_335 : i32 to vector<16xi32>
            %add3A_442 = arith.addi %add3A_440, %add3A_441 : vector<16xi32>
            %convert_element_type3A_443 = arith.extui %lt3A : vector<16xi1> to vector<16xi32>
            %broadcast_in_dim3A_444 = arith.constant true
            %broadcast_in_dim3A_445 = vector.broadcast %broadcast_in_dim3A_444 : i1 to vector<16xi1>
            %masked_cumsum3A = tpu.scan <sum>, %convert_element_type3A_443 masked %broadcast_in_dim3A_445 : vector<16xi32>, vector<16xi1> -> vector<16xi32>
            %mul3A_446 = arith.constant 32 : i32
            %mul3A_447 = arith.muli %scan3A_316, %mul3A_446 : i32
            %add3A_448 = vector.broadcast %mul3A_447 : i32 to vector<16xi32>
            %add3A_449 = arith.addi %add3A_448, %while3A_421 : vector<16xi32>
            %add3A_450 = arith.addi %add3A_449, %masked_cumsum3A : vector<16xi32>
            %sub3A_451 = arith.constant 1 : i32
            %sub3A_452 = vector.broadcast %sub3A_451 : i32 to vector<16xi32>
            %sub3A_453 = arith.subi %add3A_450, %sub3A_452 : vector<16xi32>
            tpu.vector_store_idx %arg15[%sub3A_453], %add3A_442 masked %lt3A : memref<256xi32, #tpu.memory_space<vmem>>[vector<16xi32>], vector<16xi32>, vector<16xi1>
            %convert_element_type3A_454 = arith.extui %eq3A : vector<16xi1> to vector<16xi32>
            %broadcast_in_dim3A_455 = arith.constant true
            %broadcast_in_dim3A_456 = vector.broadcast %broadcast_in_dim3A_455 : i1 to vector<16xi1>
            %masked_cumsum3A_457 = tpu.scan <sum>, %convert_element_type3A_454 masked %broadcast_in_dim3A_456 : vector<16xi32>, vector<16xi1> -> vector<16xi32>
            %add3A_458 = arith.addi %while3A_422, %masked_cumsum3A_457 : vector<16xi32>
            %sub3A_459 = arith.constant 1 : i32
            %sub3A_460 = vector.broadcast %sub3A_459 : i32 to vector<16xi32>
            %sub3A_461 = arith.subi %add3A_458, %sub3A_460 : vector<16xi32>
            %lt3A_462 = arith.constant 32 : i32
            %lt3A_463 = vector.broadcast %lt3A_462 : i32 to vector<16xi32>
            %lt3A_464 = arith.cmpi slt, %sub3A_461, %lt3A_463 : vector<16xi32>
            %and3A_465 = arith.andi %eq3A, %lt3A_464 : vector<16xi1>
            tpu.vector_store_idx %arg16[%sub3A_461], %add3A_442 masked %and3A_465 : memref<32xi32, #tpu.memory_space<vmem>>[vector<16xi32>], vector<16xi32>, vector<16xi1>
            %broadcast_in_dim3A_466 = arith.constant 15 : i32
            %broadcast_in_dim3A_467 = vector.broadcast %broadcast_in_dim3A_466 : i32 to vector<16xi32>
            %lt3A_468 = arith.constant 0 : i32
            %lt3A_469 = vector.broadcast %lt3A_468 : i32 to vector<16xi32>
            %lt3A_470 = arith.cmpi slt, %broadcast_in_dim3A_467, %lt3A_469 : vector<16xi32>
            %add3A_471 = arith.constant 16 : i32
            %add3A_472 = vector.broadcast %add3A_471 : i32 to vector<16xi32>
            %add3A_473 = arith.addi %broadcast_in_dim3A_467, %add3A_472 : vector<16xi32>
            %select_n3A_474 = arith.select %lt3A_470, %add3A_473, %broadcast_in_dim3A_467 : vector<16xi1>, vector<16xi32>
            %broadcast_in_dim3A_475 = vector.shape_cast %select_n3A_474 : vector<16xi32> to vector<16x1xi32>
            %gather3A_476 = vector.shape_cast %broadcast_in_dim3A_475 : vector<16x1xi32> to vector<16xi32>
            %gather3A_477 = tpu.dynamic_gather %masked_cumsum3A[%gather3A_476] in [0] : vector<16xi32>, vector<16xi32> -> vector<16xi32>
            %add3A_478 = arith.addi %while3A_421, %gather3A_477 : vector<16xi32>
            %broadcast_in_dim3A_479 = arith.constant 15 : i32
            %broadcast_in_dim3A_480 = vector.broadcast %broadcast_in_dim3A_479 : i32 to vector<16xi32>
            %lt3A_481 = arith.constant 0 : i32
            %lt3A_482 = vector.broadcast %lt3A_481 : i32 to vector<16xi32>
            %lt3A_483 = arith.cmpi slt, %broadcast_in_dim3A_480, %lt3A_482 : vector<16xi32>
            %add3A_484 = arith.constant 16 : i32
            %add3A_485 = vector.broadcast %add3A_484 : i32 to vector<16xi32>
            %add3A_486 = arith.addi %broadcast_in_dim3A_480, %add3A_485 : vector<16xi32>
            %select_n3A_487 = arith.select %lt3A_483, %add3A_486, %broadcast_in_dim3A_480 : vector<16xi1>, vector<16xi32>
            %broadcast_in_dim3A_488 = vector.shape_cast %select_n3A_487 : vector<16xi32> to vector<16x1xi32>
            %gather3A_489 = vector.shape_cast %broadcast_in_dim3A_488 : vector<16x1xi32> to vector<16xi32>
            %gather3A_490 = tpu.dynamic_gather %masked_cumsum3A_457[%gather3A_489] in [0] : vector<16xi32>, vector<16xi32> -> vector<16xi32>
            %add3A_491 = arith.addi %while3A_422, %gather3A_490 : vector<16xi32>
            %broadcast_in_dim3A_492 = arith.constant 32 : i32
            %broadcast_in_dim3A_493 = vector.broadcast %broadcast_in_dim3A_492 : i32 to vector<16xi32>
            %min3A = arith.minsi %add3A_491, %broadcast_in_dim3A_493 : vector<16xi32>
            scf.yield %add3A_478, %min3A : vector<16xi32>, vector<16xi32>
          }
          scf.yield %while3A_419#0, %while3A_419#1 : vector<16xi32>, vector<16xi32>
        }
        %scan3A_350 = arith.constant 0 : i32
        %scan3A_351 = arith.constant 0 : i32
        %scan3A_352 = arith.constant 2 : i32
        %scan3A_353 = arith.addi %scan3A_351, %scan3A_352 : i32
        %scan3A_354 = arith.constant 1 : i32
        scf.for %scan3A_375 = %scan3A_351 to %scan3A_353 step %scan3A_354  : i32 {
          %mul3A_376 = arith.constant 16 : i32
          %mul3A_377 = arith.muli %scan3A_375, %mul3A_376 : i32
          %get3A = arith.index_cast %mul3A_377 : i32 to index
          %get3A_378 = tpu.vector_load %arg16[%get3A] {strides = array<i32>} : memref<32xi32, #tpu.memory_space<vmem>>, vector<16xi32>,
          %mul3A_379 = arith.constant 16 : i32
          %mul3A_380 = arith.muli %scan3A_375, %mul3A_379 : i32
          %add3A_381 = vector.broadcast %mul3A_380 : i32 to vector<16xi32>
          %add3A_382 = arith.addi %add3A_381, %iota3A : vector<16xi32>
          %mul3A_383 = arith.constant 32 : i32
          %mul3A_384 = arith.muli %scan3A_316, %mul3A_383 : i32
          %add3A_385 = vector.broadcast %mul3A_384 : i32 to vector<16xi32>
          %add3A_386 = arith.addi %add3A_385, %cond3A_349#0 : vector<16xi32>
          %add3A_387 = arith.addi %add3A_386, %add3A_382 : vector<16xi32>
          %sub3A_388 = arith.constant 32 : i32
          %sub3A_389 = vector.broadcast %sub3A_388 : i32 to vector<16xi32>
          %sub3A_390 = arith.subi %sub3A_389, %cond3A_349#0 : vector<16xi32>
          %lt3A = arith.cmpi slt, %add3A_382, %sub3A_390 : vector<16xi32>
          tpu.vector_store_idx %arg15[%add3A_387], %get3A_378 masked %lt3A : memref<256xi32, #tpu.memory_space<vmem>>[vector<16xi32>], vector<16xi32>, vector<16xi1>
        }
        %scan3A_355 = arith.constant 2 : i32
        %mul3A_356 = arith.constant 32 : i32
        %mul3A_357 = arith.muli %scan3A_316, %mul3A_356 : i32
        %mul3A_358 = arith.constant 32 : i32
        %mul3A_359 = arith.muli %scan3A_316, %mul3A_358 : i32
        %dma_start3A = arith.constant 0 : i32
        %dma_start3A_360 = tpu.memref_slice %arg17[%mul3A_359, %dma_start3A] : memref<256x64xf32, #tpu.memory_space<vmem>> -> memref<32x64xf32, #tpu.memory_space<vmem>>
        %dma_start3A_361 = tpu.memref_slice %arg15[%mul3A_357] : memref<256xi32, #tpu.memory_space<vmem>> -> memref<32xi32, #tpu.memory_space<vmem>>
        %dma_start3A_362 = arith.constant 0 : i32
        %dma_start3A_363 = arith.constant 0 : i32
        %dma_start3A_364 = tpu.memref_slice %arg5[%dma_start3A_362, %dma_start3A_363] : memref<32768x64xf32, #tpu.memory_space<hbm>> -> memref<32768x64xf32, #tpu.memory_space<hbm>>
        tpu.enqueue_indirect_dma source(%dma_start3A_364 : memref<32768x64xf32, #tpu.memory_space<hbm>>) target(%dma_start3A_360 : memref<32x64xf32, #tpu.memory_space<vmem>>) offsets(%dma_start3A_361 : memref<32xi32, #tpu.memory_space<vmem>>) semaphore(%arg21 : memref<!tpu.dma_semaphore, #tpu.memory_space<semaphore_mem>>)
        %mul3A_365 = arith.constant 32 : i32
        %mul3A_366 = arith.muli %scan3A_316, %mul3A_365 : i32
        %mul3A_367 = arith.constant 32 : i32
        %mul3A_368 = arith.muli %scan3A_316, %mul3A_367 : i32
        %dma_start3A_369 = arith.constant 0 : i32
        %dma_start3A_370 = tpu.memref_slice %arg18[%mul3A_368, %dma_start3A_369] : memref<256x16xf32, #tpu.memory_space<vmem>> -> memref<32x16xf32, #tpu.memory_space<vmem>>
        %dma_start3A_371 = tpu.memref_slice %arg15[%mul3A_366] : memref<256xi32, #tpu.memory_space<vmem>> -> memref<32xi32, #tpu.memory_space<vmem>>
        %dma_start3A_372 = arith.constant 0 : i32
        %dma_start3A_373 = arith.constant 0 : i32
        %dma_start3A_374 = tpu.memref_slice %arg6[%dma_start3A_372, %dma_start3A_373] : memref<32768x16xf32, #tpu.memory_space<hbm>> -> memref<32768x16xf32, #tpu.memory_space<hbm>>
        tpu.enqueue_indirect_dma source(%dma_start3A_374 : memref<32768x16xf32, #tpu.memory_space<hbm>>) target(%dma_start3A_370 : memref<32x16xf32, #tpu.memory_space<vmem>>) offsets(%dma_start3A_371 : memref<32xi32, #tpu.memory_space<vmem>>) semaphore(%arg21 : memref<!tpu.dma_semaphore, #tpu.memory_space<semaphore_mem>>)
      }
      %scan3A_297 = arith.constant 8 : i32
      %scan3A_298 = arith.constant 0 : i32
      %scan3A_299 = arith.constant 0 : i32
      %scan3A_300 = arith.constant 8 : i32
      %scan3A_301 = arith.addi %scan3A_299, %scan3A_300 : i32
      %scan3A_302 = arith.constant 1 : i32
      scf.for %scan3A_316 = %scan3A_299 to %scan3A_301 step %scan3A_302  : i32 {
        %mul3A_317 = arith.constant 32 : i32
        %mul3A_318 = arith.muli %scan3A_316, %mul3A_317 : i32
        %mul3A_319 = arith.constant 32 : i32
        %mul3A_320 = arith.muli %scan3A_316, %mul3A_319 : i32
        %dma_wait3A = arith.constant 0 : i32
        %dma_wait3A_321 = tpu.memref_slice %arg17[%mul3A_320, %dma_wait3A] : memref<256x64xf32, #tpu.memory_space<vmem>> -> memref<32x64xf32, #tpu.memory_space<vmem>>
        %dma_wait3A_322 = tpu.memref_slice %arg15[%mul3A_318] : memref<256xi32, #tpu.memory_space<vmem>> -> memref<32xi32, #tpu.memory_space<vmem>>
        %dma_wait3A_323 = arith.constant 0 : i32
        %dma_wait3A_324 = arith.constant 0 : i32
        %dma_wait3A_325 = tpu.memref_slice %arg5[%dma_wait3A_323, %dma_wait3A_324] : memref<32768x64xf32, #tpu.memory_space<hbm>> -> memref<32768x64xf32, #tpu.memory_space<hbm>>
        tpu.wait_indirect_dma semaphore(%arg21 : memref<!tpu.dma_semaphore, #tpu.memory_space<semaphore_mem>>) src(%dma_wait3A_325 : memref<32768x64xf32, #tpu.memory_space<hbm>>) dst(%dma_wait3A_321 : memref<32x64xf32, #tpu.memory_space<vmem>>)
        %mul3A_326 = arith.constant 32 : i32
        %mul3A_327 = arith.muli %scan3A_316, %mul3A_326 : i32
        %mul3A_328 = arith.constant 32 : i32
        %mul3A_329 = arith.muli %scan3A_316, %mul3A_328 : i32
        %dma_wait3A_330 = arith.constant 0 : i32
        %dma_wait3A_331 = tpu.memref_slice %arg18[%mul3A_329, %dma_wait3A_330] : memref<256x16xf32, #tpu.memory_space<vmem>> -> memref<32x16xf32, #tpu.memory_space<vmem>>
        %dma_wait3A_332 = tpu.memref_slice %arg15[%mul3A_327] : memref<256xi32, #tpu.memory_space<vmem>> -> memref<32xi32, #tpu.memory_space<vmem>>
        %dma_wait3A_333 = arith.constant 0 : i32
        %dma_wait3A_334 = arith.constant 0 : i32
        %dma_wait3A_335 = tpu.memref_slice %arg6[%dma_wait3A_333, %dma_wait3A_334] : memref<32768x16xf32, #tpu.memory_space<hbm>> -> memref<32768x16xf32, #tpu.memory_space<hbm>>
        tpu.wait_indirect_dma semaphore(%arg21 : memref<!tpu.dma_semaphore, #tpu.memory_space<semaphore_mem>>) src(%dma_wait3A_335 : memref<32768x16xf32, #tpu.memory_space<hbm>>) dst(%dma_wait3A_331 : memref<32x16xf32, #tpu.memory_space<vmem>>)
      }
      %scan3A_303 = arith.constant 8 : i32
      %scan3A_304 = arith.constant 0 : i32
      %scan3A_305 = arith.constant 0 : i32
      %scan3A_306 = arith.constant 8 : i32
      %scan3A_307 = arith.addi %scan3A_305, %scan3A_306 : i32
      %scan3A_308 = arith.constant 1 : i32
      scf.for %scan3A_316 = %scan3A_305 to %scan3A_307 step %scan3A_308  : i32 {
        %add3A_317 = arith.addi %add3A_267, %scan3A_316 : i32
        %mul3A_318 = arith.constant 32 : i32
        %mul3A_319 = arith.muli %scan3A_316, %mul3A_318 : i32
        %dma_start3A = arith.constant 0 : i32
        %dma_start3A_320 = tpu.memref_slice %arg17[%mul3A_319, %dma_start3A] : memref<256x64xf32, #tpu.memory_space<vmem>> -> memref<32x64xf32, #tpu.memory_space<vmem>>
        %dma_start3A_321 = arith.constant 0 : i32
        %dma_start3A_322 = arith.constant 0 : i32
        %dma_start3A_323 = tpu.memref_slice %arg7[%add3A_317, %dma_start3A_321, %dma_start3A_322] : memref<4096x32x64xf32, #tpu.memory_space<hbm>> -> memref<1x32x64xf32, #tpu.memory_space<hbm>>
        %dma_start3A_324 = tpu.memref_squeeze %dma_start3A_323 : memref<1x32x64xf32, #tpu.memory_space<hbm>> -> memref<32x64xf32, #tpu.memory_space<hbm>>
        %dma_start3A_325 = arith.constant 0 : i32
        %dma_start3A_326 = arith.constant 0 : i32
        %dma_start3A_327 = tpu.memref_slice %arg7[%add3A_317, %dma_start3A_325, %dma_start3A_326] : memref<4096x32x64xf32, #tpu.memory_space<hbm>> -> memref<1x32x64xf32, #tpu.memory_space<hbm>>
        %dma_start3A_328 = tpu.memref_squeeze %dma_start3A_327 : memref<1x32x64xf32, #tpu.memory_space<hbm>> -> memref<32x64xf32, #tpu.memory_space<hbm>>
        %dma_start3A_329 = arith.constant 0 : i32
        %dma_start3A_330 = tpu.memref_slice %arg17[%mul3A_319, %dma_start3A_329] : memref<256x64xf32, #tpu.memory_space<vmem>> -> memref<32x64xf32, #tpu.memory_space<vmem>>
        tpu.enqueue_dma source(%dma_start3A_330 : memref<32x64xf32, #tpu.memory_space<vmem>>) target(%dma_start3A_328 : memref<32x64xf32, #tpu.memory_space<hbm>>) target_semaphore(%arg19 : memref<!tpu.dma_semaphore, #tpu.memory_space<semaphore_mem>>)
        %mul3A_331 = arith.constant 32 : i32
        %mul3A_332 = arith.muli %scan3A_316, %mul3A_331 : i32
        %dma_start3A_333 = arith.constant 0 : i32
        %dma_start3A_334 = tpu.memref_slice %arg18[%mul3A_332, %dma_start3A_333] : memref<256x16xf32, #tpu.memory_space<vmem>> -> memref<32x16xf32, #tpu.memory_space<vmem>>
        %dma_start3A_335 = arith.constant 0 : i32
        %dma_start3A_336 = arith.constant 0 : i32
        %dma_start3A_337 = tpu.memref_slice %arg8[%add3A_317, %dma_start3A_335, %dma_start3A_336] : memref<4096x32x16xf32, #tpu.memory_space<hbm>> -> memref<1x32x16xf32, #tpu.memory_space<hbm>>
        %dma_start3A_338 = tpu.memref_squeeze %dma_start3A_337 : memref<1x32x16xf32, #tpu.memory_space<hbm>> -> memref<32x16xf32, #tpu.memory_space<hbm>>
        %dma_start3A_339 = arith.constant 0 : i32
        %dma_start3A_340 = arith.constant 0 : i32
        %dma_start3A_341 = tpu.memref_slice %arg8[%add3A_317, %dma_start3A_339, %dma_start3A_340] : memref<4096x32x16xf32, #tpu.memory_space<hbm>> -> memref<1x32x16xf32, #tpu.memory_space<hbm>>
        %dma_start3A_342 = tpu.memref_squeeze %dma_start3A_341 : memref<1x32x16xf32, #tpu.memory_space<hbm>> -> memref<32x16xf32, #tpu.memory_space<hbm>>
        %dma_start3A_343 = arith.constant 0 : i32
        %dma_start3A_344 = tpu.memref_slice %arg18[%mul3A_332, %dma_start3A_343] : memref<256x16xf32, #tpu.memory_space<vmem>> -> memref<32x16xf32, #tpu.memory_space<vmem>>
        tpu.enqueue_dma source(%dma_start3A_344 : memref<32x16xf32, #tpu.memory_space<vmem>>) target(%dma_start3A_342 : memref<32x16xf32, #tpu.memory_space<hbm>>) target_semaphore(%arg19 : memref<!tpu.dma_semaphore, #tpu.memory_space<semaphore_mem>>)
      }
      %scan3A_309 = arith.constant 8 : i32
      %scan3A_310 = arith.constant 0 : i32
      %scan3A_311 = arith.constant 0 : i32
      %scan3A_312 = arith.constant 8 : i32
      %scan3A_313 = arith.addi %scan3A_311, %scan3A_312 : i32
      %scan3A_314 = arith.constant 1 : i32
      scf.for %scan3A_316 = %scan3A_311 to %scan3A_313 step %scan3A_314  : i32 {
        %mul3A_317 = arith.constant 32 : i32
        %mul3A_318 = arith.muli %scan3A_316, %mul3A_317 : i32
        %add3A_319 = arith.addi %add3A_267, %scan3A_316 : i32
        %dma_wait3A = arith.constant 0 : i32
        %dma_wait3A_320 = tpu.memref_slice %arg17[%mul3A_318, %dma_wait3A] : memref<256x64xf32, #tpu.memory_space<vmem>> -> memref<32x64xf32, #tpu.memory_space<vmem>>
        %dma_wait3A_321 = arith.constant 0 : i32
        %dma_wait3A_322 = arith.constant 0 : i32
        %dma_wait3A_323 = tpu.memref_slice %arg7[%add3A_319, %dma_wait3A_321, %dma_wait3A_322] : memref<4096x32x64xf32, #tpu.memory_space<hbm>> -> memref<1x32x64xf32, #tpu.memory_space<hbm>>
        %dma_wait3A_324 = tpu.memref_squeeze %dma_wait3A_323 : memref<1x32x64xf32, #tpu.memory_space<hbm>> -> memref<32x64xf32, #tpu.memory_space<hbm>>
        %dma_wait3A_325 = arith.constant 0 : i32
        %dma_wait3A_326 = arith.constant 0 : i32
        %dma_wait3A_327 = tpu.memref_slice %arg7[%add3A_319, %dma_wait3A_325, %dma_wait3A_326] : memref<4096x32x64xf32, #tpu.memory_space<hbm>> -> memref<1x32x64xf32, #tpu.memory_space<hbm>>
        %dma_wait3A_328 = tpu.memref_squeeze %dma_wait3A_327 : memref<1x32x64xf32, #tpu.memory_space<hbm>> -> memref<32x64xf32, #tpu.memory_space<hbm>>
        %dma_wait3A_329 = arith.constant 0 : i32
        %dma_wait3A_330 = tpu.memref_slice %arg17[%mul3A_318, %dma_wait3A_329] : memref<256x64xf32, #tpu.memory_space<vmem>> -> memref<32x64xf32, #tpu.memory_space<vmem>>
        tpu.wait_dma2 semaphore(%arg19 : memref<!tpu.dma_semaphore, #tpu.memory_space<semaphore_mem>>) src(%dma_wait3A_330 : memref<32x64xf32, #tpu.memory_space<vmem>>) dst(%dma_wait3A_328 : memref<32x64xf32, #tpu.memory_space<hbm>>)
        %mul3A_331 = arith.constant 32 : i32
        %mul3A_332 = arith.muli %scan3A_316, %mul3A_331 : i32
        %add3A_333 = arith.addi %add3A_267, %scan3A_316 : i32
        %dma_wait3A_334 = arith.constant 0 : i32
        %dma_wait3A_335 = tpu.memref_slice %arg18[%mul3A_332, %dma_wait3A_334] : memref<256x16xf32, #tpu.memory_space<vmem>> -> memref<32x16xf32, #tpu.memory_space<vmem>>
        %dma_wait3A_336 = arith.constant 0 : i32
        %dma_wait3A_337 = arith.constant 0 : i32
        %dma_wait3A_338 = tpu.memref_slice %arg8[%add3A_333, %dma_wait3A_336, %dma_wait3A_337] : memref<4096x32x16xf32, #tpu.memory_space<hbm>> -> memref<1x32x16xf32, #tpu.memory_space<hbm>>
        %dma_wait3A_339 = tpu.memref_squeeze %dma_wait3A_338 : memref<1x32x16xf32, #tpu.memory_space<hbm>> -> memref<32x16xf32, #tpu.memory_space<hbm>>
        %dma_wait3A_340 = arith.constant 0 : i32
        %dma_wait3A_341 = arith.constant 0 : i32
        %dma_wait3A_342 = tpu.memref_slice %arg8[%add3A_333, %dma_wait3A_340, %dma_wait3A_341] : memref<4096x32x16xf32, #tpu.memory_space<hbm>> -> memref<1x32x16xf32, #tpu.memory_space<hbm>>
        %dma_wait3A_343 = tpu.memref_squeeze %dma_wait3A_342 : memref<1x32x16xf32, #tpu.memory_space<hbm>> -> memref<32x16xf32, #tpu.memory_space<hbm>>
        %dma_wait3A_344 = arith.constant 0 : i32
        %dma_wait3A_345 = tpu.memref_slice %arg18[%mul3A_332, %dma_wait3A_344] : memref<256x16xf32, #tpu.memory_space<vmem>> -> memref<32x16xf32, #tpu.memory_space<vmem>>
        tpu.wait_dma2 semaphore(%arg19 : memref<!tpu.dma_semaphore, #tpu.memory_space<semaphore_mem>>) src(%dma_wait3A_345 : memref<32x16xf32, #tpu.memory_space<vmem>>) dst(%dma_wait3A_343 : memref<32x16xf32, #tpu.memory_space<hbm>>)
      }
      %scan3A_315 = arith.constant 8 : i32
    }
    %scan3A_263 = arith.constant 16 : i32
    return
  }
}

module attributes {stable_mosaic.version = 14 : i64} {
  func.func @_fps_body(%arg0: memref<8x4096xf32, #tpu.memory_space<vmem>>, %arg1: memref<8x4096xf32, #tpu.memory_space<vmem>>, %arg2: memref<8x4096xf32, #tpu.memory_space<vmem>>, %arg3: memref<8x512xf32, #tpu.memory_space<vmem>>, %arg4: memref<8x512xf32, #tpu.memory_space<vmem>>, %arg5: memref<8x512xf32, #tpu.memory_space<vmem>>, %arg6: memref<8x4096xf32, #tpu.memory_space<vmem>>) attributes {dimension_semantics = [], scalar_prefetch = 0 : i64, scratch_operands = 1 : i64, tpu.core_type = #tpu.core_type<tc>} {
    %get3A = arith.constant 0 : index
    %get3A_0 = arith.constant 0 : index
    %get3A_1 = vector.load %arg0[%get3A, %get3A_0] : memref<8x4096xf32, #tpu.memory_space<vmem>>, vector<8x4096xf32>
    %get3A_2 = arith.constant 0 : index
    %get3A_3 = arith.constant 0 : index
    %get3A_4 = vector.load %arg1[%get3A_2, %get3A_3] : memref<8x4096xf32, #tpu.memory_space<vmem>>, vector<8x4096xf32>
    %get3A_5 = arith.constant 0 : index
    %get3A_6 = arith.constant 0 : index
    %get3A_7 = vector.load %arg2[%get3A_5, %get3A_6] : memref<8x4096xf32, #tpu.memory_space<vmem>>, vector<8x4096xf32>
    %iota3A = tpu.iota {dimensions = array<i32: 1>} : vector<8x4096xi32>
    %iota3A_8 = tpu.iota {dimensions = array<i32: 1>} : vector<8x128xi32>
    %broadcast_in_dim3A = arith.constant 1.000000e+10 : f32
    %broadcast_in_dim3A_9 = vector.broadcast %broadcast_in_dim3A : f32 to vector<8x4096xf32>
    %swap3A = arith.constant 0 : index
    %swap3A_10 = arith.constant 0 : index
    %swap3A_11 = vector.load %arg6[%swap3A, %swap3A_10] : memref<8x4096xf32, #tpu.memory_space<vmem>>, vector<8x4096xf32>
    tpu.vector_store %arg6[%swap3A, %swap3A_10], %broadcast_in_dim3A_9 {strides = array<i32>} : memref<8x4096xf32, #tpu.memory_space<vmem>>, vector<8x4096xf32>,
    %broadcast_in_dim3A_12 = arith.constant 0 : i32
    %broadcast_in_dim3A_13 = vector.broadcast %broadcast_in_dim3A_12 : i32 to vector<8x1xi32>
    %broadcast_in_dim3A_14 = arith.constant 0.000000e+00 : f32
    %broadcast_in_dim3A_15 = vector.broadcast %broadcast_in_dim3A_14 : f32 to vector<8x128xf32>
    %scan3A = arith.constant 0 : i32
    %scan3A_16 = arith.constant 128 : i32
    %scan3A_17 = arith.addi %scan3A, %scan3A_16 : i32
    %scan3A_18 = arith.constant 1 : i32
    %scan3A_19:4 = scf.for %scan3A_75 = %scan3A to %scan3A_17 step %scan3A_18 iter_args(%scan3A_76 = %broadcast_in_dim3A_13, %scan3A_77 = %broadcast_in_dim3A_15, %scan3A_78 = %broadcast_in_dim3A_15, %scan3A_79 = %broadcast_in_dim3A_15) -> (vector<8x1xi32>, vector<8x128xf32>, vector<8x128xf32>, vector<8x128xf32>)  : i32 {
      %eq3A = vector.broadcast %scan3A_76 : vector<8x1xi32> to vector<8x4096xi32>
      %eq3A_80 = arith.cmpi eq, %iota3A, %eq3A : vector<8x4096xi32>
      %jit3A = arith.constant 0xFF800000 : f32
      %broadcast_in_dim3A_81 = vector.broadcast %jit3A : f32 to vector<8x4096xf32>
      %select_n3A = arith.select %eq3A_80, %get3A_1, %broadcast_in_dim3A_81 : vector<8x4096xi1>, vector<8x4096xf32>
      %reduce_max3A = arith.constant dense<0xFF800000> : vector<8xf32>
      %reduce_max3A_82 = vector.multi_reduction <maximumf>, %select_n3A, %reduce_max3A [1] : vector<8x4096xf32> to vector<8xf32>
      %broadcast_in_dim3A_83 = vector.shape_cast %reduce_max3A_82 : vector<8xf32> to vector<8x1xf32>
      %jit3A_84 = arith.constant 0xFF800000 : f32
      %broadcast_in_dim3A_85 = vector.broadcast %jit3A_84 : f32 to vector<8x4096xf32>
      %select_n3A_86 = arith.select %eq3A_80, %get3A_4, %broadcast_in_dim3A_85 : vector<8x4096xi1>, vector<8x4096xf32>
      %reduce_max3A_87 = arith.constant dense<0xFF800000> : vector<8xf32>
      %reduce_max3A_88 = vector.multi_reduction <maximumf>, %select_n3A_86, %reduce_max3A_87 [1] : vector<8x4096xf32> to vector<8xf32>
      %broadcast_in_dim3A_89 = vector.shape_cast %reduce_max3A_88 : vector<8xf32> to vector<8x1xf32>
      %jit3A_90 = arith.constant 0xFF800000 : f32
      %broadcast_in_dim3A_91 = vector.broadcast %jit3A_90 : f32 to vector<8x4096xf32>
      %select_n3A_92 = arith.select %eq3A_80, %get3A_7, %broadcast_in_dim3A_91 : vector<8x4096xi1>, vector<8x4096xf32>
      %reduce_max3A_93 = arith.constant dense<0xFF800000> : vector<8xf32>
      %reduce_max3A_94 = vector.multi_reduction <maximumf>, %select_n3A_92, %reduce_max3A_93 [1] : vector<8x4096xf32> to vector<8xf32>
      %broadcast_in_dim3A_95 = vector.shape_cast %reduce_max3A_94 : vector<8xf32> to vector<8x1xf32>
      %eq3A_96 = vector.broadcast %scan3A_75 : i32 to vector<8x128xi32>
      %eq3A_97 = arith.cmpi eq, %iota3A_8, %eq3A_96 : vector<8x128xi32>
      %broadcast_in_dim3A_98 = vector.shape_cast %broadcast_in_dim3A_83 : vector<8x1xf32> to vector<8x1xf32>
      %broadcast_in_dim3A_99 = vector.broadcast %broadcast_in_dim3A_98 : vector<8x1xf32> to vector<8x128xf32>
      %select_n3A_100 = arith.select %eq3A_97, %broadcast_in_dim3A_99, %scan3A_77 : vector<8x128xi1>, vector<8x128xf32>
      %broadcast_in_dim3A_101 = vector.shape_cast %broadcast_in_dim3A_89 : vector<8x1xf32> to vector<8x1xf32>
      %broadcast_in_dim3A_102 = vector.broadcast %broadcast_in_dim3A_101 : vector<8x1xf32> to vector<8x128xf32>
      %select_n3A_103 = arith.select %eq3A_97, %broadcast_in_dim3A_102, %scan3A_78 : vector<8x128xi1>, vector<8x128xf32>
      %broadcast_in_dim3A_104 = vector.shape_cast %broadcast_in_dim3A_95 : vector<8x1xf32> to vector<8x1xf32>
      %broadcast_in_dim3A_105 = vector.broadcast %broadcast_in_dim3A_104 : vector<8x1xf32> to vector<8x128xf32>
      %select_n3A_106 = arith.select %eq3A_97, %broadcast_in_dim3A_105, %scan3A_79 : vector<8x128xi1>, vector<8x128xf32>
      %sub3A = vector.broadcast %broadcast_in_dim3A_83 : vector<8x1xf32> to vector<8x4096xf32>
      %sub3A_107 = arith.subf %get3A_1, %sub3A : vector<8x4096xf32>
      %sub3A_108 = vector.broadcast %broadcast_in_dim3A_89 : vector<8x1xf32> to vector<8x4096xf32>
      %sub3A_109 = arith.subf %get3A_4, %sub3A_108 : vector<8x4096xf32>
      %sub3A_110 = vector.broadcast %broadcast_in_dim3A_95 : vector<8x1xf32> to vector<8x4096xf32>
      %sub3A_111 = arith.subf %get3A_7, %sub3A_110 : vector<8x4096xf32>
      %mul3A = arith.mulf %sub3A_107, %sub3A_107 : vector<8x4096xf32>
      %mul3A_112 = arith.mulf %sub3A_109, %sub3A_109 : vector<8x4096xf32>
      %add3A = arith.addf %mul3A, %mul3A_112 : vector<8x4096xf32>
      %mul3A_113 = arith.mulf %sub3A_111, %sub3A_111 : vector<8x4096xf32>
      %add3A_114 = arith.addf %add3A, %mul3A_113 : vector<8x4096xf32>
      %get3A_115 = arith.constant 0 : index
      %get3A_116 = arith.constant 0 : index
      %get3A_117 = vector.load %arg6[%get3A_115, %get3A_116] : memref<8x4096xf32, #tpu.memory_space<vmem>>, vector<8x4096xf32>
      %min3A = arith.minimumf %get3A_117, %add3A_114 : vector<8x4096xf32>
      %swap3A_118 = arith.constant 0 : index
      %swap3A_119 = arith.constant 0 : index
      %swap3A_120 = vector.load %arg6[%swap3A_118, %swap3A_119] : memref<8x4096xf32, #tpu.memory_space<vmem>>, vector<8x4096xf32>
      tpu.vector_store %arg6[%swap3A_118, %swap3A_119], %min3A {strides = array<i32>} : memref<8x4096xf32, #tpu.memory_space<vmem>>, vector<8x4096xf32>,
      %reduce_max3A_121 = arith.constant dense<0xFF800000> : vector<8xf32>
      %reduce_max3A_122 = vector.multi_reduction <maximumf>, %min3A, %reduce_max3A_121 [1] : vector<8x4096xf32> to vector<8xf32>
      %broadcast_in_dim3A_123 = vector.shape_cast %reduce_max3A_122 : vector<8xf32> to vector<8x1xf32>
      %eq3A_124 = vector.broadcast %broadcast_in_dim3A_123 : vector<8x1xf32> to vector<8x4096xf32>
      %eq3A_125 = arith.cmpf oeq, %min3A, %eq3A_124 : vector<8x4096xf32>
      %jit3A_126 = arith.constant 4096 : i32
      %broadcast_in_dim3A_127 = vector.broadcast %jit3A_126 : i32 to vector<8x4096xi32>
      %select_n3A_128 = arith.select %eq3A_125, %iota3A, %broadcast_in_dim3A_127 : vector<8x4096xi1>, vector<8x4096xi32>
      %reduce_min3A = arith.constant dense<2147483647> : vector<8xi32>
      %reduce_min3A_129 = vector.multi_reduction <minsi>, %select_n3A_128, %reduce_min3A [1] : vector<8x4096xi32> to vector<8xi32>
      %broadcast_in_dim3A_130 = vector.shape_cast %reduce_min3A_129 : vector<8xi32> to vector<8x1xi32>
      scf.yield %broadcast_in_dim3A_130, %select_n3A_100, %select_n3A_103, %select_n3A_106 : vector<8x1xi32>, vector<8x128xf32>, vector<8x128xf32>, vector<8x128xf32>
    }
    %scan3A_20 = arith.constant 128 : i32
    %swap3A_21 = arith.constant 0 : index
    %swap3A_22 = arith.constant 0 : index
    %swap3A_23 = vector.load %arg3[%swap3A_21, %swap3A_22] : memref<8x512xf32, #tpu.memory_space<vmem>>, vector<8x128xf32>
    tpu.vector_store %arg3[%swap3A_21, %swap3A_22], %scan3A_19#1 {strides = array<i32>} : memref<8x512xf32, #tpu.memory_space<vmem>>, vector<8x128xf32>,
    %swap3A_24 = arith.constant 0 : index
    %swap3A_25 = arith.constant 0 : index
    %swap3A_26 = vector.load %arg4[%swap3A_24, %swap3A_25] : memref<8x512xf32, #tpu.memory_space<vmem>>, vector<8x128xf32>
    tpu.vector_store %arg4[%swap3A_24, %swap3A_25], %scan3A_19#2 {strides = array<i32>} : memref<8x512xf32, #tpu.memory_space<vmem>>, vector<8x128xf32>,
    %swap3A_27 = arith.constant 0 : index
    %swap3A_28 = arith.constant 0 : index
    %swap3A_29 = vector.load %arg5[%swap3A_27, %swap3A_28] : memref<8x512xf32, #tpu.memory_space<vmem>>, vector<8x128xf32>
    tpu.vector_store %arg5[%swap3A_27, %swap3A_28], %scan3A_19#3 {strides = array<i32>} : memref<8x512xf32, #tpu.memory_space<vmem>>, vector<8x128xf32>,
    %scan3A_30 = arith.constant 0 : i32
    %scan3A_31 = arith.constant 128 : i32
    %scan3A_32 = arith.addi %scan3A_30, %scan3A_31 : i32
    %scan3A_33 = arith.constant 1 : i32
    %scan3A_34:4 = scf.for %scan3A_75 = %scan3A_30 to %scan3A_32 step %scan3A_33 iter_args(%scan3A_76 = %scan3A_19#0, %scan3A_77 = %broadcast_in_dim3A_15, %scan3A_78 = %broadcast_in_dim3A_15, %scan3A_79 = %broadcast_in_dim3A_15) -> (vector<8x1xi32>, vector<8x128xf32>, vector<8x128xf32>, vector<8x128xf32>)  : i32 {
      %eq3A = vector.broadcast %scan3A_76 : vector<8x1xi32> to vector<8x4096xi32>
      %eq3A_80 = arith.cmpi eq, %iota3A, %eq3A : vector<8x4096xi32>
      %jit3A = arith.constant 0xFF800000 : f32
      %broadcast_in_dim3A_81 = vector.broadcast %jit3A : f32 to vector<8x4096xf32>
      %select_n3A = arith.select %eq3A_80, %get3A_1, %broadcast_in_dim3A_81 : vector<8x4096xi1>, vector<8x4096xf32>
      %reduce_max3A = arith.constant dense<0xFF800000> : vector<8xf32>
      %reduce_max3A_82 = vector.multi_reduction <maximumf>, %select_n3A, %reduce_max3A [1] : vector<8x4096xf32> to vector<8xf32>
      %broadcast_in_dim3A_83 = vector.shape_cast %reduce_max3A_82 : vector<8xf32> to vector<8x1xf32>
      %jit3A_84 = arith.constant 0xFF800000 : f32
      %broadcast_in_dim3A_85 = vector.broadcast %jit3A_84 : f32 to vector<8x4096xf32>
      %select_n3A_86 = arith.select %eq3A_80, %get3A_4, %broadcast_in_dim3A_85 : vector<8x4096xi1>, vector<8x4096xf32>
      %reduce_max3A_87 = arith.constant dense<0xFF800000> : vector<8xf32>
      %reduce_max3A_88 = vector.multi_reduction <maximumf>, %select_n3A_86, %reduce_max3A_87 [1] : vector<8x4096xf32> to vector<8xf32>
      %broadcast_in_dim3A_89 = vector.shape_cast %reduce_max3A_88 : vector<8xf32> to vector<8x1xf32>
      %jit3A_90 = arith.constant 0xFF800000 : f32
      %broadcast_in_dim3A_91 = vector.broadcast %jit3A_90 : f32 to vector<8x4096xf32>
      %select_n3A_92 = arith.select %eq3A_80, %get3A_7, %broadcast_in_dim3A_91 : vector<8x4096xi1>, vector<8x4096xf32>
      %reduce_max3A_93 = arith.constant dense<0xFF800000> : vector<8xf32>
      %reduce_max3A_94 = vector.multi_reduction <maximumf>, %select_n3A_92, %reduce_max3A_93 [1] : vector<8x4096xf32> to vector<8xf32>
      %broadcast_in_dim3A_95 = vector.shape_cast %reduce_max3A_94 : vector<8xf32> to vector<8x1xf32>
      %eq3A_96 = vector.broadcast %scan3A_75 : i32 to vector<8x128xi32>
      %eq3A_97 = arith.cmpi eq, %iota3A_8, %eq3A_96 : vector<8x128xi32>
      %broadcast_in_dim3A_98 = vector.shape_cast %broadcast_in_dim3A_83 : vector<8x1xf32> to vector<8x1xf32>
      %broadcast_in_dim3A_99 = vector.broadcast %broadcast_in_dim3A_98 : vector<8x1xf32> to vector<8x128xf32>
      %select_n3A_100 = arith.select %eq3A_97, %broadcast_in_dim3A_99, %scan3A_77 : vector<8x128xi1>, vector<8x128xf32>
      %broadcast_in_dim3A_101 = vector.shape_cast %broadcast_in_dim3A_89 : vector<8x1xf32> to vector<8x1xf32>
      %broadcast_in_dim3A_102 = vector.broadcast %broadcast_in_dim3A_101 : vector<8x1xf32> to vector<8x128xf32>
      %select_n3A_103 = arith.select %eq3A_97, %broadcast_in_dim3A_102, %scan3A_78 : vector<8x128xi1>, vector<8x128xf32>
      %broadcast_in_dim3A_104 = vector.shape_cast %broadcast_in_dim3A_95 : vector<8x1xf32> to vector<8x1xf32>
      %broadcast_in_dim3A_105 = vector.broadcast %broadcast_in_dim3A_104 : vector<8x1xf32> to vector<8x128xf32>
      %select_n3A_106 = arith.select %eq3A_97, %broadcast_in_dim3A_105, %scan3A_79 : vector<8x128xi1>, vector<8x128xf32>
      %sub3A = vector.broadcast %broadcast_in_dim3A_83 : vector<8x1xf32> to vector<8x4096xf32>
      %sub3A_107 = arith.subf %get3A_1, %sub3A : vector<8x4096xf32>
      %sub3A_108 = vector.broadcast %broadcast_in_dim3A_89 : vector<8x1xf32> to vector<8x4096xf32>
      %sub3A_109 = arith.subf %get3A_4, %sub3A_108 : vector<8x4096xf32>
      %sub3A_110 = vector.broadcast %broadcast_in_dim3A_95 : vector<8x1xf32> to vector<8x4096xf32>
      %sub3A_111 = arith.subf %get3A_7, %sub3A_110 : vector<8x4096xf32>
      %mul3A = arith.mulf %sub3A_107, %sub3A_107 : vector<8x4096xf32>
      %mul3A_112 = arith.mulf %sub3A_109, %sub3A_109 : vector<8x4096xf32>
      %add3A = arith.addf %mul3A, %mul3A_112 : vector<8x4096xf32>
      %mul3A_113 = arith.mulf %sub3A_111, %sub3A_111 : vector<8x4096xf32>
      %add3A_114 = arith.addf %add3A, %mul3A_113 : vector<8x4096xf32>
      %get3A_115 = arith.constant 0 : index
      %get3A_116 = arith.constant 0 : index
      %get3A_117 = vector.load %arg6[%get3A_115, %get3A_116] : memref<8x4096xf32, #tpu.memory_space<vmem>>, vector<8x4096xf32>
      %min3A = arith.minimumf %get3A_117, %add3A_114 : vector<8x4096xf32>
      %swap3A_118 = arith.constant 0 : index
      %swap3A_119 = arith.constant 0 : index
      %swap3A_120 = vector.load %arg6[%swap3A_118, %swap3A_119] : memref<8x4096xf32, #tpu.memory_space<vmem>>, vector<8x4096xf32>
      tpu.vector_store %arg6[%swap3A_118, %swap3A_119], %min3A {strides = array<i32>} : memref<8x4096xf32, #tpu.memory_space<vmem>>, vector<8x4096xf32>,
      %reduce_max3A_121 = arith.constant dense<0xFF800000> : vector<8xf32>
      %reduce_max3A_122 = vector.multi_reduction <maximumf>, %min3A, %reduce_max3A_121 [1] : vector<8x4096xf32> to vector<8xf32>
      %broadcast_in_dim3A_123 = vector.shape_cast %reduce_max3A_122 : vector<8xf32> to vector<8x1xf32>
      %eq3A_124 = vector.broadcast %broadcast_in_dim3A_123 : vector<8x1xf32> to vector<8x4096xf32>
      %eq3A_125 = arith.cmpf oeq, %min3A, %eq3A_124 : vector<8x4096xf32>
      %jit3A_126 = arith.constant 4096 : i32
      %broadcast_in_dim3A_127 = vector.broadcast %jit3A_126 : i32 to vector<8x4096xi32>
      %select_n3A_128 = arith.select %eq3A_125, %iota3A, %broadcast_in_dim3A_127 : vector<8x4096xi1>, vector<8x4096xi32>
      %reduce_min3A = arith.constant dense<2147483647> : vector<8xi32>
      %reduce_min3A_129 = vector.multi_reduction <minsi>, %select_n3A_128, %reduce_min3A [1] : vector<8x4096xi32> to vector<8xi32>
      %broadcast_in_dim3A_130 = vector.shape_cast %reduce_min3A_129 : vector<8xi32> to vector<8x1xi32>
      scf.yield %broadcast_in_dim3A_130, %select_n3A_100, %select_n3A_103, %select_n3A_106 : vector<8x1xi32>, vector<8x128xf32>, vector<8x128xf32>, vector<8x128xf32>
    }
    %scan3A_35 = arith.constant 128 : i32
    %swap3A_36 = arith.constant 0 : index
    %swap3A_37 = arith.constant 128 : index
    %swap3A_38 = vector.load %arg3[%swap3A_36, %swap3A_37] : memref<8x512xf32, #tpu.memory_space<vmem>>, vector<8x128xf32>
    tpu.vector_store %arg3[%swap3A_36, %swap3A_37], %scan3A_34#1 {strides = array<i32>} : memref<8x512xf32, #tpu.memory_space<vmem>>, vector<8x128xf32>,
    %swap3A_39 = arith.constant 0 : index
    %swap3A_40 = arith.constant 128 : index
    %swap3A_41 = vector.load %arg4[%swap3A_39, %swap3A_40] : memref<8x512xf32, #tpu.memory_space<vmem>>, vector<8x128xf32>
    tpu.vector_store %arg4[%swap3A_39, %swap3A_40], %scan3A_34#2 {strides = array<i32>} : memref<8x512xf32, #tpu.memory_space<vmem>>, vector<8x128xf32>,
    %swap3A_42 = arith.constant 0 : index
    %swap3A_43 = arith.constant 128 : index
    %swap3A_44 = vector.load %arg5[%swap3A_42, %swap3A_43] : memref<8x512xf32, #tpu.memory_space<vmem>>, vector<8x128xf32>
    tpu.vector_store %arg5[%swap3A_42, %swap3A_43], %scan3A_34#3 {strides = array<i32>} : memref<8x512xf32, #tpu.memory_space<vmem>>, vector<8x128xf32>,
    %scan3A_45 = arith.constant 0 : i32
    %scan3A_46 = arith.constant 128 : i32
    %scan3A_47 = arith.addi %scan3A_45, %scan3A_46 : i32
    %scan3A_48 = arith.constant 1 : i32
    %scan3A_49:4 = scf.for %scan3A_75 = %scan3A_45 to %scan3A_47 step %scan3A_48 iter_args(%scan3A_76 = %scan3A_34#0, %scan3A_77 = %broadcast_in_dim3A_15, %scan3A_78 = %broadcast_in_dim3A_15, %scan3A_79 = %broadcast_in_dim3A_15) -> (vector<8x1xi32>, vector<8x128xf32>, vector<8x128xf32>, vector<8x128xf32>)  : i32 {
      %eq3A = vector.broadcast %scan3A_76 : vector<8x1xi32> to vector<8x4096xi32>
      %eq3A_80 = arith.cmpi eq, %iota3A, %eq3A : vector<8x4096xi32>
      %jit3A = arith.constant 0xFF800000 : f32
      %broadcast_in_dim3A_81 = vector.broadcast %jit3A : f32 to vector<8x4096xf32>
      %select_n3A = arith.select %eq3A_80, %get3A_1, %broadcast_in_dim3A_81 : vector<8x4096xi1>, vector<8x4096xf32>
      %reduce_max3A = arith.constant dense<0xFF800000> : vector<8xf32>
      %reduce_max3A_82 = vector.multi_reduction <maximumf>, %select_n3A, %reduce_max3A [1] : vector<8x4096xf32> to vector<8xf32>
      %broadcast_in_dim3A_83 = vector.shape_cast %reduce_max3A_82 : vector<8xf32> to vector<8x1xf32>
      %jit3A_84 = arith.constant 0xFF800000 : f32
      %broadcast_in_dim3A_85 = vector.broadcast %jit3A_84 : f32 to vector<8x4096xf32>
      %select_n3A_86 = arith.select %eq3A_80, %get3A_4, %broadcast_in_dim3A_85 : vector<8x4096xi1>, vector<8x4096xf32>
      %reduce_max3A_87 = arith.constant dense<0xFF800000> : vector<8xf32>
      %reduce_max3A_88 = vector.multi_reduction <maximumf>, %select_n3A_86, %reduce_max3A_87 [1] : vector<8x4096xf32> to vector<8xf32>
      %broadcast_in_dim3A_89 = vector.shape_cast %reduce_max3A_88 : vector<8xf32> to vector<8x1xf32>
      %jit3A_90 = arith.constant 0xFF800000 : f32
      %broadcast_in_dim3A_91 = vector.broadcast %jit3A_90 : f32 to vector<8x4096xf32>
      %select_n3A_92 = arith.select %eq3A_80, %get3A_7, %broadcast_in_dim3A_91 : vector<8x4096xi1>, vector<8x4096xf32>
      %reduce_max3A_93 = arith.constant dense<0xFF800000> : vector<8xf32>
      %reduce_max3A_94 = vector.multi_reduction <maximumf>, %select_n3A_92, %reduce_max3A_93 [1] : vector<8x4096xf32> to vector<8xf32>
      %broadcast_in_dim3A_95 = vector.shape_cast %reduce_max3A_94 : vector<8xf32> to vector<8x1xf32>
      %eq3A_96 = vector.broadcast %scan3A_75 : i32 to vector<8x128xi32>
      %eq3A_97 = arith.cmpi eq, %iota3A_8, %eq3A_96 : vector<8x128xi32>
      %broadcast_in_dim3A_98 = vector.shape_cast %broadcast_in_dim3A_83 : vector<8x1xf32> to vector<8x1xf32>
      %broadcast_in_dim3A_99 = vector.broadcast %broadcast_in_dim3A_98 : vector<8x1xf32> to vector<8x128xf32>
      %select_n3A_100 = arith.select %eq3A_97, %broadcast_in_dim3A_99, %scan3A_77 : vector<8x128xi1>, vector<8x128xf32>
      %broadcast_in_dim3A_101 = vector.shape_cast %broadcast_in_dim3A_89 : vector<8x1xf32> to vector<8x1xf32>
      %broadcast_in_dim3A_102 = vector.broadcast %broadcast_in_dim3A_101 : vector<8x1xf32> to vector<8x128xf32>
      %select_n3A_103 = arith.select %eq3A_97, %broadcast_in_dim3A_102, %scan3A_78 : vector<8x128xi1>, vector<8x128xf32>
      %broadcast_in_dim3A_104 = vector.shape_cast %broadcast_in_dim3A_95 : vector<8x1xf32> to vector<8x1xf32>
      %broadcast_in_dim3A_105 = vector.broadcast %broadcast_in_dim3A_104 : vector<8x1xf32> to vector<8x128xf32>
      %select_n3A_106 = arith.select %eq3A_97, %broadcast_in_dim3A_105, %scan3A_79 : vector<8x128xi1>, vector<8x128xf32>
      %sub3A = vector.broadcast %broadcast_in_dim3A_83 : vector<8x1xf32> to vector<8x4096xf32>
      %sub3A_107 = arith.subf %get3A_1, %sub3A : vector<8x4096xf32>
      %sub3A_108 = vector.broadcast %broadcast_in_dim3A_89 : vector<8x1xf32> to vector<8x4096xf32>
      %sub3A_109 = arith.subf %get3A_4, %sub3A_108 : vector<8x4096xf32>
      %sub3A_110 = vector.broadcast %broadcast_in_dim3A_95 : vector<8x1xf32> to vector<8x4096xf32>
      %sub3A_111 = arith.subf %get3A_7, %sub3A_110 : vector<8x4096xf32>
      %mul3A = arith.mulf %sub3A_107, %sub3A_107 : vector<8x4096xf32>
      %mul3A_112 = arith.mulf %sub3A_109, %sub3A_109 : vector<8x4096xf32>
      %add3A = arith.addf %mul3A, %mul3A_112 : vector<8x4096xf32>
      %mul3A_113 = arith.mulf %sub3A_111, %sub3A_111 : vector<8x4096xf32>
      %add3A_114 = arith.addf %add3A, %mul3A_113 : vector<8x4096xf32>
      %get3A_115 = arith.constant 0 : index
      %get3A_116 = arith.constant 0 : index
      %get3A_117 = vector.load %arg6[%get3A_115, %get3A_116] : memref<8x4096xf32, #tpu.memory_space<vmem>>, vector<8x4096xf32>
      %min3A = arith.minimumf %get3A_117, %add3A_114 : vector<8x4096xf32>
      %swap3A_118 = arith.constant 0 : index
      %swap3A_119 = arith.constant 0 : index
      %swap3A_120 = vector.load %arg6[%swap3A_118, %swap3A_119] : memref<8x4096xf32, #tpu.memory_space<vmem>>, vector<8x4096xf32>
      tpu.vector_store %arg6[%swap3A_118, %swap3A_119], %min3A {strides = array<i32>} : memref<8x4096xf32, #tpu.memory_space<vmem>>, vector<8x4096xf32>,
      %reduce_max3A_121 = arith.constant dense<0xFF800000> : vector<8xf32>
      %reduce_max3A_122 = vector.multi_reduction <maximumf>, %min3A, %reduce_max3A_121 [1] : vector<8x4096xf32> to vector<8xf32>
      %broadcast_in_dim3A_123 = vector.shape_cast %reduce_max3A_122 : vector<8xf32> to vector<8x1xf32>
      %eq3A_124 = vector.broadcast %broadcast_in_dim3A_123 : vector<8x1xf32> to vector<8x4096xf32>
      %eq3A_125 = arith.cmpf oeq, %min3A, %eq3A_124 : vector<8x4096xf32>
      %jit3A_126 = arith.constant 4096 : i32
      %broadcast_in_dim3A_127 = vector.broadcast %jit3A_126 : i32 to vector<8x4096xi32>
      %select_n3A_128 = arith.select %eq3A_125, %iota3A, %broadcast_in_dim3A_127 : vector<8x4096xi1>, vector<8x4096xi32>
      %reduce_min3A = arith.constant dense<2147483647> : vector<8xi32>
      %reduce_min3A_129 = vector.multi_reduction <minsi>, %select_n3A_128, %reduce_min3A [1] : vector<8x4096xi32> to vector<8xi32>
      %broadcast_in_dim3A_130 = vector.shape_cast %reduce_min3A_129 : vector<8xi32> to vector<8x1xi32>
      scf.yield %broadcast_in_dim3A_130, %select_n3A_100, %select_n3A_103, %select_n3A_106 : vector<8x1xi32>, vector<8x128xf32>, vector<8x128xf32>, vector<8x128xf32>
    }
    %scan3A_50 = arith.constant 128 : i32
    %swap3A_51 = arith.constant 0 : index
    %swap3A_52 = arith.constant 256 : index
    %swap3A_53 = vector.load %arg3[%swap3A_51, %swap3A_52] : memref<8x512xf32, #tpu.memory_space<vmem>>, vector<8x128xf32>
    tpu.vector_store %arg3[%swap3A_51, %swap3A_52], %scan3A_49#1 {strides = array<i32>} : memref<8x512xf32, #tpu.memory_space<vmem>>, vector<8x128xf32>,
    %swap3A_54 = arith.constant 0 : index
    %swap3A_55 = arith.constant 256 : index
    %swap3A_56 = vector.load %arg4[%swap3A_54, %swap3A_55] : memref<8x512xf32, #tpu.memory_space<vmem>>, vector<8x128xf32>
    tpu.vector_store %arg4[%swap3A_54, %swap3A_55], %scan3A_49#2 {strides = array<i32>} : memref<8x512xf32, #tpu.memory_space<vmem>>, vector<8x128xf32>,
    %swap3A_57 = arith.constant 0 : index
    %swap3A_58 = arith.constant 256 : index
    %swap3A_59 = vector.load %arg5[%swap3A_57, %swap3A_58] : memref<8x512xf32, #tpu.memory_space<vmem>>, vector<8x128xf32>
    tpu.vector_store %arg5[%swap3A_57, %swap3A_58], %scan3A_49#3 {strides = array<i32>} : memref<8x512xf32, #tpu.memory_space<vmem>>, vector<8x128xf32>,
    %scan3A_60 = arith.constant 0 : i32
    %scan3A_61 = arith.constant 128 : i32
    %scan3A_62 = arith.addi %scan3A_60, %scan3A_61 : i32
    %scan3A_63 = arith.constant 1 : i32
    %scan3A_64:4 = scf.for %scan3A_75 = %scan3A_60 to %scan3A_62 step %scan3A_63 iter_args(%scan3A_76 = %scan3A_49#0, %scan3A_77 = %broadcast_in_dim3A_15, %scan3A_78 = %broadcast_in_dim3A_15, %scan3A_79 = %broadcast_in_dim3A_15) -> (vector<8x1xi32>, vector<8x128xf32>, vector<8x128xf32>, vector<8x128xf32>)  : i32 {
      %eq3A = vector.broadcast %scan3A_76 : vector<8x1xi32> to vector<8x4096xi32>
      %eq3A_80 = arith.cmpi eq, %iota3A, %eq3A : vector<8x4096xi32>
      %jit3A = arith.constant 0xFF800000 : f32
      %broadcast_in_dim3A_81 = vector.broadcast %jit3A : f32 to vector<8x4096xf32>
      %select_n3A = arith.select %eq3A_80, %get3A_1, %broadcast_in_dim3A_81 : vector<8x4096xi1>, vector<8x4096xf32>
      %reduce_max3A = arith.constant dense<0xFF800000> : vector<8xf32>
      %reduce_max3A_82 = vector.multi_reduction <maximumf>, %select_n3A, %reduce_max3A [1] : vector<8x4096xf32> to vector<8xf32>
      %broadcast_in_dim3A_83 = vector.shape_cast %reduce_max3A_82 : vector<8xf32> to vector<8x1xf32>
      %jit3A_84 = arith.constant 0xFF800000 : f32
      %broadcast_in_dim3A_85 = vector.broadcast %jit3A_84 : f32 to vector<8x4096xf32>
      %select_n3A_86 = arith.select %eq3A_80, %get3A_4, %broadcast_in_dim3A_85 : vector<8x4096xi1>, vector<8x4096xf32>
      %reduce_max3A_87 = arith.constant dense<0xFF800000> : vector<8xf32>
      %reduce_max3A_88 = vector.multi_reduction <maximumf>, %select_n3A_86, %reduce_max3A_87 [1] : vector<8x4096xf32> to vector<8xf32>
      %broadcast_in_dim3A_89 = vector.shape_cast %reduce_max3A_88 : vector<8xf32> to vector<8x1xf32>
      %jit3A_90 = arith.constant 0xFF800000 : f32
      %broadcast_in_dim3A_91 = vector.broadcast %jit3A_90 : f32 to vector<8x4096xf32>
      %select_n3A_92 = arith.select %eq3A_80, %get3A_7, %broadcast_in_dim3A_91 : vector<8x4096xi1>, vector<8x4096xf32>
      %reduce_max3A_93 = arith.constant dense<0xFF800000> : vector<8xf32>
      %reduce_max3A_94 = vector.multi_reduction <maximumf>, %select_n3A_92, %reduce_max3A_93 [1] : vector<8x4096xf32> to vector<8xf32>
      %broadcast_in_dim3A_95 = vector.shape_cast %reduce_max3A_94 : vector<8xf32> to vector<8x1xf32>
      %eq3A_96 = vector.broadcast %scan3A_75 : i32 to vector<8x128xi32>
      %eq3A_97 = arith.cmpi eq, %iota3A_8, %eq3A_96 : vector<8x128xi32>
      %broadcast_in_dim3A_98 = vector.shape_cast %broadcast_in_dim3A_83 : vector<8x1xf32> to vector<8x1xf32>
      %broadcast_in_dim3A_99 = vector.broadcast %broadcast_in_dim3A_98 : vector<8x1xf32> to vector<8x128xf32>
      %select_n3A_100 = arith.select %eq3A_97, %broadcast_in_dim3A_99, %scan3A_77 : vector<8x128xi1>, vector<8x128xf32>
      %broadcast_in_dim3A_101 = vector.shape_cast %broadcast_in_dim3A_89 : vector<8x1xf32> to vector<8x1xf32>
      %broadcast_in_dim3A_102 = vector.broadcast %broadcast_in_dim3A_101 : vector<8x1xf32> to vector<8x128xf32>
      %select_n3A_103 = arith.select %eq3A_97, %broadcast_in_dim3A_102, %scan3A_78 : vector<8x128xi1>, vector<8x128xf32>
      %broadcast_in_dim3A_104 = vector.shape_cast %broadcast_in_dim3A_95 : vector<8x1xf32> to vector<8x1xf32>
      %broadcast_in_dim3A_105 = vector.broadcast %broadcast_in_dim3A_104 : vector<8x1xf32> to vector<8x128xf32>
      %select_n3A_106 = arith.select %eq3A_97, %broadcast_in_dim3A_105, %scan3A_79 : vector<8x128xi1>, vector<8x128xf32>
      %sub3A = vector.broadcast %broadcast_in_dim3A_83 : vector<8x1xf32> to vector<8x4096xf32>
      %sub3A_107 = arith.subf %get3A_1, %sub3A : vector<8x4096xf32>
      %sub3A_108 = vector.broadcast %broadcast_in_dim3A_89 : vector<8x1xf32> to vector<8x4096xf32>
      %sub3A_109 = arith.subf %get3A_4, %sub3A_108 : vector<8x4096xf32>
      %sub3A_110 = vector.broadcast %broadcast_in_dim3A_95 : vector<8x1xf32> to vector<8x4096xf32>
      %sub3A_111 = arith.subf %get3A_7, %sub3A_110 : vector<8x4096xf32>
      %mul3A = arith.mulf %sub3A_107, %sub3A_107 : vector<8x4096xf32>
      %mul3A_112 = arith.mulf %sub3A_109, %sub3A_109 : vector<8x4096xf32>
      %add3A = arith.addf %mul3A, %mul3A_112 : vector<8x4096xf32>
      %mul3A_113 = arith.mulf %sub3A_111, %sub3A_111 : vector<8x4096xf32>
      %add3A_114 = arith.addf %add3A, %mul3A_113 : vector<8x4096xf32>
      %get3A_115 = arith.constant 0 : index
      %get3A_116 = arith.constant 0 : index
      %get3A_117 = vector.load %arg6[%get3A_115, %get3A_116] : memref<8x4096xf32, #tpu.memory_space<vmem>>, vector<8x4096xf32>
      %min3A = arith.minimumf %get3A_117, %add3A_114 : vector<8x4096xf32>
      %swap3A_118 = arith.constant 0 : index
      %swap3A_119 = arith.constant 0 : index
      %swap3A_120 = vector.load %arg6[%swap3A_118, %swap3A_119] : memref<8x4096xf32, #tpu.memory_space<vmem>>, vector<8x4096xf32>
      tpu.vector_store %arg6[%swap3A_118, %swap3A_119], %min3A {strides = array<i32>} : memref<8x4096xf32, #tpu.memory_space<vmem>>, vector<8x4096xf32>,
      %reduce_max3A_121 = arith.constant dense<0xFF800000> : vector<8xf32>
      %reduce_max3A_122 = vector.multi_reduction <maximumf>, %min3A, %reduce_max3A_121 [1] : vector<8x4096xf32> to vector<8xf32>
      %broadcast_in_dim3A_123 = vector.shape_cast %reduce_max3A_122 : vector<8xf32> to vector<8x1xf32>
      %eq3A_124 = vector.broadcast %broadcast_in_dim3A_123 : vector<8x1xf32> to vector<8x4096xf32>
      %eq3A_125 = arith.cmpf oeq, %min3A, %eq3A_124 : vector<8x4096xf32>
      %jit3A_126 = arith.constant 4096 : i32
      %broadcast_in_dim3A_127 = vector.broadcast %jit3A_126 : i32 to vector<8x4096xi32>
      %select_n3A_128 = arith.select %eq3A_125, %iota3A, %broadcast_in_dim3A_127 : vector<8x4096xi1>, vector<8x4096xi32>
      %reduce_min3A = arith.constant dense<2147483647> : vector<8xi32>
      %reduce_min3A_129 = vector.multi_reduction <minsi>, %select_n3A_128, %reduce_min3A [1] : vector<8x4096xi32> to vector<8xi32>
      %broadcast_in_dim3A_130 = vector.shape_cast %reduce_min3A_129 : vector<8xi32> to vector<8x1xi32>
      scf.yield %broadcast_in_dim3A_130, %select_n3A_100, %select_n3A_103, %select_n3A_106 : vector<8x1xi32>, vector<8x128xf32>, vector<8x128xf32>, vector<8x128xf32>
    }
    %scan3A_65 = arith.constant 128 : i32
    %swap3A_66 = arith.constant 0 : index
    %swap3A_67 = arith.constant 384 : index
    %swap3A_68 = vector.load %arg3[%swap3A_66, %swap3A_67] : memref<8x512xf32, #tpu.memory_space<vmem>>, vector<8x128xf32>
    tpu.vector_store %arg3[%swap3A_66, %swap3A_67], %scan3A_64#1 {strides = array<i32>} : memref<8x512xf32, #tpu.memory_space<vmem>>, vector<8x128xf32>,
    %swap3A_69 = arith.constant 0 : index
    %swap3A_70 = arith.constant 384 : index
    %swap3A_71 = vector.load %arg4[%swap3A_69, %swap3A_70] : memref<8x512xf32, #tpu.memory_space<vmem>>, vector<8x128xf32>
    tpu.vector_store %arg4[%swap3A_69, %swap3A_70], %scan3A_64#2 {strides = array<i32>} : memref<8x512xf32, #tpu.memory_space<vmem>>, vector<8x128xf32>,
    %swap3A_72 = arith.constant 0 : index
    %swap3A_73 = arith.constant 384 : index
    %swap3A_74 = vector.load %arg5[%swap3A_72, %swap3A_73] : memref<8x512xf32, #tpu.memory_space<vmem>>, vector<8x128xf32>
    tpu.vector_store %arg5[%swap3A_72, %swap3A_73], %scan3A_64#3 {strides = array<i32>} : memref<8x512xf32, #tpu.memory_space<vmem>>, vector<8x128xf32>,
    return
  }
}

module attributes {stable_mosaic.version = 14 : i64} {
  func.func @_knn_body(%arg0: i32, %arg1: i32, %arg2: memref<1x1x4096xf32, #tpu.memory_space<vmem>>, %arg3: memref<1x1x4096xf32, #tpu.memory_space<vmem>>, %arg4: memref<1x1x4096xf32, #tpu.memory_space<vmem>>, %arg5: memref<1x1x4096xf32, #tpu.memory_space<vmem>>, %arg6: memref<1x1x4096xf32, #tpu.memory_space<vmem>>, %arg7: memref<1x1x4096xf32, #tpu.memory_space<vmem>>, %arg8: memref<1x128x1xf32, #tpu.memory_space<vmem>>, %arg9: memref<1x128x1xf32, #tpu.memory_space<vmem>>, %arg10: memref<1x128x1xf32, #tpu.memory_space<vmem>>, %arg11: memref<1x128x4096xi32, #tpu.memory_space<vmem>>, %arg12: memref<1x128x256xi32, #tpu.memory_space<vmem>>, %arg13: memref<1x128x1xi32, #tpu.memory_space<vmem>>) attributes {dimension_semantics = [#tpu.dimension_semantics<arbitrary>, #tpu.dimension_semantics<arbitrary>], iteration_bounds = array<i64: 8, 4>, scalar_prefetch = 0 : i64, scratch_operands = 0 : i64, tpu.core_type = #tpu.core_type<tc>, window_params = [{transform_indices = @transform_0, window_bounds = array<i64: 1, 1, 4096>}, {transform_indices = @transform_1, window_bounds = array<i64: 1, 1, 4096>}, {transform_indices = @transform_2, window_bounds = array<i64: 1, 1, 4096>}, {transform_indices = @transform_3, window_bounds = array<i64: 1, 1, 4096>}, {transform_indices = @transform_4, window_bounds = array<i64: 1, 1, 4096>}, {transform_indices = @transform_5, window_bounds = array<i64: 1, 1, 4096>}, {transform_indices = @transform_6, window_bounds = array<i64: 1, 128, 1>}, {transform_indices = @transform_7, window_bounds = array<i64: 1, 128, 1>}, {transform_indices = @transform_8, window_bounds = array<i64: 1, 128, 1>}, {transform_indices = @transform_9, window_bounds = array<i64: 1, 128, 4096>}, {transform_indices = @transform_10, window_bounds = array<i64: 1, 128, 256>}, {transform_indices = @transform_11, window_bounds = array<i64: 1, 128, 1>}]} {
    %get3A = arith.constant 0 : index
    %get3A_0 = arith.constant 0 : index
    %get3A_1 = arith.constant 0 : index
    %get3A_2 = vector.load %arg8[%get3A, %get3A_0, %get3A_1] : memref<1x128x1xf32, #tpu.memory_space<vmem>>, vector<1x128x1xf32>
    %get3A_3 = vector.shape_cast %get3A_2 : vector<1x128x1xf32> to vector<128x1xf32>
    %get3A_4 = arith.constant 0 : index
    %get3A_5 = arith.constant 0 : index
    %get3A_6 = arith.constant 0 : index
    %get3A_7 = vector.load %arg9[%get3A_4, %get3A_5, %get3A_6] : memref<1x128x1xf32, #tpu.memory_space<vmem>>, vector<1x128x1xf32>
    %get3A_8 = vector.shape_cast %get3A_7 : vector<1x128x1xf32> to vector<128x1xf32>
    %get3A_9 = arith.constant 0 : index
    %get3A_10 = arith.constant 0 : index
    %get3A_11 = arith.constant 0 : index
    %get3A_12 = vector.load %arg10[%get3A_9, %get3A_10, %get3A_11] : memref<1x128x1xf32, #tpu.memory_space<vmem>>, vector<1x128x1xf32>
    %get3A_13 = vector.shape_cast %get3A_12 : vector<1x128x1xf32> to vector<128x1xf32>
    %get3A_14 = arith.constant 0 : index
    %get3A_15 = arith.constant 0 : index
    %get3A_16 = arith.constant 0 : index
    %get3A_17 = vector.load %arg2[%get3A_14, %get3A_15, %get3A_16] : memref<1x1x4096xf32, #tpu.memory_space<vmem>>, vector<1x1x4096xf32>
    %get3A_18 = vector.shape_cast %get3A_17 : vector<1x1x4096xf32> to vector<1x4096xf32>
    %sub3A = vector.broadcast %get3A_18 : vector<1x4096xf32> to vector<128x4096xf32>
    %sub3A_19 = vector.broadcast %get3A_3 : vector<128x1xf32> to vector<128x4096xf32>
    %sub3A_20 = arith.subf %sub3A, %sub3A_19 : vector<128x4096xf32>
    %get3A_21 = arith.constant 0 : index
    %get3A_22 = arith.constant 0 : index
    %get3A_23 = arith.constant 0 : index
    %get3A_24 = vector.load %arg3[%get3A_21, %get3A_22, %get3A_23] : memref<1x1x4096xf32, #tpu.memory_space<vmem>>, vector<1x1x4096xf32>
    %get3A_25 = vector.shape_cast %get3A_24 : vector<1x1x4096xf32> to vector<1x4096xf32>
    %sub3A_26 = vector.broadcast %get3A_25 : vector<1x4096xf32> to vector<128x4096xf32>
    %sub3A_27 = vector.broadcast %get3A_8 : vector<128x1xf32> to vector<128x4096xf32>
    %sub3A_28 = arith.subf %sub3A_26, %sub3A_27 : vector<128x4096xf32>
    %get3A_29 = arith.constant 0 : index
    %get3A_30 = arith.constant 0 : index
    %get3A_31 = arith.constant 0 : index
    %get3A_32 = vector.load %arg4[%get3A_29, %get3A_30, %get3A_31] : memref<1x1x4096xf32, #tpu.memory_space<vmem>>, vector<1x1x4096xf32>
    %get3A_33 = vector.shape_cast %get3A_32 : vector<1x1x4096xf32> to vector<1x4096xf32>
    %sub3A_34 = vector.broadcast %get3A_33 : vector<1x4096xf32> to vector<128x4096xf32>
    %sub3A_35 = vector.broadcast %get3A_13 : vector<128x1xf32> to vector<128x4096xf32>
    %sub3A_36 = arith.subf %sub3A_34, %sub3A_35 : vector<128x4096xf32>
    %mul3A = arith.mulf %sub3A_20, %sub3A_20 : vector<128x4096xf32>
    %mul3A_37 = arith.mulf %sub3A_28, %sub3A_28 : vector<128x4096xf32>
    %add3A = arith.addf %mul3A, %mul3A_37 : vector<128x4096xf32>
    %mul3A_38 = arith.mulf %sub3A_36, %sub3A_36 : vector<128x4096xf32>
    %add3A_39 = arith.addf %add3A, %mul3A_38 : vector<128x4096xf32>
    %bitcast_convert_type3A = tpu.bitcast %add3A_39 : vector<128x4096xf32> -> vector<128x4096xi32>
    %broadcast_in_dim3A = vector.shape_cast %bitcast_convert_type3A : vector<128x4096xi32> to vector<1x128x4096xi32>
    %swap3A = arith.constant 0 : index
    %swap3A_40 = arith.constant 0 : index
    %swap3A_41 = arith.constant 0 : index
    %swap3A_42 = vector.load %arg11[%swap3A, %swap3A_40, %swap3A_41] : memref<1x128x4096xi32, #tpu.memory_space<vmem>>, vector<1x128x4096xi32>
    tpu.vector_store %arg11[%swap3A, %swap3A_40, %swap3A_41], %broadcast_in_dim3A {strides = array<i32>} : memref<1x128x4096xi32, #tpu.memory_space<vmem>>, vector<1x128x4096xi32>,
    %get3A_43 = arith.constant 0 : index
    %get3A_44 = arith.constant 0 : index
    %get3A_45 = arith.constant 0 : index
    %get3A_46 = vector.load %arg5[%get3A_43, %get3A_44, %get3A_45] : memref<1x1x4096xf32, #tpu.memory_space<vmem>>, vector<1x1x4096xf32>
    %get3A_47 = vector.shape_cast %get3A_46 : vector<1x1x4096xf32> to vector<1x4096xf32>
    %sub3A_48 = vector.broadcast %get3A_47 : vector<1x4096xf32> to vector<128x4096xf32>
    %sub3A_49 = vector.broadcast %get3A_3 : vector<128x1xf32> to vector<128x4096xf32>
    %sub3A_50 = arith.subf %sub3A_48, %sub3A_49 : vector<128x4096xf32>
    %get3A_51 = arith.constant 0 : index
    %get3A_52 = arith.constant 0 : index
    %get3A_53 = arith.constant 0 : index
    %get3A_54 = vector.load %arg6[%get3A_51, %get3A_52, %get3A_53] : memref<1x1x4096xf32, #tpu.memory_space<vmem>>, vector<1x1x4096xf32>
    %get3A_55 = vector.shape_cast %get3A_54 : vector<1x1x4096xf32> to vector<1x4096xf32>
    %sub3A_56 = vector.broadcast %get3A_55 : vector<1x4096xf32> to vector<128x4096xf32>
    %sub3A_57 = vector.broadcast %get3A_8 : vector<128x1xf32> to vector<128x4096xf32>
    %sub3A_58 = arith.subf %sub3A_56, %sub3A_57 : vector<128x4096xf32>
    %get3A_59 = arith.constant 0 : index
    %get3A_60 = arith.constant 0 : index
    %get3A_61 = arith.constant 0 : index
    %get3A_62 = vector.load %arg7[%get3A_59, %get3A_60, %get3A_61] : memref<1x1x4096xf32, #tpu.memory_space<vmem>>, vector<1x1x4096xf32>
    %get3A_63 = vector.shape_cast %get3A_62 : vector<1x1x4096xf32> to vector<1x4096xf32>
    %sub3A_64 = vector.broadcast %get3A_63 : vector<1x4096xf32> to vector<128x4096xf32>
    %sub3A_65 = vector.broadcast %get3A_13 : vector<128x1xf32> to vector<128x4096xf32>
    %sub3A_66 = arith.subf %sub3A_64, %sub3A_65 : vector<128x4096xf32>
    %mul3A_67 = arith.mulf %sub3A_50, %sub3A_50 : vector<128x4096xf32>
    %mul3A_68 = arith.mulf %sub3A_58, %sub3A_58 : vector<128x4096xf32>
    %add3A_69 = arith.addf %mul3A_67, %mul3A_68 : vector<128x4096xf32>
    %mul3A_70 = arith.mulf %sub3A_66, %sub3A_66 : vector<128x4096xf32>
    %add3A_71 = arith.addf %add3A_69, %mul3A_70 : vector<128x4096xf32>
    %slice3A = vector.extract_strided_slice %add3A_71 {offsets = [0, 0], sizes = [128, 256], strides = [1, 1]} : vector<128x4096xf32> to vector<128x256xf32>
    %slice3A_72 = vector.extract_strided_slice %add3A_71 {offsets = [0, 256], sizes = [128, 256], strides = [1, 1]} : vector<128x4096xf32> to vector<128x256xf32>
    %min3A = arith.minimumf %slice3A, %slice3A_72 : vector<128x256xf32>
    %slice3A_73 = vector.extract_strided_slice %add3A_71 {offsets = [0, 512], sizes = [128, 256], strides = [1, 1]} : vector<128x4096xf32> to vector<128x256xf32>
    %min3A_74 = arith.minimumf %min3A, %slice3A_73 : vector<128x256xf32>
    %slice3A_75 = vector.extract_strided_slice %add3A_71 {offsets = [0, 768], sizes = [128, 256], strides = [1, 1]} : vector<128x4096xf32> to vector<128x256xf32>
    %min3A_76 = arith.minimumf %min3A_74, %slice3A_75 : vector<128x256xf32>
    %slice3A_77 = vector.extract_strided_slice %add3A_71 {offsets = [0, 1024], sizes = [128, 256], strides = [1, 1]} : vector<128x4096xf32> to vector<128x256xf32>
    %min3A_78 = arith.minimumf %min3A_76, %slice3A_77 : vector<128x256xf32>
    %slice3A_79 = vector.extract_strided_slice %add3A_71 {offsets = [0, 1280], sizes = [128, 256], strides = [1, 1]} : vector<128x4096xf32> to vector<128x256xf32>
    %min3A_80 = arith.minimumf %min3A_78, %slice3A_79 : vector<128x256xf32>
    %slice3A_81 = vector.extract_strided_slice %add3A_71 {offsets = [0, 1536], sizes = [128, 256], strides = [1, 1]} : vector<128x4096xf32> to vector<128x256xf32>
    %min3A_82 = arith.minimumf %min3A_80, %slice3A_81 : vector<128x256xf32>
    %slice3A_83 = vector.extract_strided_slice %add3A_71 {offsets = [0, 1792], sizes = [128, 256], strides = [1, 1]} : vector<128x4096xf32> to vector<128x256xf32>
    %min3A_84 = arith.minimumf %min3A_82, %slice3A_83 : vector<128x256xf32>
    %slice3A_85 = vector.extract_strided_slice %add3A_71 {offsets = [0, 2048], sizes = [128, 256], strides = [1, 1]} : vector<128x4096xf32> to vector<128x256xf32>
    %min3A_86 = arith.minimumf %min3A_84, %slice3A_85 : vector<128x256xf32>
    %slice3A_87 = vector.extract_strided_slice %add3A_71 {offsets = [0, 2304], sizes = [128, 256], strides = [1, 1]} : vector<128x4096xf32> to vector<128x256xf32>
    %min3A_88 = arith.minimumf %min3A_86, %slice3A_87 : vector<128x256xf32>
    %slice3A_89 = vector.extract_strided_slice %add3A_71 {offsets = [0, 2560], sizes = [128, 256], strides = [1, 1]} : vector<128x4096xf32> to vector<128x256xf32>
    %min3A_90 = arith.minimumf %min3A_88, %slice3A_89 : vector<128x256xf32>
    %slice3A_91 = vector.extract_strided_slice %add3A_71 {offsets = [0, 2816], sizes = [128, 256], strides = [1, 1]} : vector<128x4096xf32> to vector<128x256xf32>
    %min3A_92 = arith.minimumf %min3A_90, %slice3A_91 : vector<128x256xf32>
    %slice3A_93 = vector.extract_strided_slice %add3A_71 {offsets = [0, 3072], sizes = [128, 256], strides = [1, 1]} : vector<128x4096xf32> to vector<128x256xf32>
    %min3A_94 = arith.minimumf %min3A_92, %slice3A_93 : vector<128x256xf32>
    %slice3A_95 = vector.extract_strided_slice %add3A_71 {offsets = [0, 3328], sizes = [128, 256], strides = [1, 1]} : vector<128x4096xf32> to vector<128x256xf32>
    %min3A_96 = arith.minimumf %min3A_94, %slice3A_95 : vector<128x256xf32>
    %slice3A_97 = vector.extract_strided_slice %add3A_71 {offsets = [0, 3584], sizes = [128, 256], strides = [1, 1]} : vector<128x4096xf32> to vector<128x256xf32>
    %min3A_98 = arith.minimumf %min3A_96, %slice3A_97 : vector<128x256xf32>
    %slice3A_99 = vector.extract_strided_slice %add3A_71 {offsets = [0, 3840], sizes = [128, 256], strides = [1, 1]} : vector<128x4096xf32> to vector<128x256xf32>
    %min3A_100 = arith.minimumf %min3A_98, %slice3A_99 : vector<128x256xf32>
    %bitcast_convert_type3A_101 = tpu.bitcast %min3A_100 : vector<128x256xf32> -> vector<128x256xi32>
    %broadcast_in_dim3A_102 = vector.shape_cast %bitcast_convert_type3A_101 : vector<128x256xi32> to vector<1x128x256xi32>
    %swap3A_103 = arith.constant 0 : index
    %swap3A_104 = arith.constant 0 : index
    %swap3A_105 = arith.constant 0 : index
    %swap3A_106 = vector.load %arg12[%swap3A_103, %swap3A_104, %swap3A_105] : memref<1x128x256xi32, #tpu.memory_space<vmem>>, vector<1x128x256xi32>
    tpu.vector_store %arg12[%swap3A_103, %swap3A_104, %swap3A_105], %broadcast_in_dim3A_102 {strides = array<i32>} : memref<1x128x256xi32, #tpu.memory_space<vmem>>, vector<1x128x256xi32>,
    %bitcast_convert_type3A_107 = tpu.bitcast %add3A_71 : vector<128x4096xf32> -> vector<128x4096xi32>
    %broadcast_in_dim3A_108 = arith.constant 0 : i32
    %broadcast_in_dim3A_109 = vector.broadcast %broadcast_in_dim3A_108 : i32 to vector<128x1xi32>
    %or3A = arith.constant 1073741824 : i32
    %or3A_110 = vector.broadcast %or3A : i32 to vector<128x1xi32>
    %or3A_111 = arith.ori %broadcast_in_dim3A_109, %or3A_110 : vector<128x1xi32>
    %lt3A = vector.broadcast %or3A_111 : vector<128x1xi32> to vector<128x4096xi32>
    %lt3A_112 = arith.cmpi slt, %bitcast_convert_type3A_107, %lt3A : vector<128x4096xi32>
    %convert_element_type3A = arith.extui %lt3A_112 : vector<128x4096xi1> to vector<128x4096xi32>
    %reduce_sum3A = arith.constant dense<0> : vector<128xi32>
    %reduce_sum3A_113 = vector.multi_reduction <add>, %convert_element_type3A, %reduce_sum3A [1] : vector<128x4096xi32> to vector<128xi32>
    %broadcast_in_dim3A_114 = vector.shape_cast %reduce_sum3A_113 : vector<128xi32> to vector<128x1xi32>
    %lt3A_115 = arith.constant 32 : i32
    %lt3A_116 = vector.broadcast %lt3A_115 : i32 to vector<128x1xi32>
    %lt3A_117 = arith.cmpi slt, %broadcast_in_dim3A_114, %lt3A_116 : vector<128x1xi32>
    %select_n3A = arith.select %lt3A_117, %or3A_111, %broadcast_in_dim3A_109 : vector<128x1xi1>, vector<128x1xi32>
    %or3A_118 = arith.constant 536870912 : i32
    %or3A_119 = vector.broadcast %or3A_118 : i32 to vector<128x1xi32>
    %or3A_120 = arith.ori %select_n3A, %or3A_119 : vector<128x1xi32>
    %lt3A_121 = vector.broadcast %or3A_120 : vector<128x1xi32> to vector<128x4096xi32>
    %lt3A_122 = arith.cmpi slt, %bitcast_convert_type3A_107, %lt3A_121 : vector<128x4096xi32>
    %convert_element_type3A_123 = arith.extui %lt3A_122 : vector<128x4096xi1> to vector<128x4096xi32>
    %reduce_sum3A_124 = arith.constant dense<0> : vector<128xi32>
    %reduce_sum3A_125 = vector.multi_reduction <add>, %convert_element_type3A_123, %reduce_sum3A_124 [1] : vector<128x4096xi32> to vector<128xi32>
    %broadcast_in_dim3A_126 = vector.shape_cast %reduce_sum3A_125 : vector<128xi32> to vector<128x1xi32>
    %lt3A_127 = arith.constant 32 : i32
    %lt3A_128 = vector.broadcast %lt3A_127 : i32 to vector<128x1xi32>
    %lt3A_129 = arith.cmpi slt, %broadcast_in_dim3A_126, %lt3A_128 : vector<128x1xi32>
    %select_n3A_130 = arith.select %lt3A_129, %or3A_120, %select_n3A : vector<128x1xi1>, vector<128x1xi32>
    %or3A_131 = arith.constant 268435456 : i32
    %or3A_132 = vector.broadcast %or3A_131 : i32 to vector<128x1xi32>
    %or3A_133 = arith.ori %select_n3A_130, %or3A_132 : vector<128x1xi32>
    %lt3A_134 = vector.broadcast %or3A_133 : vector<128x1xi32> to vector<128x4096xi32>
    %lt3A_135 = arith.cmpi slt, %bitcast_convert_type3A_107, %lt3A_134 : vector<128x4096xi32>
    %convert_element_type3A_136 = arith.extui %lt3A_135 : vector<128x4096xi1> to vector<128x4096xi32>
    %reduce_sum3A_137 = arith.constant dense<0> : vector<128xi32>
    %reduce_sum3A_138 = vector.multi_reduction <add>, %convert_element_type3A_136, %reduce_sum3A_137 [1] : vector<128x4096xi32> to vector<128xi32>
    %broadcast_in_dim3A_139 = vector.shape_cast %reduce_sum3A_138 : vector<128xi32> to vector<128x1xi32>
    %lt3A_140 = arith.constant 32 : i32
    %lt3A_141 = vector.broadcast %lt3A_140 : i32 to vector<128x1xi32>
    %lt3A_142 = arith.cmpi slt, %broadcast_in_dim3A_139, %lt3A_141 : vector<128x1xi32>
    %select_n3A_143 = arith.select %lt3A_142, %or3A_133, %select_n3A_130 : vector<128x1xi1>, vector<128x1xi32>
    %or3A_144 = arith.constant 134217728 : i32
    %or3A_145 = vector.broadcast %or3A_144 : i32 to vector<128x1xi32>
    %or3A_146 = arith.ori %select_n3A_143, %or3A_145 : vector<128x1xi32>
    %lt3A_147 = vector.broadcast %or3A_146 : vector<128x1xi32> to vector<128x4096xi32>
    %lt3A_148 = arith.cmpi slt, %bitcast_convert_type3A_107, %lt3A_147 : vector<128x4096xi32>
    %convert_element_type3A_149 = arith.extui %lt3A_148 : vector<128x4096xi1> to vector<128x4096xi32>
    %reduce_sum3A_150 = arith.constant dense<0> : vector<128xi32>
    %reduce_sum3A_151 = vector.multi_reduction <add>, %convert_element_type3A_149, %reduce_sum3A_150 [1] : vector<128x4096xi32> to vector<128xi32>
    %broadcast_in_dim3A_152 = vector.shape_cast %reduce_sum3A_151 : vector<128xi32> to vector<128x1xi32>
    %lt3A_153 = arith.constant 32 : i32
    %lt3A_154 = vector.broadcast %lt3A_153 : i32 to vector<128x1xi32>
    %lt3A_155 = arith.cmpi slt, %broadcast_in_dim3A_152, %lt3A_154 : vector<128x1xi32>
    %select_n3A_156 = arith.select %lt3A_155, %or3A_146, %select_n3A_143 : vector<128x1xi1>, vector<128x1xi32>
    %or3A_157 = arith.constant 67108864 : i32
    %or3A_158 = vector.broadcast %or3A_157 : i32 to vector<128x1xi32>
    %or3A_159 = arith.ori %select_n3A_156, %or3A_158 : vector<128x1xi32>
    %lt3A_160 = vector.broadcast %or3A_159 : vector<128x1xi32> to vector<128x4096xi32>
    %lt3A_161 = arith.cmpi slt, %bitcast_convert_type3A_107, %lt3A_160 : vector<128x4096xi32>
    %convert_element_type3A_162 = arith.extui %lt3A_161 : vector<128x4096xi1> to vector<128x4096xi32>
    %reduce_sum3A_163 = arith.constant dense<0> : vector<128xi32>
    %reduce_sum3A_164 = vector.multi_reduction <add>, %convert_element_type3A_162, %reduce_sum3A_163 [1] : vector<128x4096xi32> to vector<128xi32>
    %broadcast_in_dim3A_165 = vector.shape_cast %reduce_sum3A_164 : vector<128xi32> to vector<128x1xi32>
    %lt3A_166 = arith.constant 32 : i32
    %lt3A_167 = vector.broadcast %lt3A_166 : i32 to vector<128x1xi32>
    %lt3A_168 = arith.cmpi slt, %broadcast_in_dim3A_165, %lt3A_167 : vector<128x1xi32>
    %select_n3A_169 = arith.select %lt3A_168, %or3A_159, %select_n3A_156 : vector<128x1xi1>, vector<128x1xi32>
    %or3A_170 = arith.constant 33554432 : i32
    %or3A_171 = vector.broadcast %or3A_170 : i32 to vector<128x1xi32>
    %or3A_172 = arith.ori %select_n3A_169, %or3A_171 : vector<128x1xi32>
    %lt3A_173 = vector.broadcast %or3A_172 : vector<128x1xi32> to vector<128x4096xi32>
    %lt3A_174 = arith.cmpi slt, %bitcast_convert_type3A_107, %lt3A_173 : vector<128x4096xi32>
    %convert_element_type3A_175 = arith.extui %lt3A_174 : vector<128x4096xi1> to vector<128x4096xi32>
    %reduce_sum3A_176 = arith.constant dense<0> : vector<128xi32>
    %reduce_sum3A_177 = vector.multi_reduction <add>, %convert_element_type3A_175, %reduce_sum3A_176 [1] : vector<128x4096xi32> to vector<128xi32>
    %broadcast_in_dim3A_178 = vector.shape_cast %reduce_sum3A_177 : vector<128xi32> to vector<128x1xi32>
    %lt3A_179 = arith.constant 32 : i32
    %lt3A_180 = vector.broadcast %lt3A_179 : i32 to vector<128x1xi32>
    %lt3A_181 = arith.cmpi slt, %broadcast_in_dim3A_178, %lt3A_180 : vector<128x1xi32>
    %select_n3A_182 = arith.select %lt3A_181, %or3A_172, %select_n3A_169 : vector<128x1xi1>, vector<128x1xi32>
    %or3A_183 = arith.constant 16777216 : i32
    %or3A_184 = vector.broadcast %or3A_183 : i32 to vector<128x1xi32>
    %or3A_185 = arith.ori %select_n3A_182, %or3A_184 : vector<128x1xi32>
    %lt3A_186 = vector.broadcast %or3A_185 : vector<128x1xi32> to vector<128x4096xi32>
    %lt3A_187 = arith.cmpi slt, %bitcast_convert_type3A_107, %lt3A_186 : vector<128x4096xi32>
    %convert_element_type3A_188 = arith.extui %lt3A_187 : vector<128x4096xi1> to vector<128x4096xi32>
    %reduce_sum3A_189 = arith.constant dense<0> : vector<128xi32>
    %reduce_sum3A_190 = vector.multi_reduction <add>, %convert_element_type3A_188, %reduce_sum3A_189 [1] : vector<128x4096xi32> to vector<128xi32>
    %broadcast_in_dim3A_191 = vector.shape_cast %reduce_sum3A_190 : vector<128xi32> to vector<128x1xi32>
    %lt3A_192 = arith.constant 32 : i32
    %lt3A_193 = vector.broadcast %lt3A_192 : i32 to vector<128x1xi32>
    %lt3A_194 = arith.cmpi slt, %broadcast_in_dim3A_191, %lt3A_193 : vector<128x1xi32>
    %select_n3A_195 = arith.select %lt3A_194, %or3A_185, %select_n3A_182 : vector<128x1xi1>, vector<128x1xi32>
    %or3A_196 = arith.constant 8388608 : i32
    %or3A_197 = vector.broadcast %or3A_196 : i32 to vector<128x1xi32>
    %or3A_198 = arith.ori %select_n3A_195, %or3A_197 : vector<128x1xi32>
    %lt3A_199 = vector.broadcast %or3A_198 : vector<128x1xi32> to vector<128x4096xi32>
    %lt3A_200 = arith.cmpi slt, %bitcast_convert_type3A_107, %lt3A_199 : vector<128x4096xi32>
    %convert_element_type3A_201 = arith.extui %lt3A_200 : vector<128x4096xi1> to vector<128x4096xi32>
    %reduce_sum3A_202 = arith.constant dense<0> : vector<128xi32>
    %reduce_sum3A_203 = vector.multi_reduction <add>, %convert_element_type3A_201, %reduce_sum3A_202 [1] : vector<128x4096xi32> to vector<128xi32>
    %broadcast_in_dim3A_204 = vector.shape_cast %reduce_sum3A_203 : vector<128xi32> to vector<128x1xi32>
    %lt3A_205 = arith.constant 32 : i32
    %lt3A_206 = vector.broadcast %lt3A_205 : i32 to vector<128x1xi32>
    %lt3A_207 = arith.cmpi slt, %broadcast_in_dim3A_204, %lt3A_206 : vector<128x1xi32>
    %select_n3A_208 = arith.select %lt3A_207, %or3A_198, %select_n3A_195 : vector<128x1xi1>, vector<128x1xi32>
    %or3A_209 = arith.constant 4194304 : i32
    %or3A_210 = vector.broadcast %or3A_209 : i32 to vector<128x1xi32>
    %or3A_211 = arith.ori %select_n3A_208, %or3A_210 : vector<128x1xi32>
    %lt3A_212 = vector.broadcast %or3A_211 : vector<128x1xi32> to vector<128x4096xi32>
    %lt3A_213 = arith.cmpi slt, %bitcast_convert_type3A_107, %lt3A_212 : vector<128x4096xi32>
    %convert_element_type3A_214 = arith.extui %lt3A_213 : vector<128x4096xi1> to vector<128x4096xi32>
    %reduce_sum3A_215 = arith.constant dense<0> : vector<128xi32>
    %reduce_sum3A_216 = vector.multi_reduction <add>, %convert_element_type3A_214, %reduce_sum3A_215 [1] : vector<128x4096xi32> to vector<128xi32>
    %broadcast_in_dim3A_217 = vector.shape_cast %reduce_sum3A_216 : vector<128xi32> to vector<128x1xi32>
    %lt3A_218 = arith.constant 32 : i32
    %lt3A_219 = vector.broadcast %lt3A_218 : i32 to vector<128x1xi32>
    %lt3A_220 = arith.cmpi slt, %broadcast_in_dim3A_217, %lt3A_219 : vector<128x1xi32>
    %select_n3A_221 = arith.select %lt3A_220, %or3A_211, %select_n3A_208 : vector<128x1xi1>, vector<128x1xi32>
    %or3A_222 = arith.constant 2097152 : i32
    %or3A_223 = vector.broadcast %or3A_222 : i32 to vector<128x1xi32>
    %or3A_224 = arith.ori %select_n3A_221, %or3A_223 : vector<128x1xi32>
    %lt3A_225 = vector.broadcast %or3A_224 : vector<128x1xi32> to vector<128x4096xi32>
    %lt3A_226 = arith.cmpi slt, %bitcast_convert_type3A_107, %lt3A_225 : vector<128x4096xi32>
    %convert_element_type3A_227 = arith.extui %lt3A_226 : vector<128x4096xi1> to vector<128x4096xi32>
    %reduce_sum3A_228 = arith.constant dense<0> : vector<128xi32>
    %reduce_sum3A_229 = vector.multi_reduction <add>, %convert_element_type3A_227, %reduce_sum3A_228 [1] : vector<128x4096xi32> to vector<128xi32>
    %broadcast_in_dim3A_230 = vector.shape_cast %reduce_sum3A_229 : vector<128xi32> to vector<128x1xi32>
    %lt3A_231 = arith.constant 32 : i32
    %lt3A_232 = vector.broadcast %lt3A_231 : i32 to vector<128x1xi32>
    %lt3A_233 = arith.cmpi slt, %broadcast_in_dim3A_230, %lt3A_232 : vector<128x1xi32>
    %select_n3A_234 = arith.select %lt3A_233, %or3A_224, %select_n3A_221 : vector<128x1xi1>, vector<128x1xi32>
    %or3A_235 = arith.constant 1048576 : i32
    %or3A_236 = vector.broadcast %or3A_235 : i32 to vector<128x1xi32>
    %or3A_237 = arith.ori %select_n3A_234, %or3A_236 : vector<128x1xi32>
    %lt3A_238 = vector.broadcast %or3A_237 : vector<128x1xi32> to vector<128x4096xi32>
    %lt3A_239 = arith.cmpi slt, %bitcast_convert_type3A_107, %lt3A_238 : vector<128x4096xi32>
    %convert_element_type3A_240 = arith.extui %lt3A_239 : vector<128x4096xi1> to vector<128x4096xi32>
    %reduce_sum3A_241 = arith.constant dense<0> : vector<128xi32>
    %reduce_sum3A_242 = vector.multi_reduction <add>, %convert_element_type3A_240, %reduce_sum3A_241 [1] : vector<128x4096xi32> to vector<128xi32>
    %broadcast_in_dim3A_243 = vector.shape_cast %reduce_sum3A_242 : vector<128xi32> to vector<128x1xi32>
    %lt3A_244 = arith.constant 32 : i32
    %lt3A_245 = vector.broadcast %lt3A_244 : i32 to vector<128x1xi32>
    %lt3A_246 = arith.cmpi slt, %broadcast_in_dim3A_243, %lt3A_245 : vector<128x1xi32>
    %select_n3A_247 = arith.select %lt3A_246, %or3A_237, %select_n3A_234 : vector<128x1xi1>, vector<128x1xi32>
    %or3A_248 = arith.constant 524288 : i32
    %or3A_249 = vector.broadcast %or3A_248 : i32 to vector<128x1xi32>
    %or3A_250 = arith.ori %select_n3A_247, %or3A_249 : vector<128x1xi32>
    %lt3A_251 = vector.broadcast %or3A_250 : vector<128x1xi32> to vector<128x4096xi32>
    %lt3A_252 = arith.cmpi slt, %bitcast_convert_type3A_107, %lt3A_251 : vector<128x4096xi32>
    %convert_element_type3A_253 = arith.extui %lt3A_252 : vector<128x4096xi1> to vector<128x4096xi32>
    %reduce_sum3A_254 = arith.constant dense<0> : vector<128xi32>
    %reduce_sum3A_255 = vector.multi_reduction <add>, %convert_element_type3A_253, %reduce_sum3A_254 [1] : vector<128x4096xi32> to vector<128xi32>
    %broadcast_in_dim3A_256 = vector.shape_cast %reduce_sum3A_255 : vector<128xi32> to vector<128x1xi32>
    %lt3A_257 = arith.constant 32 : i32
    %lt3A_258 = vector.broadcast %lt3A_257 : i32 to vector<128x1xi32>
    %lt3A_259 = arith.cmpi slt, %broadcast_in_dim3A_256, %lt3A_258 : vector<128x1xi32>
    %select_n3A_260 = arith.select %lt3A_259, %or3A_250, %select_n3A_247 : vector<128x1xi1>, vector<128x1xi32>
    %or3A_261 = arith.constant 262144 : i32
    %or3A_262 = vector.broadcast %or3A_261 : i32 to vector<128x1xi32>
    %or3A_263 = arith.ori %select_n3A_260, %or3A_262 : vector<128x1xi32>
    %lt3A_264 = vector.broadcast %or3A_263 : vector<128x1xi32> to vector<128x4096xi32>
    %lt3A_265 = arith.cmpi slt, %bitcast_convert_type3A_107, %lt3A_264 : vector<128x4096xi32>
    %convert_element_type3A_266 = arith.extui %lt3A_265 : vector<128x4096xi1> to vector<128x4096xi32>
    %reduce_sum3A_267 = arith.constant dense<0> : vector<128xi32>
    %reduce_sum3A_268 = vector.multi_reduction <add>, %convert_element_type3A_266, %reduce_sum3A_267 [1] : vector<128x4096xi32> to vector<128xi32>
    %broadcast_in_dim3A_269 = vector.shape_cast %reduce_sum3A_268 : vector<128xi32> to vector<128x1xi32>
    %lt3A_270 = arith.constant 32 : i32
    %lt3A_271 = vector.broadcast %lt3A_270 : i32 to vector<128x1xi32>
    %lt3A_272 = arith.cmpi slt, %broadcast_in_dim3A_269, %lt3A_271 : vector<128x1xi32>
    %select_n3A_273 = arith.select %lt3A_272, %or3A_263, %select_n3A_260 : vector<128x1xi1>, vector<128x1xi32>
    %or3A_274 = arith.constant 131072 : i32
    %or3A_275 = vector.broadcast %or3A_274 : i32 to vector<128x1xi32>
    %or3A_276 = arith.ori %select_n3A_273, %or3A_275 : vector<128x1xi32>
    %lt3A_277 = vector.broadcast %or3A_276 : vector<128x1xi32> to vector<128x4096xi32>
    %lt3A_278 = arith.cmpi slt, %bitcast_convert_type3A_107, %lt3A_277 : vector<128x4096xi32>
    %convert_element_type3A_279 = arith.extui %lt3A_278 : vector<128x4096xi1> to vector<128x4096xi32>
    %reduce_sum3A_280 = arith.constant dense<0> : vector<128xi32>
    %reduce_sum3A_281 = vector.multi_reduction <add>, %convert_element_type3A_279, %reduce_sum3A_280 [1] : vector<128x4096xi32> to vector<128xi32>
    %broadcast_in_dim3A_282 = vector.shape_cast %reduce_sum3A_281 : vector<128xi32> to vector<128x1xi32>
    %lt3A_283 = arith.constant 32 : i32
    %lt3A_284 = vector.broadcast %lt3A_283 : i32 to vector<128x1xi32>
    %lt3A_285 = arith.cmpi slt, %broadcast_in_dim3A_282, %lt3A_284 : vector<128x1xi32>
    %select_n3A_286 = arith.select %lt3A_285, %or3A_276, %select_n3A_273 : vector<128x1xi1>, vector<128x1xi32>
    %or3A_287 = arith.constant 65536 : i32
    %or3A_288 = vector.broadcast %or3A_287 : i32 to vector<128x1xi32>
    %or3A_289 = arith.ori %select_n3A_286, %or3A_288 : vector<128x1xi32>
    %lt3A_290 = vector.broadcast %or3A_289 : vector<128x1xi32> to vector<128x4096xi32>
    %lt3A_291 = arith.cmpi slt, %bitcast_convert_type3A_107, %lt3A_290 : vector<128x4096xi32>
    %convert_element_type3A_292 = arith.extui %lt3A_291 : vector<128x4096xi1> to vector<128x4096xi32>
    %reduce_sum3A_293 = arith.constant dense<0> : vector<128xi32>
    %reduce_sum3A_294 = vector.multi_reduction <add>, %convert_element_type3A_292, %reduce_sum3A_293 [1] : vector<128x4096xi32> to vector<128xi32>
    %broadcast_in_dim3A_295 = vector.shape_cast %reduce_sum3A_294 : vector<128xi32> to vector<128x1xi32>
    %lt3A_296 = arith.constant 32 : i32
    %lt3A_297 = vector.broadcast %lt3A_296 : i32 to vector<128x1xi32>
    %lt3A_298 = arith.cmpi slt, %broadcast_in_dim3A_295, %lt3A_297 : vector<128x1xi32>
    %select_n3A_299 = arith.select %lt3A_298, %or3A_289, %select_n3A_286 : vector<128x1xi1>, vector<128x1xi32>
    %or3A_300 = arith.constant 32768 : i32
    %or3A_301 = vector.broadcast %or3A_300 : i32 to vector<128x1xi32>
    %or3A_302 = arith.ori %select_n3A_299, %or3A_301 : vector<128x1xi32>
    %lt3A_303 = vector.broadcast %or3A_302 : vector<128x1xi32> to vector<128x4096xi32>
    %lt3A_304 = arith.cmpi slt, %bitcast_convert_type3A_107, %lt3A_303 : vector<128x4096xi32>
    %convert_element_type3A_305 = arith.extui %lt3A_304 : vector<128x4096xi1> to vector<128x4096xi32>
    %reduce_sum3A_306 = arith.constant dense<0> : vector<128xi32>
    %reduce_sum3A_307 = vector.multi_reduction <add>, %convert_element_type3A_305, %reduce_sum3A_306 [1] : vector<128x4096xi32> to vector<128xi32>
    %broadcast_in_dim3A_308 = vector.shape_cast %reduce_sum3A_307 : vector<128xi32> to vector<128x1xi32>
    %lt3A_309 = arith.constant 32 : i32
    %lt3A_310 = vector.broadcast %lt3A_309 : i32 to vector<128x1xi32>
    %lt3A_311 = arith.cmpi slt, %broadcast_in_dim3A_308, %lt3A_310 : vector<128x1xi32>
    %select_n3A_312 = arith.select %lt3A_311, %or3A_302, %select_n3A_299 : vector<128x1xi1>, vector<128x1xi32>
    %or3A_313 = arith.constant 16384 : i32
    %or3A_314 = vector.broadcast %or3A_313 : i32 to vector<128x1xi32>
    %or3A_315 = arith.ori %select_n3A_312, %or3A_314 : vector<128x1xi32>
    %lt3A_316 = vector.broadcast %or3A_315 : vector<128x1xi32> to vector<128x4096xi32>
    %lt3A_317 = arith.cmpi slt, %bitcast_convert_type3A_107, %lt3A_316 : vector<128x4096xi32>
    %convert_element_type3A_318 = arith.extui %lt3A_317 : vector<128x4096xi1> to vector<128x4096xi32>
    %reduce_sum3A_319 = arith.constant dense<0> : vector<128xi32>
    %reduce_sum3A_320 = vector.multi_reduction <add>, %convert_element_type3A_318, %reduce_sum3A_319 [1] : vector<128x4096xi32> to vector<128xi32>
    %broadcast_in_dim3A_321 = vector.shape_cast %reduce_sum3A_320 : vector<128xi32> to vector<128x1xi32>
    %lt3A_322 = arith.constant 32 : i32
    %lt3A_323 = vector.broadcast %lt3A_322 : i32 to vector<128x1xi32>
    %lt3A_324 = arith.cmpi slt, %broadcast_in_dim3A_321, %lt3A_323 : vector<128x1xi32>
    %select_n3A_325 = arith.select %lt3A_324, %or3A_315, %select_n3A_312 : vector<128x1xi1>, vector<128x1xi32>
    %or3A_326 = arith.constant 8192 : i32
    %or3A_327 = vector.broadcast %or3A_326 : i32 to vector<128x1xi32>
    %or3A_328 = arith.ori %select_n3A_325, %or3A_327 : vector<128x1xi32>
    %lt3A_329 = vector.broadcast %or3A_328 : vector<128x1xi32> to vector<128x4096xi32>
    %lt3A_330 = arith.cmpi slt, %bitcast_convert_type3A_107, %lt3A_329 : vector<128x4096xi32>
    %convert_element_type3A_331 = arith.extui %lt3A_330 : vector<128x4096xi1> to vector<128x4096xi32>
    %reduce_sum3A_332 = arith.constant dense<0> : vector<128xi32>
    %reduce_sum3A_333 = vector.multi_reduction <add>, %convert_element_type3A_331, %reduce_sum3A_332 [1] : vector<128x4096xi32> to vector<128xi32>
    %broadcast_in_dim3A_334 = vector.shape_cast %reduce_sum3A_333 : vector<128xi32> to vector<128x1xi32>
    %lt3A_335 = arith.constant 32 : i32
    %lt3A_336 = vector.broadcast %lt3A_335 : i32 to vector<128x1xi32>
    %lt3A_337 = arith.cmpi slt, %broadcast_in_dim3A_334, %lt3A_336 : vector<128x1xi32>
    %select_n3A_338 = arith.select %lt3A_337, %or3A_328, %select_n3A_325 : vector<128x1xi1>, vector<128x1xi32>
    %or3A_339 = arith.constant 4096 : i32
    %or3A_340 = vector.broadcast %or3A_339 : i32 to vector<128x1xi32>
    %or3A_341 = arith.ori %select_n3A_338, %or3A_340 : vector<128x1xi32>
    %lt3A_342 = vector.broadcast %or3A_341 : vector<128x1xi32> to vector<128x4096xi32>
    %lt3A_343 = arith.cmpi slt, %bitcast_convert_type3A_107, %lt3A_342 : vector<128x4096xi32>
    %convert_element_type3A_344 = arith.extui %lt3A_343 : vector<128x4096xi1> to vector<128x4096xi32>
    %reduce_sum3A_345 = arith.constant dense<0> : vector<128xi32>
    %reduce_sum3A_346 = vector.multi_reduction <add>, %convert_element_type3A_344, %reduce_sum3A_345 [1] : vector<128x4096xi32> to vector<128xi32>
    %broadcast_in_dim3A_347 = vector.shape_cast %reduce_sum3A_346 : vector<128xi32> to vector<128x1xi32>
    %lt3A_348 = arith.constant 32 : i32
    %lt3A_349 = vector.broadcast %lt3A_348 : i32 to vector<128x1xi32>
    %lt3A_350 = arith.cmpi slt, %broadcast_in_dim3A_347, %lt3A_349 : vector<128x1xi32>
    %select_n3A_351 = arith.select %lt3A_350, %or3A_341, %select_n3A_338 : vector<128x1xi1>, vector<128x1xi32>
    %or3A_352 = arith.constant 2048 : i32
    %or3A_353 = vector.broadcast %or3A_352 : i32 to vector<128x1xi32>
    %or3A_354 = arith.ori %select_n3A_351, %or3A_353 : vector<128x1xi32>
    %lt3A_355 = vector.broadcast %or3A_354 : vector<128x1xi32> to vector<128x4096xi32>
    %lt3A_356 = arith.cmpi slt, %bitcast_convert_type3A_107, %lt3A_355 : vector<128x4096xi32>
    %convert_element_type3A_357 = arith.extui %lt3A_356 : vector<128x4096xi1> to vector<128x4096xi32>
    %reduce_sum3A_358 = arith.constant dense<0> : vector<128xi32>
    %reduce_sum3A_359 = vector.multi_reduction <add>, %convert_element_type3A_357, %reduce_sum3A_358 [1] : vector<128x4096xi32> to vector<128xi32>
    %broadcast_in_dim3A_360 = vector.shape_cast %reduce_sum3A_359 : vector<128xi32> to vector<128x1xi32>
    %lt3A_361 = arith.constant 32 : i32
    %lt3A_362 = vector.broadcast %lt3A_361 : i32 to vector<128x1xi32>
    %lt3A_363 = arith.cmpi slt, %broadcast_in_dim3A_360, %lt3A_362 : vector<128x1xi32>
    %select_n3A_364 = arith.select %lt3A_363, %or3A_354, %select_n3A_351 : vector<128x1xi1>, vector<128x1xi32>
    %or3A_365 = arith.constant 1024 : i32
    %or3A_366 = vector.broadcast %or3A_365 : i32 to vector<128x1xi32>
    %or3A_367 = arith.ori %select_n3A_364, %or3A_366 : vector<128x1xi32>
    %lt3A_368 = vector.broadcast %or3A_367 : vector<128x1xi32> to vector<128x4096xi32>
    %lt3A_369 = arith.cmpi slt, %bitcast_convert_type3A_107, %lt3A_368 : vector<128x4096xi32>
    %convert_element_type3A_370 = arith.extui %lt3A_369 : vector<128x4096xi1> to vector<128x4096xi32>
    %reduce_sum3A_371 = arith.constant dense<0> : vector<128xi32>
    %reduce_sum3A_372 = vector.multi_reduction <add>, %convert_element_type3A_370, %reduce_sum3A_371 [1] : vector<128x4096xi32> to vector<128xi32>
    %broadcast_in_dim3A_373 = vector.shape_cast %reduce_sum3A_372 : vector<128xi32> to vector<128x1xi32>
    %lt3A_374 = arith.constant 32 : i32
    %lt3A_375 = vector.broadcast %lt3A_374 : i32 to vector<128x1xi32>
    %lt3A_376 = arith.cmpi slt, %broadcast_in_dim3A_373, %lt3A_375 : vector<128x1xi32>
    %select_n3A_377 = arith.select %lt3A_376, %or3A_367, %select_n3A_364 : vector<128x1xi1>, vector<128x1xi32>
    %or3A_378 = arith.constant 512 : i32
    %or3A_379 = vector.broadcast %or3A_378 : i32 to vector<128x1xi32>
    %or3A_380 = arith.ori %select_n3A_377, %or3A_379 : vector<128x1xi32>
    %lt3A_381 = vector.broadcast %or3A_380 : vector<128x1xi32> to vector<128x4096xi32>
    %lt3A_382 = arith.cmpi slt, %bitcast_convert_type3A_107, %lt3A_381 : vector<128x4096xi32>
    %convert_element_type3A_383 = arith.extui %lt3A_382 : vector<128x4096xi1> to vector<128x4096xi32>
    %reduce_sum3A_384 = arith.constant dense<0> : vector<128xi32>
    %reduce_sum3A_385 = vector.multi_reduction <add>, %convert_element_type3A_383, %reduce_sum3A_384 [1] : vector<128x4096xi32> to vector<128xi32>
    %broadcast_in_dim3A_386 = vector.shape_cast %reduce_sum3A_385 : vector<128xi32> to vector<128x1xi32>
    %lt3A_387 = arith.constant 32 : i32
    %lt3A_388 = vector.broadcast %lt3A_387 : i32 to vector<128x1xi32>
    %lt3A_389 = arith.cmpi slt, %broadcast_in_dim3A_386, %lt3A_388 : vector<128x1xi32>
    %select_n3A_390 = arith.select %lt3A_389, %or3A_380, %select_n3A_377 : vector<128x1xi1>, vector<128x1xi32>
    %or3A_391 = arith.constant 256 : i32
    %or3A_392 = vector.broadcast %or3A_391 : i32 to vector<128x1xi32>
    %or3A_393 = arith.ori %select_n3A_390, %or3A_392 : vector<128x1xi32>
    %lt3A_394 = vector.broadcast %or3A_393 : vector<128x1xi32> to vector<128x4096xi32>
    %lt3A_395 = arith.cmpi slt, %bitcast_convert_type3A_107, %lt3A_394 : vector<128x4096xi32>
    %convert_element_type3A_396 = arith.extui %lt3A_395 : vector<128x4096xi1> to vector<128x4096xi32>
    %reduce_sum3A_397 = arith.constant dense<0> : vector<128xi32>
    %reduce_sum3A_398 = vector.multi_reduction <add>, %convert_element_type3A_396, %reduce_sum3A_397 [1] : vector<128x4096xi32> to vector<128xi32>
    %broadcast_in_dim3A_399 = vector.shape_cast %reduce_sum3A_398 : vector<128xi32> to vector<128x1xi32>
    %lt3A_400 = arith.constant 32 : i32
    %lt3A_401 = vector.broadcast %lt3A_400 : i32 to vector<128x1xi32>
    %lt3A_402 = arith.cmpi slt, %broadcast_in_dim3A_399, %lt3A_401 : vector<128x1xi32>
    %select_n3A_403 = arith.select %lt3A_402, %or3A_393, %select_n3A_390 : vector<128x1xi1>, vector<128x1xi32>
    %or3A_404 = arith.constant 128 : i32
    %or3A_405 = vector.broadcast %or3A_404 : i32 to vector<128x1xi32>
    %or3A_406 = arith.ori %select_n3A_403, %or3A_405 : vector<128x1xi32>
    %lt3A_407 = vector.broadcast %or3A_406 : vector<128x1xi32> to vector<128x4096xi32>
    %lt3A_408 = arith.cmpi slt, %bitcast_convert_type3A_107, %lt3A_407 : vector<128x4096xi32>
    %convert_element_type3A_409 = arith.extui %lt3A_408 : vector<128x4096xi1> to vector<128x4096xi32>
    %reduce_sum3A_410 = arith.constant dense<0> : vector<128xi32>
    %reduce_sum3A_411 = vector.multi_reduction <add>, %convert_element_type3A_409, %reduce_sum3A_410 [1] : vector<128x4096xi32> to vector<128xi32>
    %broadcast_in_dim3A_412 = vector.shape_cast %reduce_sum3A_411 : vector<128xi32> to vector<128x1xi32>
    %lt3A_413 = arith.constant 32 : i32
    %lt3A_414 = vector.broadcast %lt3A_413 : i32 to vector<128x1xi32>
    %lt3A_415 = arith.cmpi slt, %broadcast_in_dim3A_412, %lt3A_414 : vector<128x1xi32>
    %select_n3A_416 = arith.select %lt3A_415, %or3A_406, %select_n3A_403 : vector<128x1xi1>, vector<128x1xi32>
    %or3A_417 = arith.constant 64 : i32
    %or3A_418 = vector.broadcast %or3A_417 : i32 to vector<128x1xi32>
    %or3A_419 = arith.ori %select_n3A_416, %or3A_418 : vector<128x1xi32>
    %lt3A_420 = vector.broadcast %or3A_419 : vector<128x1xi32> to vector<128x4096xi32>
    %lt3A_421 = arith.cmpi slt, %bitcast_convert_type3A_107, %lt3A_420 : vector<128x4096xi32>
    %convert_element_type3A_422 = arith.extui %lt3A_421 : vector<128x4096xi1> to vector<128x4096xi32>
    %reduce_sum3A_423 = arith.constant dense<0> : vector<128xi32>
    %reduce_sum3A_424 = vector.multi_reduction <add>, %convert_element_type3A_422, %reduce_sum3A_423 [1] : vector<128x4096xi32> to vector<128xi32>
    %broadcast_in_dim3A_425 = vector.shape_cast %reduce_sum3A_424 : vector<128xi32> to vector<128x1xi32>
    %lt3A_426 = arith.constant 32 : i32
    %lt3A_427 = vector.broadcast %lt3A_426 : i32 to vector<128x1xi32>
    %lt3A_428 = arith.cmpi slt, %broadcast_in_dim3A_425, %lt3A_427 : vector<128x1xi32>
    %select_n3A_429 = arith.select %lt3A_428, %or3A_419, %select_n3A_416 : vector<128x1xi1>, vector<128x1xi32>
    %or3A_430 = arith.constant 32 : i32
    %or3A_431 = vector.broadcast %or3A_430 : i32 to vector<128x1xi32>
    %or3A_432 = arith.ori %select_n3A_429, %or3A_431 : vector<128x1xi32>
    %lt3A_433 = vector.broadcast %or3A_432 : vector<128x1xi32> to vector<128x4096xi32>
    %lt3A_434 = arith.cmpi slt, %bitcast_convert_type3A_107, %lt3A_433 : vector<128x4096xi32>
    %convert_element_type3A_435 = arith.extui %lt3A_434 : vector<128x4096xi1> to vector<128x4096xi32>
    %reduce_sum3A_436 = arith.constant dense<0> : vector<128xi32>
    %reduce_sum3A_437 = vector.multi_reduction <add>, %convert_element_type3A_435, %reduce_sum3A_436 [1] : vector<128x4096xi32> to vector<128xi32>
    %broadcast_in_dim3A_438 = vector.shape_cast %reduce_sum3A_437 : vector<128xi32> to vector<128x1xi32>
    %lt3A_439 = arith.constant 32 : i32
    %lt3A_440 = vector.broadcast %lt3A_439 : i32 to vector<128x1xi32>
    %lt3A_441 = arith.cmpi slt, %broadcast_in_dim3A_438, %lt3A_440 : vector<128x1xi32>
    %select_n3A_442 = arith.select %lt3A_441, %or3A_432, %select_n3A_429 : vector<128x1xi1>, vector<128x1xi32>
    %or3A_443 = arith.constant 16 : i32
    %or3A_444 = vector.broadcast %or3A_443 : i32 to vector<128x1xi32>
    %or3A_445 = arith.ori %select_n3A_442, %or3A_444 : vector<128x1xi32>
    %lt3A_446 = vector.broadcast %or3A_445 : vector<128x1xi32> to vector<128x4096xi32>
    %lt3A_447 = arith.cmpi slt, %bitcast_convert_type3A_107, %lt3A_446 : vector<128x4096xi32>
    %convert_element_type3A_448 = arith.extui %lt3A_447 : vector<128x4096xi1> to vector<128x4096xi32>
    %reduce_sum3A_449 = arith.constant dense<0> : vector<128xi32>
    %reduce_sum3A_450 = vector.multi_reduction <add>, %convert_element_type3A_448, %reduce_sum3A_449 [1] : vector<128x4096xi32> to vector<128xi32>
    %broadcast_in_dim3A_451 = vector.shape_cast %reduce_sum3A_450 : vector<128xi32> to vector<128x1xi32>
    %lt3A_452 = arith.constant 32 : i32
    %lt3A_453 = vector.broadcast %lt3A_452 : i32 to vector<128x1xi32>
    %lt3A_454 = arith.cmpi slt, %broadcast_in_dim3A_451, %lt3A_453 : vector<128x1xi32>
    %select_n3A_455 = arith.select %lt3A_454, %or3A_445, %select_n3A_442 : vector<128x1xi1>, vector<128x1xi32>
    %or3A_456 = arith.constant 8 : i32
    %or3A_457 = vector.broadcast %or3A_456 : i32 to vector<128x1xi32>
    %or3A_458 = arith.ori %select_n3A_455, %or3A_457 : vector<128x1xi32>
    %lt3A_459 = vector.broadcast %or3A_458 : vector<128x1xi32> to vector<128x4096xi32>
    %lt3A_460 = arith.cmpi slt, %bitcast_convert_type3A_107, %lt3A_459 : vector<128x4096xi32>
    %convert_element_type3A_461 = arith.extui %lt3A_460 : vector<128x4096xi1> to vector<128x4096xi32>
    %reduce_sum3A_462 = arith.constant dense<0> : vector<128xi32>
    %reduce_sum3A_463 = vector.multi_reduction <add>, %convert_element_type3A_461, %reduce_sum3A_462 [1] : vector<128x4096xi32> to vector<128xi32>
    %broadcast_in_dim3A_464 = vector.shape_cast %reduce_sum3A_463 : vector<128xi32> to vector<128x1xi32>
    %lt3A_465 = arith.constant 32 : i32
    %lt3A_466 = vector.broadcast %lt3A_465 : i32 to vector<128x1xi32>
    %lt3A_467 = arith.cmpi slt, %broadcast_in_dim3A_464, %lt3A_466 : vector<128x1xi32>
    %select_n3A_468 = arith.select %lt3A_467, %or3A_458, %select_n3A_455 : vector<128x1xi1>, vector<128x1xi32>
    %or3A_469 = arith.constant 4 : i32
    %or3A_470 = vector.broadcast %or3A_469 : i32 to vector<128x1xi32>
    %or3A_471 = arith.ori %select_n3A_468, %or3A_470 : vector<128x1xi32>
    %lt3A_472 = vector.broadcast %or3A_471 : vector<128x1xi32> to vector<128x4096xi32>
    %lt3A_473 = arith.cmpi slt, %bitcast_convert_type3A_107, %lt3A_472 : vector<128x4096xi32>
    %convert_element_type3A_474 = arith.extui %lt3A_473 : vector<128x4096xi1> to vector<128x4096xi32>
    %reduce_sum3A_475 = arith.constant dense<0> : vector<128xi32>
    %reduce_sum3A_476 = vector.multi_reduction <add>, %convert_element_type3A_474, %reduce_sum3A_475 [1] : vector<128x4096xi32> to vector<128xi32>
    %broadcast_in_dim3A_477 = vector.shape_cast %reduce_sum3A_476 : vector<128xi32> to vector<128x1xi32>
    %lt3A_478 = arith.constant 32 : i32
    %lt3A_479 = vector.broadcast %lt3A_478 : i32 to vector<128x1xi32>
    %lt3A_480 = arith.cmpi slt, %broadcast_in_dim3A_477, %lt3A_479 : vector<128x1xi32>
    %select_n3A_481 = arith.select %lt3A_480, %or3A_471, %select_n3A_468 : vector<128x1xi1>, vector<128x1xi32>
    %or3A_482 = arith.constant 2 : i32
    %or3A_483 = vector.broadcast %or3A_482 : i32 to vector<128x1xi32>
    %or3A_484 = arith.ori %select_n3A_481, %or3A_483 : vector<128x1xi32>
    %lt3A_485 = vector.broadcast %or3A_484 : vector<128x1xi32> to vector<128x4096xi32>
    %lt3A_486 = arith.cmpi slt, %bitcast_convert_type3A_107, %lt3A_485 : vector<128x4096xi32>
    %convert_element_type3A_487 = arith.extui %lt3A_486 : vector<128x4096xi1> to vector<128x4096xi32>
    %reduce_sum3A_488 = arith.constant dense<0> : vector<128xi32>
    %reduce_sum3A_489 = vector.multi_reduction <add>, %convert_element_type3A_487, %reduce_sum3A_488 [1] : vector<128x4096xi32> to vector<128xi32>
    %broadcast_in_dim3A_490 = vector.shape_cast %reduce_sum3A_489 : vector<128xi32> to vector<128x1xi32>
    %lt3A_491 = arith.constant 32 : i32
    %lt3A_492 = vector.broadcast %lt3A_491 : i32 to vector<128x1xi32>
    %lt3A_493 = arith.cmpi slt, %broadcast_in_dim3A_490, %lt3A_492 : vector<128x1xi32>
    %select_n3A_494 = arith.select %lt3A_493, %or3A_484, %select_n3A_481 : vector<128x1xi1>, vector<128x1xi32>
    %or3A_495 = arith.constant 1 : i32
    %or3A_496 = vector.broadcast %or3A_495 : i32 to vector<128x1xi32>
    %or3A_497 = arith.ori %select_n3A_494, %or3A_496 : vector<128x1xi32>
    %lt3A_498 = vector.broadcast %or3A_497 : vector<128x1xi32> to vector<128x4096xi32>
    %lt3A_499 = arith.cmpi slt, %bitcast_convert_type3A_107, %lt3A_498 : vector<128x4096xi32>
    %convert_element_type3A_500 = arith.extui %lt3A_499 : vector<128x4096xi1> to vector<128x4096xi32>
    %reduce_sum3A_501 = arith.constant dense<0> : vector<128xi32>
    %reduce_sum3A_502 = vector.multi_reduction <add>, %convert_element_type3A_500, %reduce_sum3A_501 [1] : vector<128x4096xi32> to vector<128xi32>
    %broadcast_in_dim3A_503 = vector.shape_cast %reduce_sum3A_502 : vector<128xi32> to vector<128x1xi32>
    %lt3A_504 = arith.constant 32 : i32
    %lt3A_505 = vector.broadcast %lt3A_504 : i32 to vector<128x1xi32>
    %lt3A_506 = arith.cmpi slt, %broadcast_in_dim3A_503, %lt3A_505 : vector<128x1xi32>
    %select_n3A_507 = arith.select %lt3A_506, %or3A_497, %select_n3A_494 : vector<128x1xi1>, vector<128x1xi32>
    %broadcast_in_dim3A_508 = vector.shape_cast %select_n3A_507 : vector<128x1xi32> to vector<1x128x1xi32>
    %swap3A_509 = arith.constant 0 : index
    %swap3A_510 = arith.constant 0 : index
    %swap3A_511 = arith.constant 0 : index
    %swap3A_512 = vector.load %arg13[%swap3A_509, %swap3A_510, %swap3A_511] : memref<1x128x1xi32, #tpu.memory_space<vmem>>, vector<1x128x1xi32>
    tpu.vector_store %arg13[%swap3A_509, %swap3A_510, %swap3A_511], %broadcast_in_dim3A_508 {strides = array<i32>} : memref<1x128x1xi32, #tpu.memory_space<vmem>>, vector<1x128x1xi32>,
    return
  }
  func.func @transform_0(%arg0: i32, %arg1: i32) -> (i32, i32, i32) {
    %c0_i32 = arith.constant 0 : i32
    %c0_i32_0 = arith.constant 0 : i32
    %c0_i32_1 = arith.constant 0 : i32
    return %arg0, %c0_i32, %c0_i32_0 : i32, i32, i32
  }
  func.func @transform_1(%arg0: i32, %arg1: i32) -> (i32, i32, i32) {
    %c0_i32 = arith.constant 0 : i32
    %c0_i32_0 = arith.constant 0 : i32
    %c0_i32_1 = arith.constant 0 : i32
    return %arg0, %c0_i32, %c0_i32_0 : i32, i32, i32
  }
  func.func @transform_2(%arg0: i32, %arg1: i32) -> (i32, i32, i32) {
    %c0_i32 = arith.constant 0 : i32
    %c0_i32_0 = arith.constant 0 : i32
    %c0_i32_1 = arith.constant 0 : i32
    return %arg0, %c0_i32, %c0_i32_0 : i32, i32, i32
  }
  func.func @transform_3(%arg0: i32, %arg1: i32) -> (i32, i32, i32) {
    %c0_i32 = arith.constant 0 : i32
    %c0_i32_0 = arith.constant 0 : i32
    %c0_i32_1 = arith.constant 0 : i32
    return %arg0, %c0_i32, %c0_i32_0 : i32, i32, i32
  }
  func.func @transform_4(%arg0: i32, %arg1: i32) -> (i32, i32, i32) {
    %c0_i32 = arith.constant 0 : i32
    %c0_i32_0 = arith.constant 0 : i32
    %c0_i32_1 = arith.constant 0 : i32
    return %arg0, %c0_i32, %c0_i32_0 : i32, i32, i32
  }
  func.func @transform_5(%arg0: i32, %arg1: i32) -> (i32, i32, i32) {
    %c0_i32 = arith.constant 0 : i32
    %c0_i32_0 = arith.constant 0 : i32
    %c0_i32_1 = arith.constant 0 : i32
    return %arg0, %c0_i32, %c0_i32_0 : i32, i32, i32
  }
  func.func @transform_6(%arg0: i32, %arg1: i32) -> (i32, i32, i32) {
    %mul3A = arith.constant 4 : i32
    %mul3A_0 = arith.muli %arg0, %mul3A : i32
    %add3A = arith.addi %mul3A_0, %arg1 : i32
    %c0_i32 = arith.constant 0 : i32
    %c0_i32_1 = arith.constant 0 : i32
    %c0_i32_2 = arith.constant 0 : i32
    return %add3A, %c0_i32, %c0_i32_1 : i32, i32, i32
  }
  func.func @transform_7(%arg0: i32, %arg1: i32) -> (i32, i32, i32) {
    %mul3A = arith.constant 4 : i32
    %mul3A_0 = arith.muli %arg0, %mul3A : i32
    %add3A = arith.addi %mul3A_0, %arg1 : i32
    %c0_i32 = arith.constant 0 : i32
    %c0_i32_1 = arith.constant 0 : i32
    %c0_i32_2 = arith.constant 0 : i32
    return %add3A, %c0_i32, %c0_i32_1 : i32, i32, i32
  }
  func.func @transform_8(%arg0: i32, %arg1: i32) -> (i32, i32, i32) {
    %mul3A = arith.constant 4 : i32
    %mul3A_0 = arith.muli %arg0, %mul3A : i32
    %add3A = arith.addi %mul3A_0, %arg1 : i32
    %c0_i32 = arith.constant 0 : i32
    %c0_i32_1 = arith.constant 0 : i32
    %c0_i32_2 = arith.constant 0 : i32
    return %add3A, %c0_i32, %c0_i32_1 : i32, i32, i32
  }
  func.func @transform_9(%arg0: i32, %arg1: i32) -> (i32, i32, i32) {
    %c0_i32 = arith.constant 0 : i32
    %c0_i32_0 = arith.constant 0 : i32
    return %arg0, %arg1, %c0_i32 : i32, i32, i32
  }
  func.func @transform_10(%arg0: i32, %arg1: i32) -> (i32, i32, i32) {
    %mul3A = arith.constant 4 : i32
    %mul3A_0 = arith.muli %arg0, %mul3A : i32
    %add3A = arith.addi %mul3A_0, %arg1 : i32
    %c0_i32 = arith.constant 0 : i32
    %c0_i32_1 = arith.constant 0 : i32
    %c0_i32_2 = arith.constant 0 : i32
    return %add3A, %c0_i32, %c0_i32_1 : i32, i32, i32
  }
  func.func @transform_11(%arg0: i32, %arg1: i32) -> (i32, i32, i32) {
    %mul3A = arith.constant 4 : i32
    %mul3A_0 = arith.muli %arg0, %mul3A : i32
    %add3A = arith.addi %mul3A_0, %arg1 : i32
    %c0_i32 = arith.constant 0 : i32
    %c0_i32_1 = arith.constant 0 : i32
    %c0_i32_2 = arith.constant 0 : i32
    return %add3A, %c0_i32, %c0_i32_1 : i32, i32, i32
  }
}

module attributes {stable_mosaic.version = 14 : i64} {
  func.func @_l1_body(%arg0: i32, %arg1: memref<4096x64xf32, #tpu.memory_space<vmem>>, %arg2: memref<4096x16xf32, #tpu.memory_space<vmem>>, %arg3: memref<128x16xf32, #tpu.memory_space<vmem>>, %arg4: memref<64x64xf32, #tpu.memory_space<vmem>>, %arg5: memref<16x64xf32, #tpu.memory_space<vmem>>, %arg6: memref<4096x64xf32, #tpu.memory_space<vmem>>, %arg7: memref<8x128xf32, #tpu.memory_space<vmem>>) attributes {dimension_semantics = [#tpu.dimension_semantics<arbitrary>], iteration_bounds = array<i64: 32>, scalar_prefetch = 0 : i64, scratch_operands = 0 : i64, tpu.core_type = #tpu.core_type<tc>, window_params = [{transform_indices = @transform_0, window_bounds = array<i64: 4096, 64>}, {transform_indices = @transform_1, window_bounds = array<i64: 4096, 16>}, {transform_indices = @transform_2, window_bounds = array<i64: 128, 16>}, {pipeline_mode = #tpu.pipeline_mode<synchronous>, transform_indices = @transform_3, window_bounds = array<i64: 64, 64>}, {pipeline_mode = #tpu.pipeline_mode<synchronous>, transform_indices = @transform_4, window_bounds = array<i64: 16, 64>}, {transform_indices = @transform_5, window_bounds = array<i64: 4096, 64>}, {pipeline_mode = #tpu.pipeline_mode<synchronous>, transform_indices = @transform_6, window_bounds = array<i64: 8, 128>}]} {
    %get3A = arith.constant 0 : index
    %get3A_0 = arith.constant 0 : index
    %get3A_1 = vector.load %arg1[%get3A, %get3A_0] : memref<4096x64xf32, #tpu.memory_space<vmem>>, vector<4096x64xf32>
    %get3A_2 = arith.constant 0 : index
    %get3A_3 = arith.constant 0 : index
    %get3A_4 = vector.load %arg4[%get3A_2, %get3A_3] : memref<64x64xf32, #tpu.memory_space<vmem>>, vector<64x64xf32>
    %dot_general3A = arith.constant dense<0.000000e+00> : vector<4096x64xf32>
    %dot_general3A_5 = tpu.matmul %get3A_1, %get3A_4, %dot_general3A {dimension_numbers = #tpu.dot_dimension_numbers<[1], [0], [0], [1], [0, 0, 1, 1], [], []>, transpose_lhs_hint = false} : vector<4096x64xf32>, vector<64x64xf32>, vector<4096x64xf32> -> vector<4096x64xf32>
    %get3A_6 = arith.constant 0 : index
    %get3A_7 = arith.constant 0 : index
    %get3A_8 = vector.load %arg2[%get3A_6, %get3A_7] : memref<4096x16xf32, #tpu.memory_space<vmem>>, vector<4096x16xf32>
    %get3A_9 = arith.constant 0 : index
    %get3A_10 = arith.constant 0 : index
    %get3A_11 = vector.load %arg5[%get3A_9, %get3A_10] : memref<16x64xf32, #tpu.memory_space<vmem>>, vector<16x64xf32>
    %dot_general3A_12 = arith.constant dense<0.000000e+00> : vector<4096x64xf32>
    %dot_general3A_13 = tpu.matmul %get3A_8, %get3A_11, %dot_general3A_12 {dimension_numbers = #tpu.dot_dimension_numbers<[1], [0], [0], [1], [0, 0, 1, 1], [], []>, transpose_lhs_hint = false} : vector<4096x16xf32>, vector<16x64xf32>, vector<4096x64xf32> -> vector<4096x64xf32>
    %add3A = arith.addf %dot_general3A_5, %dot_general3A_13 : vector<4096x64xf32>
    %get3A_14 = arith.constant 0 : index
    %get3A_15 = arith.constant 0 : index
    %get3A_16 = vector.load %arg3[%get3A_14, %get3A_15] : memref<128x16xf32, #tpu.memory_space<vmem>>, vector<128x16xf32>
    %get3A_17 = arith.constant 0 : index
    %get3A_18 = arith.constant 0 : index
    %get3A_19 = vector.load %arg5[%get3A_17, %get3A_18] : memref<16x64xf32, #tpu.memory_space<vmem>>, vector<16x64xf32>
    %dot_general3A_20 = arith.constant dense<0.000000e+00> : vector<128x64xf32>
    %dot_general3A_21 = tpu.matmul %get3A_16, %get3A_19, %dot_general3A_20 {dimension_numbers = #tpu.dot_dimension_numbers<[1], [0], [0], [1], [0, 0, 1, 1], [], []>, transpose_lhs_hint = false} : vector<128x16xf32>, vector<16x64xf32>, vector<128x64xf32> -> vector<128x64xf32>
    %broadcast_in_dim3A = vector.shape_cast %dot_general3A_21 : vector<128x64xf32> to vector<128x1x64xf32>
    %broadcast_in_dim3A_22 = vector.shape_cast %broadcast_in_dim3A : vector<128x1x64xf32> to vector<128x1x64xf32>
    %broadcast_in_dim3A_23 = vector.broadcast %broadcast_in_dim3A_22 : vector<128x1x64xf32> to vector<128x32x64xf32>
    %reshape3A = vector.shape_cast %broadcast_in_dim3A_23 : vector<128x32x64xf32> to vector<4096x64xf32>
    %sub3A = arith.subf %add3A, %reshape3A : vector<4096x64xf32>
    %swap3A = arith.constant 0 : index
    %swap3A_24 = arith.constant 0 : index
    %swap3A_25 = vector.load %arg6[%swap3A, %swap3A_24] : memref<4096x64xf32, #tpu.memory_space<vmem>>, vector<4096x64xf32>
    tpu.vector_store %arg6[%swap3A, %swap3A_24], %sub3A {strides = array<i32>} : memref<4096x64xf32, #tpu.memory_space<vmem>>, vector<4096x64xf32>,
    %reduce_sum3A = arith.constant dense<0.000000e+00> : vector<64xf32>
    %reduce_sum3A_26 = vector.multi_reduction <add>, %sub3A, %reduce_sum3A [0] : vector<4096x64xf32> to vector<64xf32>
    %broadcast_in_dim3A_27 = vector.shape_cast %reduce_sum3A_26 : vector<64xf32> to vector<1x64xf32>
    %mul3A = arith.mulf %sub3A, %sub3A : vector<4096x64xf32>
    %reduce_sum3A_28 = arith.constant dense<0.000000e+00> : vector<64xf32>
    %reduce_sum3A_29 = vector.multi_reduction <add>, %mul3A, %reduce_sum3A_28 [0] : vector<4096x64xf32> to vector<64xf32>
    %broadcast_in_dim3A_30 = vector.shape_cast %reduce_sum3A_29 : vector<64xf32> to vector<1x64xf32>
    %broadcast_in_dim3A_31 = arith.constant 0.000000e+00 : f32
    %broadcast_in_dim3A_32 = vector.broadcast %broadcast_in_dim3A_31 : f32 to vector<1x64xf32>
    %concatenate3A = tpu.concatenate %broadcast_in_dim3A_27, %broadcast_in_dim3A_32 in 1 : vector<1x64xf32>, vector<1x64xf32> -> vector<1x128xf32>
    %concatenate3A_33 = tpu.concatenate %broadcast_in_dim3A_30, %broadcast_in_dim3A_32 in 1 : vector<1x64xf32>, vector<1x64xf32> -> vector<1x128xf32>
    %broadcast_in_dim3A_34 = arith.constant 0.000000e+00 : f32
    %broadcast_in_dim3A_35 = vector.broadcast %broadcast_in_dim3A_34 : f32 to vector<6x128xf32>
    %concatenate3A_36 = tpu.concatenate %concatenate3A, %concatenate3A_33, %broadcast_in_dim3A_35 in 0 : vector<1x128xf32>, vector<1x128xf32>, vector<6x128xf32> -> vector<8x128xf32>
    %eq3A = arith.constant 0 : i32
    %eq3A_37 = arith.cmpi eq, %arg0, %eq3A : i32
    %convert_element_type3A = arith.extui %eq3A_37 : i1 to i32
    %cond3A = arith.constant 0 : i32
    %cond3A_38 = arith.cmpi ne, %convert_element_type3A, %cond3A : i32
    scf.if %cond3A_38 {
      %broadcast_in_dim3A_46 = arith.constant 0.000000e+00 : f32
      %broadcast_in_dim3A_47 = vector.broadcast %broadcast_in_dim3A_46 : f32 to vector<8x128xf32>
      %swap3A_48 = arith.constant 0 : index
      %swap3A_49 = arith.constant 0 : index
      %swap3A_50 = vector.load %arg7[%swap3A_48, %swap3A_49] : memref<8x128xf32, #tpu.memory_space<vmem>>, vector<8x128xf32>
      tpu.vector_store %arg7[%swap3A_48, %swap3A_49], %broadcast_in_dim3A_47 {strides = array<i32>} : memref<8x128xf32, #tpu.memory_space<vmem>>, vector<8x128xf32>,
    } else {
    }
    %get3A_39 = arith.constant 0 : index
    %get3A_40 = arith.constant 0 : index
    %get3A_41 = vector.load %arg7[%get3A_39, %get3A_40] : memref<8x128xf32, #tpu.memory_space<vmem>>, vector<8x128xf32>
    %add3A_42 = arith.addf %get3A_41, %concatenate3A_36 : vector<8x128xf32>
    %swap3A_43 = arith.constant 0 : index
    %swap3A_44 = arith.constant 0 : index
    %swap3A_45 = vector.load %arg7[%swap3A_43, %swap3A_44] : memref<8x128xf32, #tpu.memory_space<vmem>>, vector<8x128xf32>
    tpu.vector_store %arg7[%swap3A_43, %swap3A_44], %add3A_42 {strides = array<i32>} : memref<8x128xf32, #tpu.memory_space<vmem>>, vector<8x128xf32>,
    return
  }
  func.func @transform_0(%arg0: i32) -> (i32, i32) {
    %c0_i32 = arith.constant 0 : i32
    %c0_i32_0 = arith.constant 0 : i32
    return %arg0, %c0_i32 : i32, i32
  }
  func.func @transform_1(%arg0: i32) -> (i32, i32) {
    %c0_i32 = arith.constant 0 : i32
    %c0_i32_0 = arith.constant 0 : i32
    return %arg0, %c0_i32 : i32, i32
  }
  func.func @transform_2(%arg0: i32) -> (i32, i32) {
    %c0_i32 = arith.constant 0 : i32
    %c0_i32_0 = arith.constant 0 : i32
    return %arg0, %c0_i32 : i32, i32
  }
  func.func @transform_3(%arg0: i32) -> (i32, i32) {
    %c0_i32 = arith.constant 0 : i32
    %c0_i32_0 = arith.constant 0 : i32
    %c0_i32_1 = arith.constant 0 : i32
    return %c0_i32, %c0_i32_0 : i32, i32
  }
  func.func @transform_4(%arg0: i32) -> (i32, i32) {
    %c0_i32 = arith.constant 0 : i32
    %c0_i32_0 = arith.constant 0 : i32
    %c0_i32_1 = arith.constant 0 : i32
    return %c0_i32, %c0_i32_0 : i32, i32
  }
  func.func @transform_5(%arg0: i32) -> (i32, i32) {
    %c0_i32 = arith.constant 0 : i32
    %c0_i32_0 = arith.constant 0 : i32
    return %arg0, %c0_i32 : i32, i32
  }
  func.func @transform_6(%arg0: i32) -> (i32, i32) {
    %c0_i32 = arith.constant 0 : i32
    %c0_i32_0 = arith.constant 0 : i32
    %c0_i32_1 = arith.constant 0 : i32
    return %c0_i32, %c0_i32_0 : i32, i32
  }
}

module attributes {stable_mosaic.version = 14 : i64} {
  func.func @_mid_body(%arg0: i32, %arg1: memref<4096x64xf32, #tpu.memory_space<vmem>>, %arg2: memref<8x128xf32, #tpu.memory_space<vmem>>, %arg3: memref<1x64xf32, #tpu.memory_space<vmem>>, %arg4: memref<1x64xf32, #tpu.memory_space<vmem>>, %arg5: memref<64x64xf32, #tpu.memory_space<vmem>>, %arg6: memref<4096x64xf32, #tpu.memory_space<vmem>>, %arg7: memref<8x128xf32, #tpu.memory_space<vmem>>) attributes {dimension_semantics = [#tpu.dimension_semantics<arbitrary>], iteration_bounds = array<i64: 32>, scalar_prefetch = 0 : i64, scratch_operands = 0 : i64, tpu.core_type = #tpu.core_type<tc>, window_params = [{transform_indices = @transform_0, window_bounds = array<i64: 4096, 64>}, {pipeline_mode = #tpu.pipeline_mode<synchronous>, transform_indices = @transform_1, window_bounds = array<i64: 8, 128>}, {pipeline_mode = #tpu.pipeline_mode<synchronous>, transform_indices = @transform_2, window_bounds = array<i64: 1, 64>}, {pipeline_mode = #tpu.pipeline_mode<synchronous>, transform_indices = @transform_3, window_bounds = array<i64: 1, 64>}, {pipeline_mode = #tpu.pipeline_mode<synchronous>, transform_indices = @transform_4, window_bounds = array<i64: 64, 64>}, {transform_indices = @transform_5, window_bounds = array<i64: 4096, 64>}, {pipeline_mode = #tpu.pipeline_mode<synchronous>, transform_indices = @transform_6, window_bounds = array<i64: 8, 128>}]} {
    %get3A = arith.constant 0 : index
    %get3A_0 = arith.constant 0 : index
    %get3A_1 = vector.load %arg2[%get3A, %get3A_0] : memref<8x128xf32, #tpu.memory_space<vmem>>, vector<8x128xf32>
    %get3A_2 = arith.constant 0 : index
    %get3A_3 = arith.constant 0 : index
    %get3A_4 = vector.load %arg3[%get3A_2, %get3A_3] : memref<1x64xf32, #tpu.memory_space<vmem>>, vector<1x64xf32>
    %get3A_5 = arith.constant 0 : index
    %get3A_6 = arith.constant 0 : index
    %get3A_7 = vector.load %arg4[%get3A_5, %get3A_6] : memref<1x64xf32, #tpu.memory_space<vmem>>, vector<1x64xf32>
    %slice3A = vector.extract_strided_slice %get3A_1 {offsets = [0, 0], sizes = [1, 64], strides = [1, 1]} : vector<8x128xf32> to vector<1x64xf32>
    %mul3A = arith.constant 7.62939453E-6 : f32
    %mul3A_8 = vector.broadcast %mul3A : f32 to vector<1x64xf32>
    %mul3A_9 = arith.mulf %slice3A, %mul3A_8 : vector<1x64xf32>
    %slice3A_10 = vector.extract_strided_slice %get3A_1 {offsets = [1, 0], sizes = [1, 64], strides = [1, 1]} : vector<8x128xf32> to vector<1x64xf32>
    %mul3A_11 = arith.constant 7.62939453E-6 : f32
    %mul3A_12 = vector.broadcast %mul3A_11 : f32 to vector<1x64xf32>
    %mul3A_13 = arith.mulf %slice3A_10, %mul3A_12 : vector<1x64xf32>
    %mul3A_14 = arith.mulf %mul3A_9, %mul3A_9 : vector<1x64xf32>
    %sub3A = arith.subf %mul3A_13, %mul3A_14 : vector<1x64xf32>
    %add3A = arith.constant 9.99999974E-6 : f32
    %add3A_15 = vector.broadcast %add3A : f32 to vector<1x64xf32>
    %add3A_16 = arith.addf %sub3A, %add3A_15 : vector<1x64xf32>
    %sqrt3A = math.sqrt %add3A_16 : vector<1x64xf32>
    %div3A = arith.divf %get3A_4, %sqrt3A : vector<1x64xf32>
    %mul3A_17 = arith.mulf %mul3A_9, %div3A : vector<1x64xf32>
    %sub3A_18 = arith.subf %get3A_7, %mul3A_17 : vector<1x64xf32>
    %get3A_19 = arith.constant 0 : index
    %get3A_20 = arith.constant 0 : index
    %get3A_21 = vector.load %arg1[%get3A_19, %get3A_20] : memref<4096x64xf32, #tpu.memory_space<vmem>>, vector<4096x64xf32>
    %mul3A_22 = vector.broadcast %div3A : vector<1x64xf32> to vector<4096x64xf32>
    %mul3A_23 = arith.mulf %get3A_21, %mul3A_22 : vector<4096x64xf32>
    %add3A_24 = vector.broadcast %sub3A_18 : vector<1x64xf32> to vector<4096x64xf32>
    %add3A_25 = arith.addf %mul3A_23, %add3A_24 : vector<4096x64xf32>
    %max3A = arith.constant 0.000000e+00 : f32
    %max3A_26 = vector.broadcast %max3A : f32 to vector<4096x64xf32>
    %max3A_27 = arith.maximumf %add3A_25, %max3A_26 : vector<4096x64xf32>
    %get3A_28 = arith.constant 0 : index
    %get3A_29 = arith.constant 0 : index
    %get3A_30 = vector.load %arg5[%get3A_28, %get3A_29] : memref<64x64xf32, #tpu.memory_space<vmem>>, vector<64x64xf32>
    %dot_general3A = arith.constant dense<0.000000e+00> : vector<4096x64xf32>
    %dot_general3A_31 = tpu.matmul %max3A_27, %get3A_30, %dot_general3A {dimension_numbers = #tpu.dot_dimension_numbers<[1], [0], [0], [1], [0, 0, 1, 1], [], []>, transpose_lhs_hint = false} : vector<4096x64xf32>, vector<64x64xf32>, vector<4096x64xf32> -> vector<4096x64xf32>
    %swap3A = arith.constant 0 : index
    %swap3A_32 = arith.constant 0 : index
    %swap3A_33 = vector.load %arg6[%swap3A, %swap3A_32] : memref<4096x64xf32, #tpu.memory_space<vmem>>, vector<4096x64xf32>
    tpu.vector_store %arg6[%swap3A, %swap3A_32], %dot_general3A_31 {strides = array<i32>} : memref<4096x64xf32, #tpu.memory_space<vmem>>, vector<4096x64xf32>,
    %reduce_sum3A = arith.constant dense<0.000000e+00> : vector<64xf32>
    %reduce_sum3A_34 = vector.multi_reduction <add>, %dot_general3A_31, %reduce_sum3A [0] : vector<4096x64xf32> to vector<64xf32>
    %broadcast_in_dim3A = vector.shape_cast %reduce_sum3A_34 : vector<64xf32> to vector<1x64xf32>
    %mul3A_35 = arith.mulf %dot_general3A_31, %dot_general3A_31 : vector<4096x64xf32>
    %reduce_sum3A_36 = arith.constant dense<0.000000e+00> : vector<64xf32>
    %reduce_sum3A_37 = vector.multi_reduction <add>, %mul3A_35, %reduce_sum3A_36 [0] : vector<4096x64xf32> to vector<64xf32>
    %broadcast_in_dim3A_38 = vector.shape_cast %reduce_sum3A_37 : vector<64xf32> to vector<1x64xf32>
    %broadcast_in_dim3A_39 = arith.constant 0.000000e+00 : f32
    %broadcast_in_dim3A_40 = vector.broadcast %broadcast_in_dim3A_39 : f32 to vector<1x64xf32>
    %concatenate3A = tpu.concatenate %broadcast_in_dim3A, %broadcast_in_dim3A_40 in 1 : vector<1x64xf32>, vector<1x64xf32> -> vector<1x128xf32>
    %concatenate3A_41 = tpu.concatenate %broadcast_in_dim3A_38, %broadcast_in_dim3A_40 in 1 : vector<1x64xf32>, vector<1x64xf32> -> vector<1x128xf32>
    %broadcast_in_dim3A_42 = arith.constant 0.000000e+00 : f32
    %broadcast_in_dim3A_43 = vector.broadcast %broadcast_in_dim3A_42 : f32 to vector<6x128xf32>
    %concatenate3A_44 = tpu.concatenate %concatenate3A, %concatenate3A_41, %broadcast_in_dim3A_43 in 0 : vector<1x128xf32>, vector<1x128xf32>, vector<6x128xf32> -> vector<8x128xf32>
    %eq3A = arith.constant 0 : i32
    %eq3A_45 = arith.cmpi eq, %arg0, %eq3A : i32
    %convert_element_type3A = arith.extui %eq3A_45 : i1 to i32
    %cond3A = arith.constant 0 : i32
    %cond3A_46 = arith.cmpi ne, %convert_element_type3A, %cond3A : i32
    scf.if %cond3A_46 {
      %broadcast_in_dim3A_54 = arith.constant 0.000000e+00 : f32
      %broadcast_in_dim3A_55 = vector.broadcast %broadcast_in_dim3A_54 : f32 to vector<8x128xf32>
      %swap3A_56 = arith.constant 0 : index
      %swap3A_57 = arith.constant 0 : index
      %swap3A_58 = vector.load %arg7[%swap3A_56, %swap3A_57] : memref<8x128xf32, #tpu.memory_space<vmem>>, vector<8x128xf32>
      tpu.vector_store %arg7[%swap3A_56, %swap3A_57], %broadcast_in_dim3A_55 {strides = array<i32>} : memref<8x128xf32, #tpu.memory_space<vmem>>, vector<8x128xf32>,
    } else {
    }
    %get3A_47 = arith.constant 0 : index
    %get3A_48 = arith.constant 0 : index
    %get3A_49 = vector.load %arg7[%get3A_47, %get3A_48] : memref<8x128xf32, #tpu.memory_space<vmem>>, vector<8x128xf32>
    %add3A_50 = arith.addf %get3A_49, %concatenate3A_44 : vector<8x128xf32>
    %swap3A_51 = arith.constant 0 : index
    %swap3A_52 = arith.constant 0 : index
    %swap3A_53 = vector.load %arg7[%swap3A_51, %swap3A_52] : memref<8x128xf32, #tpu.memory_space<vmem>>, vector<8x128xf32>
    tpu.vector_store %arg7[%swap3A_51, %swap3A_52], %add3A_50 {strides = array<i32>} : memref<8x128xf32, #tpu.memory_space<vmem>>, vector<8x128xf32>,
    return
  }
  func.func @transform_0(%arg0: i32) -> (i32, i32) {
    %c0_i32 = arith.constant 0 : i32
    %c0_i32_0 = arith.constant 0 : i32
    return %arg0, %c0_i32 : i32, i32
  }
  func.func @transform_1(%arg0: i32) -> (i32, i32) {
    %c0_i32 = arith.constant 0 : i32
    %c0_i32_0 = arith.constant 0 : i32
    %c0_i32_1 = arith.constant 0 : i32
    return %c0_i32, %c0_i32_0 : i32, i32
  }
  func.func @transform_2(%arg0: i32) -> (i32, i32) {
    %c0_i32 = arith.constant 0 : i32
    %c0_i32_0 = arith.constant 0 : i32
    %c0_i32_1 = arith.constant 0 : i32
    return %c0_i32, %c0_i32_0 : i32, i32
  }
  func.func @transform_3(%arg0: i32) -> (i32, i32) {
    %c0_i32 = arith.constant 0 : i32
    %c0_i32_0 = arith.constant 0 : i32
    %c0_i32_1 = arith.constant 0 : i32
    return %c0_i32, %c0_i32_0 : i32, i32
  }
  func.func @transform_4(%arg0: i32) -> (i32, i32) {
    %c0_i32 = arith.constant 0 : i32
    %c0_i32_0 = arith.constant 0 : i32
    %c0_i32_1 = arith.constant 0 : i32
    return %c0_i32, %c0_i32_0 : i32, i32
  }
  func.func @transform_5(%arg0: i32) -> (i32, i32) {
    %c0_i32 = arith.constant 0 : i32
    %c0_i32_0 = arith.constant 0 : i32
    return %arg0, %c0_i32 : i32, i32
  }
  func.func @transform_6(%arg0: i32) -> (i32, i32) {
    %c0_i32 = arith.constant 0 : i32
    %c0_i32_0 = arith.constant 0 : i32
    %c0_i32_1 = arith.constant 0 : i32
    return %c0_i32, %c0_i32_0 : i32, i32
  }
}

module attributes {stable_mosaic.version = 14 : i64} {
  func.func @_mid_body(%arg0: i32, %arg1: memref<4096x64xf32, #tpu.memory_space<vmem>>, %arg2: memref<8x128xf32, #tpu.memory_space<vmem>>, %arg3: memref<1x64xf32, #tpu.memory_space<vmem>>, %arg4: memref<1x64xf32, #tpu.memory_space<vmem>>, %arg5: memref<64x128xf32, #tpu.memory_space<vmem>>, %arg6: memref<4096x128xf32, #tpu.memory_space<vmem>>, %arg7: memref<8x128xf32, #tpu.memory_space<vmem>>) attributes {dimension_semantics = [#tpu.dimension_semantics<arbitrary>], iteration_bounds = array<i64: 32>, scalar_prefetch = 0 : i64, scratch_operands = 0 : i64, tpu.core_type = #tpu.core_type<tc>, window_params = [{transform_indices = @transform_0, window_bounds = array<i64: 4096, 64>}, {pipeline_mode = #tpu.pipeline_mode<synchronous>, transform_indices = @transform_1, window_bounds = array<i64: 8, 128>}, {pipeline_mode = #tpu.pipeline_mode<synchronous>, transform_indices = @transform_2, window_bounds = array<i64: 1, 64>}, {pipeline_mode = #tpu.pipeline_mode<synchronous>, transform_indices = @transform_3, window_bounds = array<i64: 1, 64>}, {pipeline_mode = #tpu.pipeline_mode<synchronous>, transform_indices = @transform_4, window_bounds = array<i64: 64, 128>}, {transform_indices = @transform_5, window_bounds = array<i64: 4096, 128>}, {pipeline_mode = #tpu.pipeline_mode<synchronous>, transform_indices = @transform_6, window_bounds = array<i64: 8, 128>}]} {
    %get3A = arith.constant 0 : index
    %get3A_0 = arith.constant 0 : index
    %get3A_1 = vector.load %arg2[%get3A, %get3A_0] : memref<8x128xf32, #tpu.memory_space<vmem>>, vector<8x128xf32>
    %get3A_2 = arith.constant 0 : index
    %get3A_3 = arith.constant 0 : index
    %get3A_4 = vector.load %arg3[%get3A_2, %get3A_3] : memref<1x64xf32, #tpu.memory_space<vmem>>, vector<1x64xf32>
    %get3A_5 = arith.constant 0 : index
    %get3A_6 = arith.constant 0 : index
    %get3A_7 = vector.load %arg4[%get3A_5, %get3A_6] : memref<1x64xf32, #tpu.memory_space<vmem>>, vector<1x64xf32>
    %slice3A = vector.extract_strided_slice %get3A_1 {offsets = [0, 0], sizes = [1, 64], strides = [1, 1]} : vector<8x128xf32> to vector<1x64xf32>
    %mul3A = arith.constant 7.62939453E-6 : f32
    %mul3A_8 = vector.broadcast %mul3A : f32 to vector<1x64xf32>
    %mul3A_9 = arith.mulf %slice3A, %mul3A_8 : vector<1x64xf32>
    %slice3A_10 = vector.extract_strided_slice %get3A_1 {offsets = [1, 0], sizes = [1, 64], strides = [1, 1]} : vector<8x128xf32> to vector<1x64xf32>
    %mul3A_11 = arith.constant 7.62939453E-6 : f32
    %mul3A_12 = vector.broadcast %mul3A_11 : f32 to vector<1x64xf32>
    %mul3A_13 = arith.mulf %slice3A_10, %mul3A_12 : vector<1x64xf32>
    %mul3A_14 = arith.mulf %mul3A_9, %mul3A_9 : vector<1x64xf32>
    %sub3A = arith.subf %mul3A_13, %mul3A_14 : vector<1x64xf32>
    %add3A = arith.constant 9.99999974E-6 : f32
    %add3A_15 = vector.broadcast %add3A : f32 to vector<1x64xf32>
    %add3A_16 = arith.addf %sub3A, %add3A_15 : vector<1x64xf32>
    %sqrt3A = math.sqrt %add3A_16 : vector<1x64xf32>
    %div3A = arith.divf %get3A_4, %sqrt3A : vector<1x64xf32>
    %mul3A_17 = arith.mulf %mul3A_9, %div3A : vector<1x64xf32>
    %sub3A_18 = arith.subf %get3A_7, %mul3A_17 : vector<1x64xf32>
    %get3A_19 = arith.constant 0 : index
    %get3A_20 = arith.constant 0 : index
    %get3A_21 = vector.load %arg1[%get3A_19, %get3A_20] : memref<4096x64xf32, #tpu.memory_space<vmem>>, vector<4096x64xf32>
    %mul3A_22 = vector.broadcast %div3A : vector<1x64xf32> to vector<4096x64xf32>
    %mul3A_23 = arith.mulf %get3A_21, %mul3A_22 : vector<4096x64xf32>
    %add3A_24 = vector.broadcast %sub3A_18 : vector<1x64xf32> to vector<4096x64xf32>
    %add3A_25 = arith.addf %mul3A_23, %add3A_24 : vector<4096x64xf32>
    %max3A = arith.constant 0.000000e+00 : f32
    %max3A_26 = vector.broadcast %max3A : f32 to vector<4096x64xf32>
    %max3A_27 = arith.maximumf %add3A_25, %max3A_26 : vector<4096x64xf32>
    %get3A_28 = arith.constant 0 : index
    %get3A_29 = arith.constant 0 : index
    %get3A_30 = vector.load %arg5[%get3A_28, %get3A_29] : memref<64x128xf32, #tpu.memory_space<vmem>>, vector<64x128xf32>
    %dot_general3A = arith.constant dense<0.000000e+00> : vector<4096x128xf32>
    %dot_general3A_31 = tpu.matmul %max3A_27, %get3A_30, %dot_general3A {dimension_numbers = #tpu.dot_dimension_numbers<[1], [0], [0], [1], [0, 0, 1, 1], [], []>, transpose_lhs_hint = false} : vector<4096x64xf32>, vector<64x128xf32>, vector<4096x128xf32> -> vector<4096x128xf32>
    %swap3A = arith.constant 0 : index
    %swap3A_32 = arith.constant 0 : index
    %swap3A_33 = vector.load %arg6[%swap3A, %swap3A_32] : memref<4096x128xf32, #tpu.memory_space<vmem>>, vector<4096x128xf32>
    tpu.vector_store %arg6[%swap3A, %swap3A_32], %dot_general3A_31 {strides = array<i32>} : memref<4096x128xf32, #tpu.memory_space<vmem>>, vector<4096x128xf32>,
    %reduce_sum3A = arith.constant dense<0.000000e+00> : vector<128xf32>
    %reduce_sum3A_34 = vector.multi_reduction <add>, %dot_general3A_31, %reduce_sum3A [0] : vector<4096x128xf32> to vector<128xf32>
    %broadcast_in_dim3A = vector.shape_cast %reduce_sum3A_34 : vector<128xf32> to vector<1x128xf32>
    %mul3A_35 = arith.mulf %dot_general3A_31, %dot_general3A_31 : vector<4096x128xf32>
    %reduce_sum3A_36 = arith.constant dense<0.000000e+00> : vector<128xf32>
    %reduce_sum3A_37 = vector.multi_reduction <add>, %mul3A_35, %reduce_sum3A_36 [0] : vector<4096x128xf32> to vector<128xf32>
    %broadcast_in_dim3A_38 = vector.shape_cast %reduce_sum3A_37 : vector<128xf32> to vector<1x128xf32>
    %broadcast_in_dim3A_39 = arith.constant 0.000000e+00 : f32
    %broadcast_in_dim3A_40 = vector.broadcast %broadcast_in_dim3A_39 : f32 to vector<6x128xf32>
    %concatenate3A = tpu.concatenate %broadcast_in_dim3A, %broadcast_in_dim3A_38, %broadcast_in_dim3A_40 in 0 : vector<1x128xf32>, vector<1x128xf32>, vector<6x128xf32> -> vector<8x128xf32>
    %eq3A = arith.constant 0 : i32
    %eq3A_41 = arith.cmpi eq, %arg0, %eq3A : i32
    %convert_element_type3A = arith.extui %eq3A_41 : i1 to i32
    %cond3A = arith.constant 0 : i32
    %cond3A_42 = arith.cmpi ne, %convert_element_type3A, %cond3A : i32
    scf.if %cond3A_42 {
      %broadcast_in_dim3A_50 = arith.constant 0.000000e+00 : f32
      %broadcast_in_dim3A_51 = vector.broadcast %broadcast_in_dim3A_50 : f32 to vector<8x128xf32>
      %swap3A_52 = arith.constant 0 : index
      %swap3A_53 = arith.constant 0 : index
      %swap3A_54 = vector.load %arg7[%swap3A_52, %swap3A_53] : memref<8x128xf32, #tpu.memory_space<vmem>>, vector<8x128xf32>
      tpu.vector_store %arg7[%swap3A_52, %swap3A_53], %broadcast_in_dim3A_51 {strides = array<i32>} : memref<8x128xf32, #tpu.memory_space<vmem>>, vector<8x128xf32>,
    } else {
    }
    %get3A_43 = arith.constant 0 : index
    %get3A_44 = arith.constant 0 : index
    %get3A_45 = vector.load %arg7[%get3A_43, %get3A_44] : memref<8x128xf32, #tpu.memory_space<vmem>>, vector<8x128xf32>
    %add3A_46 = arith.addf %get3A_45, %concatenate3A : vector<8x128xf32>
    %swap3A_47 = arith.constant 0 : index
    %swap3A_48 = arith.constant 0 : index
    %swap3A_49 = vector.load %arg7[%swap3A_47, %swap3A_48] : memref<8x128xf32, #tpu.memory_space<vmem>>, vector<8x128xf32>
    tpu.vector_store %arg7[%swap3A_47, %swap3A_48], %add3A_46 {strides = array<i32>} : memref<8x128xf32, #tpu.memory_space<vmem>>, vector<8x128xf32>,
    return
  }
  func.func @transform_0(%arg0: i32) -> (i32, i32) {
    %c0_i32 = arith.constant 0 : i32
    %c0_i32_0 = arith.constant 0 : i32
    return %arg0, %c0_i32 : i32, i32
  }
  func.func @transform_1(%arg0: i32) -> (i32, i32) {
    %c0_i32 = arith.constant 0 : i32
    %c0_i32_0 = arith.constant 0 : i32
    %c0_i32_1 = arith.constant 0 : i32
    return %c0_i32, %c0_i32_0 : i32, i32
  }
  func.func @transform_2(%arg0: i32) -> (i32, i32) {
    %c0_i32 = arith.constant 0 : i32
    %c0_i32_0 = arith.constant 0 : i32
    %c0_i32_1 = arith.constant 0 : i32
    return %c0_i32, %c0_i32_0 : i32, i32
  }
  func.func @transform_3(%arg0: i32) -> (i32, i32) {
    %c0_i32 = arith.constant 0 : i32
    %c0_i32_0 = arith.constant 0 : i32
    %c0_i32_1 = arith.constant 0 : i32
    return %c0_i32, %c0_i32_0 : i32, i32
  }
  func.func @transform_4(%arg0: i32) -> (i32, i32) {
    %c0_i32 = arith.constant 0 : i32
    %c0_i32_0 = arith.constant 0 : i32
    %c0_i32_1 = arith.constant 0 : i32
    return %c0_i32, %c0_i32_0 : i32, i32
  }
  func.func @transform_5(%arg0: i32) -> (i32, i32) {
    %c0_i32 = arith.constant 0 : i32
    %c0_i32_0 = arith.constant 0 : i32
    return %arg0, %c0_i32 : i32, i32
  }
  func.func @transform_6(%arg0: i32) -> (i32, i32) {
    %c0_i32 = arith.constant 0 : i32
    %c0_i32_0 = arith.constant 0 : i32
    %c0_i32_1 = arith.constant 0 : i32
    return %c0_i32, %c0_i32_0 : i32, i32
  }
}

module attributes {stable_mosaic.version = 14 : i64} {
  func.func @_pool_body(%arg0: i32, %arg1: memref<4096x128xf32, #tpu.memory_space<vmem>>, %arg2: memref<8x128xf32, #tpu.memory_space<vmem>>, %arg3: memref<1x128xf32, #tpu.memory_space<vmem>>, %arg4: memref<1x128xf32, #tpu.memory_space<vmem>>, %arg5: memref<128x128xf32, #tpu.memory_space<vmem>>) attributes {dimension_semantics = [#tpu.dimension_semantics<arbitrary>], iteration_bounds = array<i64: 32>, scalar_prefetch = 0 : i64, scratch_operands = 0 : i64, tpu.core_type = #tpu.core_type<tc>, window_params = [{transform_indices = @transform_0, window_bounds = array<i64: 4096, 128>}, {pipeline_mode = #tpu.pipeline_mode<synchronous>, transform_indices = @transform_1, window_bounds = array<i64: 8, 128>}, {pipeline_mode = #tpu.pipeline_mode<synchronous>, transform_indices = @transform_2, window_bounds = array<i64: 1, 128>}, {pipeline_mode = #tpu.pipeline_mode<synchronous>, transform_indices = @transform_3, window_bounds = array<i64: 1, 128>}, {transform_indices = @transform_4, window_bounds = array<i64: 128, 128>}]} {
    %get3A = arith.constant 0 : index
    %get3A_0 = arith.constant 0 : index
    %get3A_1 = vector.load %arg2[%get3A, %get3A_0] : memref<8x128xf32, #tpu.memory_space<vmem>>, vector<8x128xf32>
    %get3A_2 = arith.constant 0 : index
    %get3A_3 = arith.constant 0 : index
    %get3A_4 = vector.load %arg3[%get3A_2, %get3A_3] : memref<1x128xf32, #tpu.memory_space<vmem>>, vector<1x128xf32>
    %get3A_5 = arith.constant 0 : index
    %get3A_6 = arith.constant 0 : index
    %get3A_7 = vector.load %arg4[%get3A_5, %get3A_6] : memref<1x128xf32, #tpu.memory_space<vmem>>, vector<1x128xf32>
    %slice3A = vector.extract_strided_slice %get3A_1 {offsets = [0, 0], sizes = [1, 128], strides = [1, 1]} : vector<8x128xf32> to vector<1x128xf32>
    %mul3A = arith.constant 7.62939453E-6 : f32
    %mul3A_8 = vector.broadcast %mul3A : f32 to vector<1x128xf32>
    %mul3A_9 = arith.mulf %slice3A, %mul3A_8 : vector<1x128xf32>
    %slice3A_10 = vector.extract_strided_slice %get3A_1 {offsets = [1, 0], sizes = [1, 128], strides = [1, 1]} : vector<8x128xf32> to vector<1x128xf32>
    %mul3A_11 = arith.constant 7.62939453E-6 : f32
    %mul3A_12 = vector.broadcast %mul3A_11 : f32 to vector<1x128xf32>
    %mul3A_13 = arith.mulf %slice3A_10, %mul3A_12 : vector<1x128xf32>
    %mul3A_14 = arith.mulf %mul3A_9, %mul3A_9 : vector<1x128xf32>
    %sub3A = arith.subf %mul3A_13, %mul3A_14 : vector<1x128xf32>
    %add3A = arith.constant 9.99999974E-6 : f32
    %add3A_15 = vector.broadcast %add3A : f32 to vector<1x128xf32>
    %add3A_16 = arith.addf %sub3A, %add3A_15 : vector<1x128xf32>
    %sqrt3A = math.sqrt %add3A_16 : vector<1x128xf32>
    %div3A = arith.divf %get3A_4, %sqrt3A : vector<1x128xf32>
    %mul3A_17 = arith.mulf %mul3A_9, %div3A : vector<1x128xf32>
    %sub3A_18 = arith.subf %get3A_7, %mul3A_17 : vector<1x128xf32>
    %get3A_19 = arith.constant 0 : index
    %get3A_20 = arith.constant 0 : index
    %get3A_21 = vector.load %arg1[%get3A_19, %get3A_20] : memref<4096x128xf32, #tpu.memory_space<vmem>>, vector<4096x128xf32>
    %mul3A_22 = vector.broadcast %div3A : vector<1x128xf32> to vector<4096x128xf32>
    %mul3A_23 = arith.mulf %get3A_21, %mul3A_22 : vector<4096x128xf32>
    %add3A_24 = vector.broadcast %sub3A_18 : vector<1x128xf32> to vector<4096x128xf32>
    %add3A_25 = arith.addf %mul3A_23, %add3A_24 : vector<4096x128xf32>
    %max3A = arith.constant 0.000000e+00 : f32
    %max3A_26 = vector.broadcast %max3A : f32 to vector<4096x128xf32>
    %max3A_27 = arith.maximumf %add3A_25, %max3A_26 : vector<4096x128xf32>
    %reshape3A = vector.shape_cast %max3A_27 : vector<4096x128xf32> to vector<128x32x128xf32>
    %reduce_max3A = arith.constant dense<0xFF800000> : vector<128x128xf32>
    %reduce_max3A_28 = vector.multi_reduction <maximumf>, %reshape3A, %reduce_max3A [1] : vector<128x32x128xf32> to vector<128x128xf32>
    %swap3A = arith.constant 0 : index
    %swap3A_29 = arith.constant 0 : index
    %swap3A_30 = vector.load %arg5[%swap3A, %swap3A_29] : memref<128x128xf32, #tpu.memory_space<vmem>>, vector<128x128xf32>
    tpu.vector_store %arg5[%swap3A, %swap3A_29], %reduce_max3A_28 {strides = array<i32>} : memref<128x128xf32, #tpu.memory_space<vmem>>, vector<128x128xf32>,
    return
  }
  func.func @transform_0(%arg0: i32) -> (i32, i32) {
    %c0_i32 = arith.constant 0 : i32
    %c0_i32_0 = arith.constant 0 : i32
    return %arg0, %c0_i32 : i32, i32
  }
  func.func @transform_1(%arg0: i32) -> (i32, i32) {
    %c0_i32 = arith.constant 0 : i32
    %c0_i32_0 = arith.constant 0 : i32
    %c0_i32_1 = arith.constant 0 : i32
    return %c0_i32, %c0_i32_0 : i32, i32
  }
  func.func @transform_2(%arg0: i32) -> (i32, i32) {
    %c0_i32 = arith.constant 0 : i32
    %c0_i32_0 = arith.constant 0 : i32
    %c0_i32_1 = arith.constant 0 : i32
    return %c0_i32, %c0_i32_0 : i32, i32
  }
  func.func @transform_3(%arg0: i32) -> (i32, i32) {
    %c0_i32 = arith.constant 0 : i32
    %c0_i32_0 = arith.constant 0 : i32
    %c0_i32_1 = arith.constant 0 : i32
    return %c0_i32, %c0_i32_0 : i32, i32
  }
  func.func @transform_4(%arg0: i32) -> (i32, i32) {
    %c0_i32 = arith.constant 0 : i32
    %c0_i32_0 = arith.constant 0 : i32
    return %arg0, %c0_i32 : i32, i32
  }
}

</mosaic_0001>

<sc_bundles>
// kernel: kernel.9.cloned.1.call-start
scs
__scs_entry_jumppad:
0x0: {  	(pc) =	sbr.rel $0x88, $3  }
0x1: {  	(tag) =	ssettag $0x0;
	lr =	simm.s32 $0x1  }
0x2: {  	[smem:$0x3F96] =	sst lr;
	_ =	strace $0xD0000000  }
0x3: {  	_ = 	snop  }
0x4: {  	_ = 	snop  }
0x5: {  	_ = 	snop  }
0x6: {  	_ = 	snop  }
0x7: {  	_ = 	snop  }
__scs_overlays_trampoline_lowered:
0x8: {  	[smem:$0x3FA5] =	sst s0  }
0x9: {  	[smem:$0x3FA6] =	sst s1  }
0xa: {  	[smem:$0x3FA7] =	sst s2  }
0xb: {  	[smem:$0x3FA8] =	sst s3  }
0xc: {  	[smem:$0x3FA9] =	sst s4  }
0xd: {  	[smem:$0x3FAA] =	sst s5  }
0xe: {  	[smem:$0x3FAB] =	sst s6  }
0xf: {  	[smem:$0x3FAC] =	sst s7  }
0x10: {  	[smem:$0x3FAD] =	sst s8  }
0x11: {  	[smem:$0x3FAE] =	sst s9;
	s0 =	simm.s32 @!p0 $0x0  }
0x12: {  	s1 =	sld [smem:$0x3F94];
	s0 =	simm.s32 @p0 $0x1  }
0x13: {  	[smem:$0x3FAF] =	sst s0;
	s0 =	simm.s32 @!p1 $0x0  }
0x14: {  	s2 =	sld [smem:$0x3F93];
	s0 =	simm.s32 @p1 $0x1  }
0x15: {  	[smem:$0x3FB0] =	sst s0;
	s0 =	simm.s32 @!p2 $0x0  }
0x16: {  	s3 =	sld [smem:$0x3FDB];
	s0 =	simm.s32 @p2 $0x1  }
0x17: {  	s4 =	simm.s32 $0x1BF5;
	[smem:$0x3FB2] =	sst s0  }
0x18: {  	s0 =	sld [smem:$0x3F95];
	_ =	swait.ge [sflag:s4], $0x0  }
0x19: {  	s7 =	sld [smem:$0x3F96]  }
0x1a: {  	s8 =	sadd.s32 $0xFFFFE003, lr  }
0x1b: {  	s9 =	sadd.s32 $0xFFFFFEF7, lr;
	s5 =	simm.s32 $0xFFFFFFFF;
	p2 =	slt.u32 s8, $0xFFFFF086  }
0x1c: {  	p1 =	slt.u32 s9, $0xF7A;
	s5 =	simm.s32 @!p2 $0x0  }
0x1d: {  	s5 =	simm.s32 @p1 $0x1;
	p0 =	seq.s32 s7, s2  }
0x1e: {  	s7 =	smul.u32 @!p0 $0xF7A, s2;
	p2 =	seq.s32 @!p0 s5, $0x0  }
0x1f: {  	s9 =	smul.u32 $0xF7A, s1;
	s8 =	simm.s32 @!p0 $0x1BF5;
	p2 =	por !p2, p0  }
0x20: {  	[sflag:s8] =	ssyncset.s32 @!p0 $0xFFFFF086;
	s6 =	sadd.s32 @!p0 s3, s7;
	s7 =	simm.s32 @!p0 $0x108  }
0x21: {  	s3 =	sadd.s32 s3, s9;
	s6 =	sadd.s32 @!p0 $0x88, s6;
	s7 =	simm.s32 @p2 $0x1082  }
0x22: {  	[simem:s7], [sflag:s8] =	dma.local @!p0 [hbm:s6], $0xF7A  }
0x23: {  	s9 =	sor.u32 $0xD0000000, s2;
	s6 =	simm.s32 $0x108;
	_ =	swait.ge @!p0 [sflag:s8], $0x0  }
0x24: {  	s3 =	sadd.s32 $0x88, s3;
	s6 =	simm.s32 @!p1 $0x1082;
	[sflag:s4] =	ssyncset.s32 $0xFFFFF086  }
0x25: {  	[simem:s6], [sflag:s4] =	dma.local [hbm:s3], $0xF7A  }
0x26: {  	[smem:$0x3F96] =	sst s1;
	(tag) =	ssettag s2;
	_ =	strace s9  }
0x27: {  	s1 =	sld [smem:$0x3FA6]  }
0x28: {  	s2 =	sld [smem:$0x3FA7]  }
0x29: {  	s4 =	sld [smem:$0x3FA9]  }
0x2a: {  	p0 =	seq.s32 s5, $0x0;
	s5 =	sld [smem:$0x3FAA]  }
0x2b: {  	s6 =	sld [smem:$0x3FAB]  }
0x2c: {  	s7 =	sld [smem:$0x3FAC]  }
0x2d: {  	s3 =	simm.s32 $0x108;
	s8 =	sld [smem:$0x3FAD]  }
0x2e: {  	s3 =	simm.s32 @!p0 $0x1082;
	s9 =	sld [smem:$0x3FAE]  }
0x2f: {  	lr =	sadd.s32 s0, s3;
	s0 =	sld [smem:$0x3FA5]  }
0x30: {  	s3 =	sld [smem:$0x3FA8]  }
0x31: {  	[smem:$0x3FB1] =	sst s10  }
0x32: {  	s10 =	sld [smem:$0x3FAF];
	_ =	sdelay $0x3  }
0x33: {  	p0 =	seq.s32 s10, $0x1;
	s10 =	sld [smem:$0x3FB1];
	_ =	sdelay $0x3  }
0x34: {  	[smem:$0x3FB1] =	sst s10  }
0x35: {  	s10 =	sld [smem:$0x3FB0];
	_ =	sdelay $0x3  }
0x36: {  	p1 =	seq.s32 s10, $0x1;
	s10 =	sld [smem:$0x3FB1];
	_ =	sdelay $0x3  }
0x37: {  	[smem:$0x3FB1] =	sst s10  }
0x38: {  	s10 =	sld [smem:$0x3FB2]  }
0x39: {  	_ = 	snop;
	(pc) =	sbr.ind lr, $3  }
0x3a: {  	_ = 	snop  }
0x3b: {  	_ = 	snop  }
0x3c: {  	p2 =	seq.s32 s10, $0x1;
	s10 =	sld [smem:$0x3FB1]  }
0x3d: {  	_ =	shalt  }
0x3e: {  	_ =	shalt  }
0x3f: {  	_ =	shalt  }
0x40: {  	_ =	shalt  }
0x41: {  	_ =	shalt  }
0x42: {  	_ =	shalt  }
0x43: {  	_ =	shalt  }
0x44: {  	_ =	shalt  }
0x45: {  	_ =	shalt  }
0x46: {  	_ =	shalt  }
0x47: {  	_ =	shalt  }
0x48: {  	_ =	shalt  }
0x49: {  	_ =	shalt  }
0x4a: {  	_ =	shalt  }
0x4b: {  	_ =	shalt  }
0x4c: {  	_ =	shalt  }
0x4d: {  	_ =	shalt  }
0x4e: {  	_ =	shalt  }
0x4f: {  	_ =	shalt  }
0x50: {  	_ =	shalt  }
0x51: {  	_ =	shalt  }
0x52: {  	_ =	shalt  }
0x53: {  	_ =	shalt  }
0x54: {  	_ =	shalt  }
0x55: {  	_ =	shalt  }
0x56: {  	_ =	shalt  }
0x57: {  	_ =	shalt  }
0x58: {  	_ =	shalt  }
0x59: {  	_ =	shalt  }
0x5a: {  	_ =	shalt  }
0x5b: {  	_ =	shalt  }
0x5c: {  	_ =	shalt  }
0x5d: {  	_ =	shalt  }
0x5e: {  	_ =	shalt  }
0x5f: {  	_ =	shalt  }
0x60: {  	_ =	shalt  }
0x61: {  	_ =	shalt  }
0x62: {  	_ =	shalt  }
0x63: {  	_ =	shalt  }
0x64: {  	_ =	shalt  }
0x65: {  	_ =	shalt  }
0x66: {  	_ =	shalt  }
0x67: {  	_ =	shalt  }
0x68: {  	_ =	shalt  }
0x69: {  	_ =	shalt  }
0x6a: {  	_ =	shalt  }
0x6b: {  	_ =	shalt  }
0x6c: {  	_ =	shalt  }
0x6d: {  	_ =	shalt  }
0x6e: {  	_ =	shalt  }
0x6f: {  	_ =	shalt  }
0x70: {  	_ =	shalt  }
0x71: {  	_ =	shalt  }
0x72: {  	_ =	shalt  }
0x73: {  	_ =	shalt  }
0x74: {  	_ =	shalt  }
0x75: {  	_ =	shalt  }
0x76: {  	_ =	shalt  }
0x77: {  	_ =	shalt  }
0x78: {  	_ =	shalt  }
0x79: {  	_ =	shalt  }
0x7a: {  	_ =	shalt  }
0x7b: {  	_ =	shalt  }
0x7c: {  	_ =	shalt  }
0x7d: {  	_ =	shalt  }
0x7e: {  	_ =	shalt  }
0x7f: {  	_ =	shalt  }
0x80: {  	_ =	shalt  }
0x81: {  	_ =	shalt  }
0x82: {  	_ =	shalt  }
0x83: {  	_ =	shalt  }
0x84: {  	_ =	shalt  }
0x85: {  	_ =	shalt  }
0x86: {  	_ =	shalt  }
0x87: {  	_ =	shalt  }
.Lfunc_end0:
.L_simem_size_0:
called_computation.1_lowered:
.L_overlay_start_0:
0x88: {  	s2 =	sld [smem:$0x3FD9]  }
0x89: {  	s3 =	sld [smem:$0x3FFE];
	_ =	sdelay $0x1  }
0x8a: {  	s1 =	srdreg.scid  }
0x8b: {  	s0 =	sand.u32 $0x1, s1  }
0x8c: {  	s14 =	sshll.u32 s0, $0xA;
	s2 =	sadd.s32 s3, s2  }
0x8d: {  	s2 =	sadd.s32 s2, s14  }
0x8e: {  	[smem:$0x3FBD] =	sst s2  }
0x8f: {  	_ = 	snop  }
0x90: {  	s2 =	sld [smem:$0x3FD0];
	_ =	sdelay $0x2  }
0x91: {  	s15 =	simm.s32 $0xA;
	s4 =	simm.s32 $0x10  }
0x92: {  	[smem:s4], [sflag:s15] =	dma.local [hbm:s2], $0x1  }
0x93: {  	_ =	swait.eq [sflag:s15], $0x1  }
0x94: {  	[sflag:s15] =	ssyncset.done $0x0  }
0x95: {  	[sflag:s15] =	ssyncadd.s32 $0xFFFFFFFF  }
0x96: {  	s16 =	sld [smem:$0x11];
	(tm) =	ssettm $0x1  }
0x97: {  	s17 =	sld [smem:$0x3FFB];
	_ =	sdelay $0x3  }
0x98: {  	_ =	strace s17  }
0x99: {  	s3 =	sld [smem:$0x3FFC];
	_ =	sdelay $0x3  }
0x9a: {  	_ =	strace s3  }
0x9b: {  	s3 =	sld [smem:$0x3FFD];
	_ =	sdelay $0x3  }
0x9c: {  	_ =	strace s3  }
0x9d: {  	_ =	strace $0x8FFFFFFF  }
0x9e: {  	s18 =	sld [smem:$0x3FDB];
	_ =	sdelay $0x1  }
0x9f: {  	s19 =	simm.s32 $_scs_section_size  }
0xa0: {  	s5 =	simm.s32 $_size__tile_overlayer_lowered;
	s6 =	simm.s32 $_tile_overlayer_lowered  }
0xa1: {  	s22 =	simm.s32 $0x1BFF;
	s21 =	sshll.u32 s6, $0x1;
	s3 =	sadd.s32 s19, s18  }
0xa2: {  	s7 =	simm.s32 $0x0;
	s20 =	sshll.u32 s5, $0x1;
	s5 =	sadd.s32 s21, s3  }
0xa3: {  	[timem:s7], [sflag:s22] =	dma.local [hbm:s5], s20  }
0xa4: {  	_ =	swait.ge [sflag:s22], s20  }
0xa5: {  	s4 =	ssub.s32 $0x0, s20;
	[sflag:s22] =	ssyncset.done $0x0  }
0xa6: {  	[sflag:s22] =	ssyncadd.s32 s4;
	_ =	sdelay $0x1  }
0xa7: {  	s23 =	simm.s32 $0x1B8B  }
0xa8: {  	_ =	swait.ge [sflag:s23], $0x1  }
0xa9: {  	[sflag:s23] =	ssyncset.done $0x0  }
0xaa: {  	s25 =	simm.s32 $0x1B8E;
	s24 =	sld [smem:$0x3FFE];
	[sflag:s23] =	ssyncadd.s32 $0xFFFFFFFF  }
0xab: {  	s26 =	simm.s32 $execute0_lowered;
	[smem:$0x3FD2] =	sst s25  }
0xac: {  	s5 =	sshll.u32 s26, $0x1;
	_ =	strace $0x80000049;
	[dreg:$0x1] =	wrdreg $0xFFFFFFFF  }
0xad: {  	s28 =	simm.s32 $_size_execute0_lowered;
	s3 =	sadd.s32 s3, s5;
	[dreg:$0x0] =	wrdreg $0x0  }
0xae: {  	s5 =	sshll.u32 s28, $0x1;
	[dreg:$0x2] =	wrdreg s3  }
0xaf: {  	[dreg:$0x3] =	wrdreg s5  }
0xb0: {  	[dreg:$0x4] =	wrdreg $0xC0  }
0xb1: {  	_ =	task [dreg:s7], $0x5FFFF  }
0xb2: {  	[dreg:$0x1] =	wrdreg $0xFFFFFFFF  }
0xb3: {  	[dreg:$0x0] =	wrdreg $0x60  }
0xb4: {  	[dreg:$0x2] =	wrdreg s24  }
0xb5: {  	[dreg:$0x3] =	wrdreg s16  }
0xb6: {  	[dreg:$0x4] =	wrdreg $0x9  }
0xb7: {  	_ =	task.clear_ibuf [dreg:s7], $0x5FFFF;
	_ =	strace $0x90000049  }
0xb8: {  	s29 =	simm.s32 $0x9;
	_ =	strace $0x8000004B  }
0xb9: {  	_ =	swait.ge [sflag:s29], $0x1  }
0xba: {  	[sflag:s29] =	ssyncadd.s32 $0xFFFFFFFF  }
0xbb: {  	_ =	strace $0x9000004B  }
0xbc: {  	_ =	sfence  }
0xbd: {  	s30 =	sld [smem:$0x0];
	_ =	sdelay $0x2  }
0xbe: {  	s31 =	sshll.u32 s1, $0xD;
	s1 =	sshrl.u32 s1, $0x2  }
0xbf: {  	s3 =	sand.u32 $0x4000, s31;
	s1 =	sadd.s32 s1, s30  }
0xc0: {  	s0 =	sor.u32 s3, s0;
	s1 =	sshll.u32 s1, $0x11  }
0xc1: {  	s0 =	sor.u32 s1, s0  }
0xc2: {  	s0 =	sadd.s32 $0x8F2B, s0  }
0xc3: {  	[sflag:s0] =	ssyncadd.remote.s32 $0x1  }
0xc4: {  	_ =	sfence.sel $0xFFFF  }
0xc5: {  	[dreg:$0x0] =	wrdreg $0xFFFFFFFF;
	(pc) =	sbr.abs _section_cstart, $3  }
0xc6: {  	[dreg:$0x1] =	wrdreg $0xFFFFFFFF  }
0xc7: {  	_ =	task.clear_ibuf [dreg:s7], $0x2FFFF;
	_ =	strace $0x9FFFFFFF  }
0xc8: {  	(tm) =	ssettm $0x7FFFFFFF  }
0xc9: {  	_ =	shalt  }
tec
execute0_lowered:
.L_overlay_start_1:
0x0: {  	(tag) =	ssettag $0x1  }
0x1: {  	s0 =	rddreg [dreg:$0x0]  }
0x2: {  	s2 =	rddreg [dreg:$0x1];
	s1 =	simm.s32 $0x0;
	s21 =	srdreg.scid  }
0x3: {  	s10 =	stileid.u32;
	s13 =	simm.s32 $0x4008;
	s28 =	simm.s32 $0x1000  }
0x4: {  	s29 =	simm.s32 $0x4088;
	s30 =	simm.s32 $0x4188;
	s31 =	simm.s32 $0x20  }
0x5: {  	s15 =	simm.s32 $0x3000;
	s16 =	simm.s32 $0x3800;
	[smem:$0x7FF] =	sst s1  }
0x6: {  	s14 =	simm.s32 $0x80;
	s3 =	sadd.s32 $0x204A00, s0;
	s4 =	sadd.s32 $0x404A00, s0  }
0x7: {  	s17 =	simm.s32 $0x4;
	s5 =	sadd.s32 $0x424A00, s0;
	s6 =	sadd.s32 $0x4A4A00, s0  }
0x8: {  	s7 =	sshll.u32 s10, $0x8;
	s9 =	sadd.s32 $0x4A00, s0;
	s0 =	sadd.s32 $0x464A00, s0  }
0x9: {  	s24 =	sshll.u32 s10, $0xB;
	_ =	strace $0x8000004A;
	[dreg:$0x3] =	wrdreg s4  }
0xa: {  	s25 =	sshll.u32 s10, $0x10;
	s4 =	sand.u32 $0x1, s21;
	[dreg:$0x4] =	wrdreg s9  }
0xb: {  	[dreg:$0x6] =	wrdreg s0;
	s8 =	sshll.u32 s4, $0x7;
	s22 =	ssub.s32 $0x2, s4  }
0xc: {  	s4 =	sshll.u32 s4, $0xF;
	s7 =	sor.u32 s8, s7;
	s23 =	sshrl.u32 s22, $0x1  }
0xd: {  	s26 =	sor.u32 s4, s25;
	s25 =	simm.s32 $0x40;
	s4 =	simm.s32 $0x0  }
.Ltmp0:
0xe: {  	[dreg:$0x5] =	wrdreg s7;
	s7 =	sshrl.u32 s7, $0x3;
	(pc) =	sbr.rel .LBB2_1-.Ltmp0, $4  }
0xf: {  	s0 =	ssub.s32 s22, s23;
	[dreg:$0x9] =	wrdreg s26;
	s22 =	simm.s32 $0x1  }
0x10: {  	s23 =	simm.s32 $0x800;
	s26 =	simm.s32 $0x2;
	s2 =	sadd.s32 s2, s7  }
0x11: {  	v0 =	vlaneseq.u32;
	v2 =	vimm.s32 $0x0;
	s0 =	smax.u32 s0, $0x1;
	[dreg:$0x7] =	wrdreg s2;
	s2 =	sand.u32 $0x7000, s24  }
0x12: {  	v3 =	vimm.s32 $0xF;
	v4 =	vor.u32 $0x10, v0;
	[dreg:$0x8] =	wrdreg s0;
	s24 =	simm.s32 $0x4000;
	s0 =	simm.s32 $0x3;
	v1 =	vor.u32 s2, v0  }
.LBB2_18:
0x13: {  	s4 =	rddreg [dreg:$0xa]  }
0x14: {  	s2 =	rddreg [dreg:$0x8];
	s4 =	sadd.s32 $0x1, s4  }
0x15: {  	p0 =	sne.s32 s4, s2  }
.Ltmp1:
0x16: {  	_ = 	snop;
	(pc) =	sbr.rel @!p0 .LBB2_19-.Ltmp1, $1  }
0x17: {  	_ =	sdelay $0x3  }
.LBB2_1:
0x18: {  	[dreg:$0xa] =	wrdreg s4  }
0x19: {  	s2 =	rddreg [dreg:$0x7];
	s21 =	simm.s32 $0x5  }
0x1a: {  	[tilespmem:s13], [sflag:$0x5] =	stream.linear.gather [hbm4b:s2+s1], $0x80, $0x38;
	[tilespmem:$0x91A8] =	vst v63  }
0x1b: {  	_ =	swait.ge [sflag:s21], $0x80  }
0x1c: {  	[sflag:s21] =	ssyncset.done $0x0  }
0x1d: {  	[sflag:s21] =	ssyncadd.s32 $0xFFFFFF80  }
0x1e: {  	[tilespmem:$0x800] =	vst v2  }
0x1f: {  	[tilespmem:$0x810] =	vst v2  }
0x20: {  	[tilespmem:$0x820] =	vst v2  }
0x21: {  	[tilespmem:$0x830] =	vst v2  }
0x22: {  	[tilespmem:$0x840] =	vst v2  }
0x23: {  	[tilespmem:$0x850] =	vst v2  }
0x24: {  	[tilespmem:$0x860] =	vst v2  }
0x25: {  	[tilespmem:$0x870] =	vst v2  }
0x26: {  	[tilespmem:$0x880] =	vst v2  }
0x27: {  	[tilespmem:$0x890] =	vst v2  }
0x28: {  	[tilespmem:$0x8A0] =	vst v2  }
0x29: {  	[tilespmem:$0x8B0] =	vst v2  }
0x2a: {  	[tilespmem:$0x8C0] =	vst v2  }
0x2b: {  	[tilespmem:$0x8D0] =	vst v2  }
0x2c: {  	[tilespmem:$0x8E0] =	vst v2  }
0x2d: {  	[tilespmem:$0x8F0] =	vst v2  }
0x2e: {  	[tilespmem:$0x900] =	vst v2  }
0x2f: {  	[tilespmem:$0x910] =	vst v2  }
0x30: {  	[tilespmem:$0x920] =	vst v2  }
0x31: {  	[tilespmem:$0x930] =	vst v2  }
0x32: {  	[tilespmem:$0x940] =	vst v2  }
0x33: {  	[tilespmem:$0x950] =	vst v2  }
0x34: {  	[tilespmem:$0x960] =	vst v2  }
0x35: {  	[tilespmem:$0x970] =	vst v2  }
0x36: {  	[tilespmem:$0x980] =	vst v2  }
0x37: {  	[tilespmem:$0x990] =	vst v2  }
0x38: {  	[tilespmem:$0x9A0] =	vst v2  }
0x39: {  	[tilespmem:$0x9B0] =	vst v2  }
0x3a: {  	[tilespmem:$0x9C0] =	vst v2  }
0x3b: {  	[tilespmem:$0x9D0] =	vst v2  }
0x3c: {  	[tilespmem:$0x9E0] =	vst v2  }
0x3d: {  	[tilespmem:$0x9F0] =	vst v2  }
0x3e: {  	[tilespmem:$0xA00] =	vst v2  }
0x3f: {  	[tilespmem:$0xA10] =	vst v2  }
0x40: {  	[tilespmem:$0xA20] =	vst v2  }
0x41: {  	[tilespmem:$0xA30] =	vst v2  }
0x42: {  	[tilespmem:$0xA40] =	vst v2  }
0x43: {  	[tilespmem:$0xA50] =	vst v2  }
0x44: {  	[tilespmem:$0xA60] =	vst v2  }
0x45: {  	[tilespmem:$0xA70] =	vst v2  }
0x46: {  	[tilespmem:$0xA80] =	vst v2  }
0x47: {  	[tilespmem:$0xA90] =	vst v2  }
0x48: {  	[tilespmem:$0xAA0] =	vst v2  }
0x49: {  	[tilespmem:$0xAB0] =	vst v2  }
0x4a: {  	[tilespmem:$0xAC0] =	vst v2  }
0x4b: {  	[tilespmem:$0xAD0] =	vst v2  }
0x4c: {  	[tilespmem:$0xAE0] =	vst v2  }
0x4d: {  	[tilespmem:$0xAF0] =	vst v2  }
0x4e: {  	[tilespmem:$0xB00] =	vst v2  }
0x4f: {  	[tilespmem:$0xB10] =	vst v2  }
0x50: {  	[tilespmem:$0xB20] =	vst v2  }
0x51: {  	[tilespmem:$0xB30] =	vst v2  }
0x52: {  	[tilespmem:$0xB40] =	vst v2  }
0x53: {  	[tilespmem:$0xB50] =	vst v2  }
0x54: {  	[tilespmem:$0xB60] =	vst v2  }
0x55: {  	[tilespmem:$0xB70] =	vst v2  }
0x56: {  	[tilespmem:$0xB80] =	vst v2  }
0x57: {  	[tilespmem:$0xB90] =	vst v2  }
0x58: {  	[tilespmem:$0xBA0] =	vst v2  }
0x59: {  	[tilespmem:$0xBB0] =	vst v2  }
0x5a: {  	[tilespmem:$0xBC0] =	vst v2  }
0x5b: {  	[tilespmem:$0xBD0] =	vst v2  }
0x5c: {  	[tilespmem:$0xBE0] =	vst v2  }
0x5d: {  	[tilespmem:$0xBF0] =	vst v2  }
0x5e: {  	[tilespmem:$0xC00] =	vst v2  }
0x5f: {  	[tilespmem:$0xC10] =	vst v2  }
0x60: {  	[tilespmem:$0xC20] =	vst v2  }
0x61: {  	[tilespmem:$0xC30] =	vst v2  }
0x62: {  	[tilespmem:$0xC40] =	vst v2  }
0x63: {  	[tilespmem:$0xC50] =	vst v2  }
0x64: {  	[tilespmem:$0xC60] =	vst v2  }
0x65: {  	[tilespmem:$0xC70] =	vst v2  }
0x66: {  	[tilespmem:$0xC80] =	vst v2  }
0x67: {  	[tilespmem:$0xC90] =	vst v2  }
0x68: {  	[tilespmem:$0xCA0] =	vst v2  }
0x69: {  	[tilespmem:$0xCB0] =	vst v2  }
0x6a: {  	[tilespmem:$0xCC0] =	vst v2  }
0x6b: {  	[tilespmem:$0xCD0] =	vst v2  }
0x6c: {  	[tilespmem:$0xCE0] =	vst v2  }
0x6d: {  	[tilespmem:$0xCF0] =	vst v2  }
0x6e: {  	[tilespmem:$0xD00] =	vst v2  }
0x6f: {  	[tilespmem:$0xD10] =	vst v2  }
0x70: {  	[tilespmem:$0xD20] =	vst v2  }
0x71: {  	[tilespmem:$0xD30] =	vst v2  }
0x72: {  	[tilespmem:$0xD40] =	vst v2  }
0x73: {  	[tilespmem:$0xD50] =	vst v2  }
0x74: {  	[tilespmem:$0xD60] =	vst v2  }
0x75: {  	[tilespmem:$0xD70] =	vst v2  }
0x76: {  	[tilespmem:$0xD80] =	vst v2  }
0x77: {  	[tilespmem:$0xD90] =	vst v2  }
0x78: {  	[tilespmem:$0xDA0] =	vst v2  }
0x79: {  	[tilespmem:$0xDB0] =	vst v2  }
0x7a: {  	[tilespmem:$0xDC0] =	vst v2  }
0x7b: {  	[tilespmem:$0xDD0] =	vst v2  }
0x7c: {  	[tilespmem:$0xDE0] =	vst v2  }
0x7d: {  	[tilespmem:$0xDF0] =	vst v2  }
0x7e: {  	[tilespmem:$0xE00] =	vst v2  }
0x7f: {  	[tilespmem:$0xE10] =	vst v2  }
0x80: {  	[tilespmem:$0xE20] =	vst v2  }
0x81: {  	[tilespmem:$0xE30] =	vst v2  }
0x82: {  	[tilespmem:$0xE40] =	vst v2  }
0x83: {  	[tilespmem:$0xE50] =	vst v2  }
0x84: {  	[tilespmem:$0xE60] =	vst v2  }
0x85: {  	[tilespmem:$0xE70] =	vst v2  }
0x86: {  	[tilespmem:$0xE80] =	vst v2  }
0x87: {  	[tilespmem:$0xE90] =	vst v2  }
0x88: {  	[tilespmem:$0xEA0] =	vst v2  }
0x89: {  	[tilespmem:$0xEB0] =	vst v2  }
0x8a: {  	[tilespmem:$0xEC0] =	vst v2  }
0x8b: {  	[tilespmem:$0xED0] =	vst v2  }
0x8c: {  	[tilespmem:$0xEE0] =	vst v2  }
0x8d: {  	[tilespmem:$0xEF0] =	vst v2  }
0x8e: {  	[tilespmem:$0xF00] =	vst v2  }
0x8f: {  	[tilespmem:$0xF10] =	vst v2  }
0x90: {  	[tilespmem:$0xF20] =	vst v2  }
0x91: {  	[tilespmem:$0xF30] =	vst v2  }
0x92: {  	[tilespmem:$0xF40] =	vst v2  }
0x93: {  	[tilespmem:$0xF50] =	vst v2  }
0x94: {  	[tilespmem:$0xF60] =	vst v2  }
0x95: {  	[tilespmem:$0xF70] =	vst v2  }
0x96: {  	[tilespmem:$0xF80] =	vst v2  }
0x97: {  	[tilespmem:$0xF90] =	vst v2  }
0x98: {  	[tilespmem:$0xFA0] =	vst v2  }
.Ltmp2:
0x99: {  	[tilespmem:$0xFB0] =	vst v2;
	(pc) =	sbr.rel .LBB2_2-.Ltmp2, $4  }
0x9a: {  	[tilespmem:$0xFC0] =	vst v2  }
0x9b: {  	[tilespmem:$0xFD0] =	vst v2  }
0x9c: {  	[tilespmem:$0xFE0] =	vst v2  }
0x9d: {  	s19 =	simm.s32 $0x0;
	s18 =	rddreg [dreg:$0x9];
	[tilespmem:$0xFF0] =	vst v2  }
.LBB2_17:
0x9e: {  	_ =	swait.ge [sflag:s0], $0x800  }
0x9f: {  	[sflag:s0] =	ssyncset.done $0x0  }
0xa0: {  	[sflag:s0] =	ssyncadd.s32 $0xFFFFF800  }
0xa1: {  	_ =	swait.ge [sflag:s0], $0x200  }
0xa2: {  	[sflag:s0] =	ssyncset.done $0x0  }
0xa3: {  	[sflag:s0] =	ssyncadd.s32 $0xFFFFFE00  }
0xa4: {  	_ =	swait.ge [sflag:s0], $0x800  }
0xa5: {  	[sflag:s0] =	ssyncset.done $0x0  }
0xa6: {  	[sflag:s0] =	ssyncadd.s32 $0xFFFFF800  }
0xa7: {  	_ =	swait.ge [sflag:s0], $0x200  }
0xa8: {  	[sflag:s0] =	ssyncset.done $0x0  }
0xa9: {  	[sflag:s0] =	ssyncadd.s32 $0xFFFFFE00  }
0xaa: {  	_ =	swait.ge [sflag:s0], $0x800  }
0xab: {  	[sflag:s0] =	ssyncset.done $0x0  }
0xac: {  	[sflag:s0] =	ssyncadd.s32 $0xFFFFF800  }
0xad: {  	_ =	swait.ge [sflag:s0], $0x200  }
0xae: {  	[sflag:s0] =	ssyncset.done $0x0  }
0xaf: {  	[sflag:s0] =	ssyncadd.s32 $0xFFFFFE00  }
0xb0: {  	_ =	swait.ge [sflag:s0], $0x800  }
0xb1: {  	[sflag:s0] =	ssyncset.done $0x0  }
0xb2: {  	[sflag:s0] =	ssyncadd.s32 $0xFFFFF800  }
0xb3: {  	_ =	swait.ge [sflag:s0], $0x200  }
0xb4: {  	[sflag:s0] =	ssyncset.done $0x0  }
0xb5: {  	[sflag:s0] =	ssyncadd.s32 $0xFFFFFE00  }
0xb6: {  	_ =	swait.ge [sflag:s0], $0x800  }
0xb7: {  	[sflag:s0] =	ssyncset.done $0x0  }
0xb8: {  	[sflag:s0] =	ssyncadd.s32 $0xFFFFF800  }
0xb9: {  	_ =	swait.ge [sflag:s0], $0x200  }
0xba: {  	[sflag:s0] =	ssyncset.done $0x0  }
0xbb: {  	[sflag:s0] =	ssyncadd.s32 $0xFFFFFE00  }
0xbc: {  	_ =	swait.ge [sflag:s0], $0x800  }
0xbd: {  	[sflag:s0] =	ssyncset.done $0x0  }
0xbe: {  	[sflag:s0] =	ssyncadd.s32 $0xFFFFF800  }
0xbf: {  	_ =	swait.ge [sflag:s0], $0x200  }
0xc0: {  	[sflag:s0] =	ssyncset.done $0x0  }
0xc1: {  	[sflag:s0] =	ssyncadd.s32 $0xFFFFFE00  }
0xc2: {  	_ =	swait.ge [sflag:s0], $0x800  }
0xc3: {  	[sflag:s0] =	ssyncset.done $0x0  }
0xc4: {  	[sflag:s0] =	ssyncadd.s32 $0xFFFFF800  }
0xc5: {  	_ =	swait.ge [sflag:s0], $0x200  }
0xc6: {  	[sflag:s0] =	ssyncset.done $0x0  }
0xc7: {  	[sflag:s0] =	ssyncadd.s32 $0xFFFFFE00  }
0xc8: {  	_ =	swait.ge [sflag:s0], $0x800  }
0xc9: {  	[sflag:s0] =	ssyncset.done $0x0  }
0xca: {  	s2 =	sshll.u32 s20, $0x8;
	[sflag:s0] =	ssyncadd.s32 $0xFFFFF800  }
0xcb: {  	s4 =	simm.s32 $0x41A8;
	s11 =	sshll.u32 s20, $0x6;
	_ =	swait.ge [sflag:s0], $0x200  }
0xcc: {  	s21 =	sor.u32 $0x1, s20;
	[sflag:s0] =	ssyncset.done $0x0;
	s7 =	rddreg [dreg:$0x4]  }
0xcd: {  	s8 =	rddreg [dreg:$0x6];
	[sflag:s0] =	ssyncadd.s32 $0xFFFFFE00;
	s2 =	sadd.s32 s7, s2  }
0xce: {  	[hbm4b:s2+s1] =	stream.linear.scatter [tilespmem:s4], [sflag:$0x1], $0x800, $0x38;
	[tilespmem:$0x91A8] =	vst v63  }
0xcf: {  	s12 =	simm.s32 $0x81A8;
	s9 =	sshll.u32 s21, $0x8;
	s2 =	sadd.s32 s8, s11  }
0xd0: {  	[hbm4b:s2+s1] =	stream.linear.scatter [tilespmem:s12], [sflag:$0x1], $0x200, $0x38;
	[tilespmem:$0x91A8] =	vst v63  }
0xd1: {  	s4 =	sadd.s32 s7, s9;
	s9 =	simm.s32 $0x49A8;
	s2 =	sshll.u32 s21, $0x6  }
0xd2: {  	[hbm4b:s4+s1] =	stream.linear.scatter [tilespmem:s9], [sflag:$0x1], $0x800, $0x38;
	[tilespmem:$0x91A8] =	vst v63  }
0xd3: {  	s10 =	simm.s32 $0x83A8;
	s11 =	sor.u32 $0x2, s20;
	s2 =	sadd.s32 s8, s2  }
0xd4: {  	[hbm4b:s2+s1] =	stream.linear.scatter [tilespmem:s10], [sflag:$0x1], $0x200, $0x38;
	[tilespmem:$0x91A8] =	vst v63  }
0xd5: {  	s12 =	sshll.u32 s11, $0x8;
	s2 =	sshll.u32 s11, $0x6;
	s11 =	sor.u32 $0x3, s20  }
0xd6: {  	s21 =	simm.s32 $0x51A8;
	s4 =	sadd.s32 s7, s12;
	s12 =	sshll.u32 s11, $0x8  }
0xd7: {  	[hbm4b:s4+s1] =	stream.linear.scatter [tilespmem:s21], [sflag:$0x1], $0x800, $0x38;
	[tilespmem:$0x91A8] =	vst v63  }
0xd8: {  	s10 =	simm.s32 $0x85A8;
	s2 =	sadd.s32 s8, s2;
	s4 =	sadd.s32 s7, s12  }
0xd9: {  	[hbm4b:s2+s1] =	stream.linear.scatter [tilespmem:s10], [sflag:$0x1], $0x200, $0x38;
	[tilespmem:$0x91A8] =	vst v63  }
0xda: {  	s21 =	simm.s32 $0x59A8;
	s2 =	sshll.u32 s11, $0x6;
	s11 =	sor.u32 $0x4, s20  }
0xdb: {  	[hbm4b:s4+s1] =	stream.linear.scatter [tilespmem:s21], [sflag:$0x1], $0x800, $0x38;
	[tilespmem:$0x91A8] =	vst v63  }
0xdc: {  	s10 =	simm.s32 $0x87A8;
	s2 =	sadd.s32 s8, s2;
	s12 =	sshll.u32 s11, $0x8  }
0xdd: {  	[hbm4b:s2+s1] =	stream.linear.scatter [tilespmem:s10], [sflag:$0x1], $0x200, $0x38;
	[tilespmem:$0x91A8] =	vst v63  }
0xde: {  	s4 =	sadd.s32 s7, s12;
	s21 =	simm.s32 $0x61A8;
	s2 =	sshll.u32 s11, $0x6  }
0xdf: {  	[hbm4b:s4+s1] =	stream.linear.scatter [tilespmem:s21], [sflag:$0x1], $0x800, $0x38;
	[tilespmem:$0x91A8] =	vst v63  }
0xe0: {  	s10 =	simm.s32 $0x89A8;
	s11 =	sor.u32 $0x5, s20;
	s2 =	sadd.s32 s8, s2  }
0xe1: {  	[hbm4b:s2+s1] =	stream.linear.scatter [tilespmem:s10], [sflag:$0x1], $0x200, $0x38;
	[tilespmem:$0x91A8] =	vst v63  }
0xe2: {  	s12 =	sshll.u32 s11, $0x8;
	s2 =	sshll.u32 s11, $0x6;
	s11 =	sor.u32 $0x6, s20  }
0xe3: {  	s4 =	sadd.s32 s7, s12;
	s21 =	simm.s32 $0x69A8;
	s12 =	sshll.u32 s11, $0x8  }
0xe4: {  	[hbm4b:s4+s1] =	stream.linear.scatter [tilespmem:s21], [sflag:$0x1], $0x800, $0x38;
	[tilespmem:$0x91A8] =	vst v63  }
0xe5: {  	s10 =	simm.s32 $0x8BA8;
	s2 =	sadd.s32 s8, s2;
	s4 =	sadd.s32 s7, s12  }
0xe6: {  	[hbm4b:s2+s1] =	stream.linear.scatter [tilespmem:s10], [sflag:$0x1], $0x200, $0x38;
	[tilespmem:$0x91A8] =	vst v63  }
0xe7: {  	s21 =	simm.s32 $0x71A8;
	s2 =	sshll.u32 s11, $0x6;
	s11 =	sor.u32 $0x7, s20  }
0xe8: {  	[hbm4b:s4+s1] =	stream.linear.scatter [tilespmem:s21], [sflag:$0x1], $0x800, $0x38;
	[tilespmem:$0x91A8] =	vst v63  }
0xe9: {  	s10 =	simm.s32 $0x8DA8;
	s2 =	sadd.s32 s8, s2;
	s12 =	sshll.u32 s11, $0x8  }
0xea: {  	[hbm4b:s2+s1] =	stream.linear.scatter [tilespmem:s10], [sflag:$0x1], $0x200, $0x38;
	[tilespmem:$0x91A8] =	vst v63  }
0xeb: {  	s20 =	simm.s32 $0x79A8;
	s4 =	sadd.s32 s7, s12;
	s2 =	sshll.u32 s11, $0x6  }
0xec: {  	[hbm4b:s4+s1] =	stream.linear.scatter [tilespmem:s20], [sflag:$0x1], $0x800, $0x38;
	[tilespmem:$0x91A8] =	vst v63  }
0xed: {  	s21 =	simm.s32 $0x8FA8;
	s2 =	sadd.s32 s8, s2  }
0xee: {  	[hbm4b:s2+s1] =	stream.linear.scatter [tilespmem:s21], [sflag:$0x1], $0x200, $0x38;
	[tilespmem:$0x91A8] =	vst v63  }
0xef: {  	_ =	swait.ge [sflag:s22], $0x800  }
0xf0: {  	[sflag:s22] =	ssyncset.done $0x0  }
0xf1: {  	[sflag:s22] =	ssyncadd.s32 $0xFFFFF800  }
0xf2: {  	_ =	swait.ge [sflag:s22], $0x200  }
0xf3: {  	[sflag:s22] =	ssyncset.done $0x0  }
0xf4: {  	[sflag:s22] =	ssyncadd.s32 $0xFFFFFE00  }
0xf5: {  	_ =	swait.ge [sflag:s22], $0x800  }
0xf6: {  	[sflag:s22] =	ssyncset.done $0x0  }
0xf7: {  	[sflag:s22] =	ssyncadd.s32 $0xFFFFF800  }
0xf8: {  	_ =	swait.ge [sflag:s22], $0x200  }
0xf9: {  	[sflag:s22] =	ssyncset.done $0x0  }
0xfa: {  	[sflag:s22] =	ssyncadd.s32 $0xFFFFFE00  }
0xfb: {  	_ =	swait.ge [sflag:s22], $0x800  }
0xfc: {  	[sflag:s22] =	ssyncset.done $0x0  }
0xfd: {  	[sflag:s22] =	ssyncadd.s32 $0xFFFFF800  }
0xfe: {  	_ =	swait.ge [sflag:s22], $0x200  }
0xff: {  	[sflag:s22] =	ssyncset.done $0x0  }
0x100: {  	[sflag:s22] =	ssyncadd.s32 $0xFFFFFE00  }
0x101: {  	_ =	swait.ge [sflag:s22], $0x800  }
0x102: {  	[sflag:s22] =	ssyncset.done $0x0  }
0x103: {  	[sflag:s22] =	ssyncadd.s32 $0xFFFFF800  }
0x104: {  	_ =	swait.ge [sflag:s22], $0x200  }
0x105: {  	[sflag:s22] =	ssyncset.done $0x0  }
0x106: {  	[sflag:s22] =	ssyncadd.s32 $0xFFFFFE00  }
0x107: {  	_ =	swait.ge [sflag:s22], $0x800  }
0x108: {  	[sflag:s22] =	ssyncset.done $0x0  }
0x109: {  	[sflag:s22] =	ssyncadd.s32 $0xFFFFF800  }
0x10a: {  	_ =	swait.ge [sflag:s22], $0x200  }
0x10b: {  	[sflag:s22] =	ssyncset.done $0x0  }
0x10c: {  	[sflag:s22] =	ssyncadd.s32 $0xFFFFFE00  }
0x10d: {  	_ =	swait.ge [sflag:s22], $0x800  }
0x10e: {  	[sflag:s22] =	ssyncset.done $0x0  }
0x10f: {  	[sflag:s22] =	ssyncadd.s32 $0xFFFFF800  }
0x110: {  	_ =	swait.ge [sflag:s22], $0x200  }
0x111: {  	[sflag:s22] =	ssyncset.done $0x0  }
0x112: {  	[sflag:s22] =	ssyncadd.s32 $0xFFFFFE00  }
0x113: {  	_ =	swait.ge [sflag:s22], $0x800  }
0x114: {  	[sflag:s22] =	ssyncset.done $0x0  }
0x115: {  	[sflag:s22] =	ssyncadd.s32 $0xFFFFF800  }
0x116: {  	_ =	swait.ge [sflag:s22], $0x200  }
0x117: {  	[sflag:s22] =	ssyncset.done $0x0  }
0x118: {  	s19 =	sadd.s32 $0x1, s19;
	[sflag:s22] =	ssyncadd.s32 $0xFFFFFE00  }
0x119: {  	p0 =	sne.s32 s19, $0x10;
	_ =	swait.ge [sflag:s22], $0x800  }
.Ltmp3:
0x11a: {  	[sflag:s22] =	ssyncset.done $0x0;
	(pc) =	sbr.rel @!p0 .LBB2_18-.Ltmp3, $4  }
0x11b: {  	[sflag:s22] =	ssyncadd.s32 $0xFFFFF800  }
0x11c: {  	_ =	swait.ge [sflag:s22], $0x200  }
0x11d: {  	[sflag:s22] =	ssyncset.done $0x0  }
0x11e: {  	s18 =	sadd.s32 $0x800, s18;
	[sflag:s22] =	ssyncadd.s32 $0xFFFFFE00  }
.LBB2_2:
0x11f: {  	s21 =	sshll.u32 s19, $0x3;
	s2 =	rddreg [dreg:$0x5]  }
0x120: {  	s20 =	sor.u32 s2, s21  }
0x121: {  	s4 =	rddreg [dreg:$0x3];
	s2 =	sshll.u32 s20, $0x5  }
0x122: {  	s4 =	sadd.s32 s4, s2;
	s2 =	simm.s32 $0x0  }
0x123: {  	[tilespmem:s2], [sflag:$0x1] =	stream.linear.gather [hbm4b:s4+s2], $0x100, $0x38;
	[tilespmem:$0x91A8] =	vst v63  }
0x124: {  	s8 =	simm.s32 $0x100;
	s7 =	sadd.s32 $0x20, s4  }
0x125: {  	[tilespmem:s8], [sflag:$0x1] =	stream.linear.gather [hbm4b:s7+s2], $0x100, $0x38;
	[tilespmem:$0x91A8] =	vst v63  }
0x126: {  	s12 =	simm.s32 $0x200;
	s11 =	sadd.s32 $0x40, s4  }
0x127: {  	[tilespmem:s12], [sflag:$0x1] =	stream.linear.gather [hbm4b:s11+s2], $0x100, $0x38;
	[tilespmem:$0x91A8] =	vst v63  }
0x128: {  	s10 =	simm.s32 $0x300;
	s9 =	sadd.s32 $0x60, s4  }
0x129: {  	[tilespmem:s10], [sflag:$0x1] =	stream.linear.gather [hbm4b:s9+s2], $0x100, $0x38;
	[tilespmem:$0x91A8] =	vst v63  }
0x12a: {  	s11 =	sadd.s32 $0x80, s4;
	s12 =	simm.s32 $0x400  }
0x12b: {  	[tilespmem:s12], [sflag:$0x1] =	stream.linear.gather [hbm4b:s11+s2], $0x100, $0x38;
	[tilespmem:$0x91A8] =	vst v63  }
0x12c: {  	s8 =	sadd.s32 $0xA0, s4;
	s9 =	simm.s32 $0x500  }
0x12d: {  	[tilespmem:s9], [sflag:$0x1] =	stream.linear.gather [hbm4b:s8+s2], $0x100, $0x38;
	[tilespmem:$0x91A8] =	vst v63  }
0x12e: {  	s10 =	sadd.s32 $0xC0, s4;
	s11 =	simm.s32 $0x600  }
0x12f: {  	[tilespmem:s11], [sflag:$0x1] =	stream.linear.gather [hbm4b:s10+s2], $0x100, $0x38;
	[tilespmem:$0x91A8] =	vst v63  }
0x130: {  	s4 =	sadd.s32 $0xE0, s4;
	s12 =	simm.s32 $0x700  }
0x131: {  	[tilespmem:s12], [sflag:$0x1] =	stream.linear.gather [hbm4b:s4+s2], $0x100, $0x38;
	[tilespmem:$0x91A8] =	vst v63  }
0x132: {  	_ =	swait.ge [sflag:s22], $0x100  }
0x133: {  	[sflag:s22] =	ssyncset.done $0x0  }
0x134: {  	[sflag:s22] =	ssyncadd.s32 $0xFFFFFF00  }
0x135: {  	_ =	swait.ge [sflag:s22], $0x100  }
0x136: {  	[sflag:s22] =	ssyncset.done $0x0  }
0x137: {  	[sflag:s22] =	ssyncadd.s32 $0xFFFFFF00  }
0x138: {  	_ =	swait.ge [sflag:s22], $0x100  }
0x139: {  	[sflag:s22] =	ssyncset.done $0x0  }
0x13a: {  	[sflag:s22] =	ssyncadd.s32 $0xFFFFFF00  }
0x13b: {  	_ =	swait.ge [sflag:s22], $0x100  }
0x13c: {  	[sflag:s22] =	ssyncset.done $0x0  }
0x13d: {  	[sflag:s22] =	ssyncadd.s32 $0xFFFFFF00  }
0x13e: {  	_ =	swait.ge [sflag:s22], $0x100  }
0x13f: {  	[sflag:s22] =	ssyncset.done $0x0  }
0x140: {  	[sflag:s22] =	ssyncadd.s32 $0xFFFFFF00  }
0x141: {  	_ =	swait.ge [sflag:s22], $0x100  }
0x142: {  	[sflag:s22] =	ssyncset.done $0x0  }
0x143: {  	[sflag:s22] =	ssyncadd.s32 $0xFFFFFF00  }
0x144: {  	_ =	swait.ge [sflag:s22], $0x100  }
0x145: {  	[sflag:s22] =	ssyncset.done $0x0  }
0x146: {  	[sflag:s22] =	ssyncadd.s32 $0xFFFFFF00  }
0x147: {  	_ =	swait.ge [sflag:s22], $0x100  }
0x148: {  	[sflag:s22] =	ssyncset.done $0x0  }
0x149: {  	s10 =	smov.u32 s18;
	s11 =	simm.s32 $0x0;
	[sflag:s22] =	ssyncadd.s32 $0xFFFFFF00  }
.LBB2_3:
0x14a: {  	s4 =	sor.u32 s21, s11;
	s12 =	sshll.u32 s11, $0x8  }
0x14b: {  	v5 =	vmov s4;
	s9 =	sor.u32 s12, s2  }
0x14c: {  	v6 =	vor.u32 s9, v0;
	_ =	sdelay $0x3  }
0x14d: {  	v5 =	vld.idx.msk [tilespmem:v5+s13+$0x0], $0xffff  }
0x14e: {  	v6 =	vld.idx.msk [tilespmem:v6+s1+$0x0], $0xffff;
	_ =	sdelay $0x4  }
0x14f: {  	vm0 =	vle.s32 v6, v5  }
0x150: {  	v6 =	vsel vm0, $0x1, v2  }
0x151: {  	(xrf0) =	vadd.scan.msk.s32 $0xffff, v6;
	_ =	sdelay $0x1  }
0x152: {  	v6 =	vmov s12  }
0x153: {  	v6 =	vadd.s32 $0xFFFFFFFF, v6  }
0x154: {  	v6 =	vbroadcast v6, $0x0  }
0x155: {  	v8 =	vimm.s32 $0x0  }
0x156: {  	s4 =	simm.s32 $0x10;
	v9 =	vadd.s32 v8, v6;
	v10, _, _ =	vpop (xrf0)  }
0x157: {  	v7 =	vmov s11;
	s8 =	simm.s32 $0x20;
	s7 =	simm.s32 $0x0;
	s9 =	sor.u32 s12, s4;
	v9 =	vadd.s32 v10, v9;
	v10 =	vperm.xlane v10, v3  }
.LBB2_4:
0x158: {  	p0 =	sne.s32 s8, $0xF0;
	v11 =	vor.u32 s9, v0  }
0x159: {  	v8 =	vadd.s32 v8, v10  }
0x15a: {  	s9 =	sadd.s32 s7, s10;
	s7 =	smov.u32 s4;
	s4 =	smov.u32 s8  }
0x15b: {  	v10 =	vor.u32 s9, v0  }
0x15c: {  	[tilespmem:v9+s23+$0x0] =	vst.idx.msk vm0, v10  }
0x15d: {  	v9 =	vld.idx.msk [tilespmem:v11+s1+$0x0], $0xffff;
	_ =	sdelay $0x5  }
0x15e: {  	vm0 =	vle.s32 v9, v5  }
0x15f: {  	v9 =	vsel vm0, $0x1, v2  }
0x160: {  	(xrf0) =	vadd.scan.msk.s32 $0xffff, v9;
	_ =	sdelay $0x2  }
.Ltmp4:
0x161: {  	(pc) =	sbr.rel @p0 .LBB2_4-.Ltmp4, $3  }
0x162: {  	_ =	sdelay $0x1  }
0x163: {  	v9 =	vadd.s32 v8, v6;
	v10, _, _ =	vpop (xrf0)  }
0x164: {  	s8 =	sadd.s32 $0x10, s8;
	s9 =	sor.u32 s12, s4;
	v9 =	vadd.s32 v10, v9;
	v10 =	vperm.xlane v10, v3  }
0x165: {  	_ = 	snop  }
0x166: {  	v11 =	vor.u32 s9, v0;
	_ =	sdelay $0x1  }
0x167: {  	s7 =	sadd.s32 s7, s10  }
0x168: {  	v12 =	vor.u32 s7, v0  }
0x169: {  	[tilespmem:v9+s23+$0x0] =	vst.idx.msk vm0, v12  }
0x16a: {  	v9 =	vld.idx.msk [tilespmem:v11+s1+$0x0], $0xffff;
	_ =	sdelay $0x4  }
0x16b: {  	vm15 =	vle.s32 v9, v5  }
0x16c: {  	v5 =	vsel vm15, $0x1, v2  }
0x16d: {  	(xrf0) =	vadd.scan.msk.s32 $0xffff, v5;
	_ =	sdelay $0x4  }
0x16e: {  	v5 =	vadd.s32 v8, v10  }
0x16f: {  	v6 =	vadd.s32 v5, v6;
	v62, _, _ =	vpop (xrf0)  }
0x170: {  	v7 =	vbroadcast v7, $0x0;
	v6 =	vadd.s32 v62, v6  }
0x171: {  	s9 =	sshll.u32 s11, $0xA;
	s11 =	sadd.s32 $0x1, s11  }
0x172: {  	p0 =	sne.s32 s11, $0x8  }
.Ltmp5:
0x173: {  	s4 =	sadd.s32 s4, s10;
	v8 =	vperm.xlane v62, v3;
	(pc) =	sbr.rel @p0 .LBB2_3-.Ltmp5, $4  }
0x174: {  	v63 =	vor.u32 s4, v0  }
0x175: {  	s12 =	sand.u32 $0x3FFFFF00, s12;
	s4 =	sand.u32 $0x3FFFFC00, s9;
	v5 =	vadd.s32 v5, v8;
	[tilespmem:v6+s23+$0x0] =	vst.idx.msk vm15, v63  }
0x176: {  	s10 =	sadd.s32 $0x100, s10;
	s7 =	sadd.s32 $0x800, s12;
	s4 =	sadd.s32 $0x1000, s4;
	[tilespmem:v7+s24+$0x0] =	vst.idx.msk $0x1, v5  }
0x177: {  	[tilespmem:s4], [sflag:$0x2] =	stream.indirect.gather [hbm4b:s3+s25], $0x10, s7, s25, $0xb8;
	[tilespmem:$0x91A8] =	vst v63  }
0x178: {  	_ =	swait.ge [sflag:s26], $0x400  }
0x179: {  	[sflag:s26] =	ssyncset.done $0x0  }
0x17a: {  	[sflag:s26] =	ssyncadd.s32 $0xFFFFFC00  }
0x17b: {  	_ =	swait.ge [sflag:s26], $0x400  }
0x17c: {  	[sflag:s26] =	ssyncset.done $0x0  }
0x17d: {  	[sflag:s26] =	ssyncadd.s32 $0xFFFFFC00  }
0x17e: {  	_ =	swait.ge [sflag:s26], $0x400  }
0x17f: {  	[sflag:s26] =	ssyncset.done $0x0  }
0x180: {  	[sflag:s26] =	ssyncadd.s32 $0xFFFFFC00  }
0x181: {  	_ =	swait.ge [sflag:s26], $0x400  }
0x182: {  	[sflag:s26] =	ssyncset.done $0x0  }
0x183: {  	[sflag:s26] =	ssyncadd.s32 $0xFFFFFC00  }
0x184: {  	_ =	swait.ge [sflag:s26], $0x400  }
0x185: {  	[sflag:s26] =	ssyncset.done $0x0  }
0x186: {  	[sflag:s26] =	ssyncadd.s32 $0xFFFFFC00  }
0x187: {  	_ =	swait.ge [sflag:s26], $0x400  }
0x188: {  	[sflag:s26] =	ssyncset.done $0x0  }
0x189: {  	[sflag:s26] =	ssyncadd.s32 $0xFFFFFC00  }
0x18a: {  	_ =	swait.ge [sflag:s26], $0x400  }
.Ltmp6:
0x18b: {  	[sflag:s26] =	ssyncset.done $0x0;
	(pc) =	sbr.rel .LBB2_7-.Ltmp6, $4  }
0x18c: {  	[sflag:s26] =	ssyncadd.s32 $0xFFFFFC00  }
0x18d: {  	_ =	swait.ge [sflag:s26], $0x400  }
0x18e: {  	[sflag:s26] =	ssyncset.done $0x0  }
0x18f: {  	s2 =	simm.s32 $0x0;
	[sflag:s26] =	ssyncadd.s32 $0xFFFFFC00  }
.LBB2_9:
0x190: {  	s4 =	sshll.u32 s2, $0x5  }
0x191: {  	v5 =	vimm.s32 $0x0;
	v6 =	vmov s4  }
.LBB2_16:
0x192: {  	v6 =	vbroadcast v6, $0x0  }
0x193: {  	v7 =	vsub.s32 $0x20, v5  }
0x194: {  	vm0 =	vgt.s32 v7, v0;
	v5 =	vadd.s32 v6, v5  }
0x195: {  	v6 =	vld [tilespmem:$0x4188];
	v8 =	vadd.s32 v0, v5;
	_ =	sdelay $0x4  }
0x196: {  	vm15 =	vgt.s32 v7, v4;
	[tilespmem:v8+s29+$0x0] =	vst.idx.msk vm0, v6  }
0x197: {  	v5 =	vadd.s32 v4, v5;
	v6 =	vld [tilespmem:$0x4198];
	_ =	sdelay $0x1  }
0x198: {  	s4 =	sshll.u32 s2, $0xB  }
0x199: {  	s7 =	sshll.u32 s2, $0x5;
	s12 =	sshll.u32 s2, $0x9;
	s2 =	sadd.s32 $0x1, s2  }
0x19a: {  	s4 =	sand.u32 $0x3FFFF800, s4;
	s7 =	sand.u32 $0x3FFFFFE0, s7;
	p0 =	sne.s32 s2, $0x8  }
.Ltmp7:
0x19b: {  	s4 =	sadd.s32 $0x41A8, s4;
	s7 =	sadd.s32 $0x4088, s7;
	[tilespmem:v5+s29+$0x0] =	vst.idx.msk vm15, v6;
	(pc) =	sbr.rel @!p0 .LBB2_17-.Ltmp7, $4  }
0x19c: {  	[tilespmem:s4], [sflag:$0x3] =	stream.indirect.gather [hbm4b:s5+s31], $0x40, s7, s31, $0xb8;
	[tilespmem:$0x91A8] =	vst v63  }
0x19d: {  	s4 =	sand.u32 $0x3FFFFE00, s12  }
0x19e: {  	s4 =	sadd.s32 $0x81A8, s4  }
0x19f: {  	[tilespmem:s4], [sflag:$0x3] =	stream.indirect.gather [hbm4b:s6+s31], $0x10, s7, s31, $0xb8;
	[tilespmem:$0x91A8] =	vst v63  }
.LBB2_7:
0x1a0: {  	v5 =	vmov s2;
	_ =	sdelay $0x4  }
0x1a1: {  	v5 =	vld.idx.msk [tilespmem:v5+s24+$0x0], $0xffff;
	_ =	sdelay $0x4  }
0x1a2: {  	v5 =	vxor.u32 $0x80000000, v5  }
0x1a3: {  	(xrf0) =	vmax.scan.msk.u32 $0xffff, v5;
	_ =	sdelay $0x5  }
0x1a4: {  	v5, _, _ =	vpop (xrf0)  }
0x1a5: {  	(v2sf) =	vpush v5, $0xF;
	_ =	sdelay $0xe  }
0x1a6: {  	s12 =	spop (v2sf)  }
0x1a7: {  	s4 =	sor.u32 s21, s2;
	s10 =	sxor.u32 $0x80000000, s12  }
0x1a8: {  	v5 =	vmov s4;
	p0 =	sgt.s32 s10, $0x40  }
.Ltmp8:
0x1a9: {  	_ = 	snop;
	(pc) =	sbr.rel @p0 .LBB2_13-.Ltmp8, $2  }
0x1aa: {  	_ =	sdelay $0x2  }
0x1ab: {  	s4 =	sor.u32 s20, s2;
	v5 =	vld.idx.msk [tilespmem:v5+s13+$0x0], $0xffff  }
0x1ac: {  	p0 =	sgt.s32 s10, $0x0  }
.Ltmp9:
0x1ad: {  	_ = 	snop;
	(pc) =	sbr.rel @!p0 .LBB2_9-.Ltmp9, $1  }
0x1ae: {  	_ =	sdelay $0x3  }
0x1af: {  	s11 =	sshll.u32 s2, $0x6  }
0x1b0: {  	s7 =	sadd.s32 $0x0, s11  }
0x1b1: {  	s7 =	sshll.u32 s7, $0x4  }
0x1b2: {  	v6 =	vor.u32 s7, v0;
	_ =	sdelay $0x4  }
0x1b3: {  	v6 =	vld.idx.msk [tilespmem:v6+s28+$0x0], $0xffff;
	_ =	sdelay $0x4  }
0x1b4: {  	vm1 =	veq.s32 v6, v5  }
0x1b5: {  	v7 =	vsel vm1, $0x1, v2  }
0x1b6: {  	(xrf0) =	vadd.scan.msk.s32 $0xffff, v7  }
0x1b7: {  	s12 =	sshll.u32 s2, $0x8  }
0x1b8: {  	s8 =	sadd.s32 $0x0, s12;
	vm0 =	vlt.s32 v6, v5  }
0x1b9: {  	v11 =	vmov s8;
	v6 =	vsel vm0, $0x1, v2  }
0x1ba: {  	(xrf0) =	vadd.scan.msk.s32 $0xffff, v6  }
0x1bb: {  	s9 =	sshll.u32 s2, $0x5;
	p0 =	seq.s32 s10, $0x1  }
.Ltmp10:
0x1bc: {  	v7 =	vimm.s32 $0x0;
	v6 =	vmov s9;
	v10, _, _ =	vpop (xrf0);
	(pc) =	sbr.rel @p0 .LBB2_12-.Ltmp10, $4  }
0x1bd: {  	v8 =	vadd.s32 $0xFFFFFFFF, v6;
	v12 =	vadd.s32 v10, v7  }
0x1be: {  	s4 =	sshll.u32 s4, $0x8;
	v11 =	vld.idx.msk [tilespmem:v11+s23+$0x0], $0xffff;
	v9 =	vbroadcast v8, $0x0;
	v13 =	vperm.xlane v10, v3  }
0x1bf: {  	v8 =	vmov s4;
	v10 =	vadd.s32 $0xFFFFFFFF, v12  }
0x1c0: {  	s4 =	simm.s32 $0x1;
	v14 =	vadd.s32 v7, v9;
	vm2 =	vlt.s32 v10, $0x20;
	v13 =	vadd.s32 v7, v13;
	v12, _, _ =	vpop (xrf0)  }
.LBB2_11:
0x1c1: {  	s7 =	sadd.s32 s11, s4;
	v14 =	vadd.s32 v12, v14;
	vm1 =	vmand vm1, vm2;
	vm2 =	vlt.s32 v13, $0x20;
	s8 =	smov.u32 s4;
	s4 =	sadd.s32 $0x1, s4  }
0x1c2: {  	v12 =	vperm.xlane v12, v3;
	s7 =	sshll.u32 s7, $0x4;
	p0 =	seq.s32 s10, s4;
	v13 =	vnsel vm2, $0x20, v13  }
0x1c3: {  	v11 =	vsub.s32 v11, v8;
	v15 =	vor.u32 s7, v0  }
0x1c4: {  	v11 =	vshll.u32 v11, $0x4;
	v7 =	vadd.s32 v7, v12  }
0x1c5: {  	v11 =	vadd.s32 v11, v1  }
0x1c6: {  	[tilespmem:v14+s29+$0x0] =	vst.idx.msk vm0, v11  }
0x1c7: {  	[tilespmem:v10+s30+$0x0] =	vst.idx.msk vm1, v11  }
0x1c8: {  	v10 =	vld.idx.msk [tilespmem:v15+s28+$0x0], $0xffff;
	_ =	sdelay $0x5  }
0x1c9: {  	vm1 =	veq.s32 v10, v5  }
0x1ca: {  	v11 =	vsel vm1, $0x1, v2  }
0x1cb: {  	s7 =	sadd.s32 s12, s8;
	(xrf0) =	vadd.scan.msk.s32 $0xffff, v11  }
0x1cc: {  	vm0 =	vlt.s32 v10, v5;
	v11 =	vmov s7  }
0x1cd: {  	v10 =	vsel vm0, $0x1, v2  }
0x1ce: {  	(xrf0) =	vadd.scan.msk.s32 $0xffff, v10;
	_ =	sdelay $0x1  }
.Ltmp11:
0x1cf: {  	(pc) =	sbr.rel @!p0 .LBB2_11-.Ltmp11, $4  }
0x1d0: {  	v11 =	vld.idx.msk [tilespmem:v11+s23+$0x0], $0xffff;
	v10, _, _ =	vpop (xrf0)  }
0x1d1: {  	v16 =	vadd.s32 v10, v13;
	v15 =	vperm.xlane v10, v3  }
0x1d2: {  	v10 =	vadd.s32 $0xFFFFFFFF, v16  }
0x1d3: {  	v14 =	vadd.s32 v7, v9;
	vm2 =	vlt.s32 v10, $0x20;
	v13 =	vadd.s32 v13, v15;
	v12, _, _ =	vpop (xrf0)  }
.LBB2_12:
0x1d4: {  	v5 =	vadd.s32 v12, v14;
	vm1 =	vmand vm1, vm2;
	_ =	sdelay $0x1  }
.Ltmp12:
0x1d5: {  	v8 =	vsub.s32 v11, v8;
	(pc) =	sbr.rel .LBB2_16-.Ltmp12, $4  }
0x1d6: {  	v8 =	vshll.u32 v8, $0x4  }
0x1d7: {  	v9 =	vperm.xlane v12, v3;
	v8 =	vadd.s32 v8, v1  }
0x1d8: {  	[tilespmem:v5+s29+$0x0] =	vst.idx.msk vm0, v8  }
0x1d9: {  	v5 =	vadd.s32 v7, v9;
	[tilespmem:v10+s30+$0x0] =	vst.idx.msk vm1, v8  }
.LBB2_13:
0x1da: {  	s11 =	sshll.u32 s2, $0x8  }
0x1db: {  	s8 =	simm.s32 $0x0;
	s7 =	sadd.s32 $0x800, s11  }
0x1dc: {  	v6 =	vmov s8;
	[tilespmem:s15], [sflag:$0x4] =	stream.indirect.gather [hbm4b:s3+s14], $0x10, s7, s14, $0xb8;
	[tilespmem:$0x91A8] =	vst v63  }
0x1dd: {  	s8 =	sadd.s32 $0x880, s11;
	v6 =	vshll.u32 v6, $0x4  }
0x1de: {  	v6 =	vbroadcast v6, $0x0;
	[tilespmem:s16], [sflag:$0x4] =	stream.indirect.gather [hbm4b:s3+s14], $0x10, s8, s14, $0xb8;
	[tilespmem:$0x91A8] =	vst v63  }
0x1df: {  	_ =	swait.ge [sflag:s17], $0x800  }
0x1e0: {  	v6 =	vor.u32 v0, v6;
	[sflag:s17] =	ssyncset.done $0x0  }
0x1e1: {  	[sflag:s17] =	ssyncadd.s32 $0xFFFFF800  }
0x1e2: {  	_ =	swait.ge [sflag:s17], $0x800  }
0x1e3: {  	[sflag:s17] =	ssyncset.done $0x0  }
0x1e4: {  	[sflag:s17] =	ssyncadd.s32 $0xFFFFF800  }
0x1e5: {  	v7 =	vld.idx.msk [tilespmem:v6+s15+$0x0], $0xffff;
	_ =	sdelay $0x4  }
0x1e6: {  	p0 =	sne.s32 s10, $0x1;
	vm1 =	veq.s32 v7, v5  }
.Ltmp13:
0x1e7: {  	s9 =	sshll.u32 s2, $0x5;
	v10 =	vsel vm1, $0x1, v2;
	(pc) =	sbr.rel @!p0 .LBB2_15-.Ltmp13, $4  }
0x1e8: {  	s12 =	sadd.s32 $0x0, s11;
	v6 =	vmov s9;
	(xrf0) =	vadd.scan.msk.s32 $0xffff, v10  }
0x1e9: {  	v11 =	vmov s12;
	v8 =	vadd.s32 $0xFFFFFFFF, v6;
	vm0 =	vlt.s32 v7, v5  }
0x1ea: {  	s4 =	sshll.u32 s4, $0x8;
	v9 =	vbroadcast v8, $0x0;
	v8 =	vsel vm0, $0x1, v2  }
0x1eb: {  	v7 =	vmov s4;
	s4 =	simm.s32 $0x1;
	v10 =	vimm.s32 $0x0;
	(xrf0) =	vadd.scan.msk.s32 $0xffff, v8;
	v8 =	vimm.s32 $0x0  }
.LBB2_14:
0x1ec: {  	_ =	sdelay $0x1  }
0x1ed: {  	v12 =	vmov s4;
	v11 =	vld.idx.msk [tilespmem:v11+s23+$0x0], $0xffff;
	s7 =	smov.u32 s4;
	v13, _, _ =	vpop (xrf0)  }
0x1ee: {  	v12 =	vshll.u32 v12, $0x4;
	v14 =	vadd.s32 v13, v10;
	v16 =	vperm.xlane v13, v3  }
0x1ef: {  	s4 =	sadd.s32 $0x1, s4;
	v12 =	vbroadcast v12, $0x0;
	v14 =	vadd.s32 $0xFFFFFFFF, v14  }
0x1f0: {  	v15 =	vadd.s32 v8, v9;
	p0 =	sne.s32 s10, s4;
	vm2 =	vlt.s32 v14, $0x20;
	v10 =	vadd.s32 v10, v16;
	v13, _, _ =	vpop (xrf0)  }
0x1f1: {  	v15 =	vadd.s32 v13, v15;
	vm1 =	vmand vm1, vm2;
	vm2 =	vlt.s32 v10, $0x20  }
0x1f2: {  	v13 =	vperm.xlane v13, v3;
	v10 =	vnsel vm2, $0x20, v10  }
0x1f3: {  	v12 =	vor.u32 v0, v12;
	v11 =	vsub.s32 v11, v7  }
0x1f4: {  	v11 =	vshll.u32 v11, $0x4;
	v8 =	vadd.s32 v8, v13  }
0x1f5: {  	v11 =	vadd.s32 v11, v1  }
0x1f6: {  	[tilespmem:v15+s29+$0x0] =	vst.idx.msk vm0, v11  }
0x1f7: {  	[tilespmem:v14+s30+$0x0] =	vst.idx.msk vm1, v11  }
0x1f8: {  	v12 =	vld.idx.msk [tilespmem:v12+s15+$0x0], $0xffff;
	_ =	sdelay $0x5  }
0x1f9: {  	vm1 =	veq.s32 v12, v5  }
.Ltmp14:
0x1fa: {  	v11 =	vsel vm1, $0x1, v2;
	(pc) =	sbr.rel @p0 .LBB2_14-.Ltmp14, $4  }
0x1fb: {  	s7 =	sadd.s32 s11, s7;
	(xrf0) =	vadd.scan.msk.s32 $0xffff, v11  }
0x1fc: {  	vm0 =	vlt.s32 v12, v5;
	v11 =	vmov s7  }
0x1fd: {  	v12 =	vsel vm0, $0x1, v2  }
0x1fe: {  	(xrf0) =	vadd.scan.msk.s32 $0xffff, v12  }
.LBB2_15:
0x1ff: {  	_ =	sdelay $0x2  }
0x200: {  	v5, _, _ =	vpop (xrf0)  }
0x201: {  	v11 =	vld.idx.msk [tilespmem:v11+s23+$0x0], $0xffff;
	v5 =	vadd.s32 v5, v10  }
0x202: {  	v10 =	vadd.s32 $0xFFFFFFFF, v5  }
0x203: {  	v5 =	vadd.s32 v8, v9;
	vm2 =	vlt.s32 v10, $0x20;
	v63, _, _ =	vpop (xrf0)  }
0x204: {  	v5 =	vadd.s32 v63, v5;
	vm1 =	vmand vm1, vm2;
	_ =	sdelay $0x1  }
.Ltmp15:
0x205: {  	v7 =	vsub.s32 v11, v7;
	(pc) =	sbr.rel .LBB2_16-.Ltmp15, $4  }
0x206: {  	v7 =	vshll.u32 v7, $0x4  }
0x207: {  	v9 =	vperm.xlane v63, v3;
	v7 =	vadd.s32 v7, v1  }
0x208: {  	[tilespmem:v5+s29+$0x0] =	vst.idx.msk vm0, v7  }
0x209: {  	v5 =	vadd.s32 v8, v9;
	[tilespmem:v10+s30+$0x0] =	vst.idx.msk vm1, v7  }
.LBB2_19:
0x20a: {  	_ =	sfence.sel $0x180000  }
0x20b: {  	[bflag:$0x0] =	sbarrier.arrive $0xFFFF  }
0x20c: {  	_ =	strace $0x9000004A  }
0x20d: {  	s0 =	stileid.u32;
	[bflag:$0x2] =	sbarrier.arrive $0xFFFF  }
0x20e: {  	p0 =	sne.s32 s0, $0x0;
	s0 =	rddreg [dreg:$0x2]  }
0x20f: {  	s0 =	sadd.s32 @!p0 $0x100000, s0  }
0x210: {  	[sflag:s0] =	ssyncadd.tile.s32 @!p0 $0x1;
	_ =	shalt  }
.Lfunc_end2:
_tile_overlayer_lowered:
.L_overlay_start_2:
0x211: {  	(tag) =	ssettag $0x2  }
0x212: {  	s0 =	rddreg [dreg:$0x0];
	s2 =	stileid.u32  }
0x213: {  	s1 =	rddreg [dreg:$0x1];
	p0 =	sne.s32 s2, $0x0  }
0x214: {  	s3 =	rddreg [dreg:$0x2];
	[bflag:$0x3] =	sbarrier.arrive $0xFFFF;
	s2 =	simm.s32 @!p0 $0x1C05  }
0x215: {  	[timem:s3], [sflag:s2] =	dma.local @!p0 [hbm:s0], s1  }
0x216: {  	s0 =	simm.s32 @!p0 $0x5  }
0x217: {  	_ =	swait.ge @!p0 [sflag:s0], s1  }
0x218: {  	s1 =	ssub.s32 @!p0 $0x0, s1;
	[sflag:s0] =	ssyncset.done @!p0 $0x0  }
0x219: {  	[sflag:s0] =	ssyncadd.s32 @!p0 s1  }
0x21a: {  	[bflag:$0x3] =	sbarrier.arrive $0xFFFF  }
0x21b: {  	_ =	shalt  }

// kernel: sparse-core-data-format-call.cloned.1.call-start
scs
called_computation_lowered:
.L_overlay_start_0:
0x0: {  	s1 =	sld [smem:$0x3FD9]  }
0x1: {  	s2 =	sld [smem:$0x3FFE];
	_ =	sdelay $0x1  }
0x2: {  	s3 =	srdreg.scid  }
0x3: {  	s0 =	sand.u32 $0x1, s3  }
0x4: {  	s17 =	sshll.u32 s0, $0xA;
	s1 =	sadd.s32 s2, s1  }
0x5: {  	s1 =	sadd.s32 s1, s17  }
0x6: {  	[smem:$0x3FBD] =	sst s1  }
0x7: {  	_ = 	snop  }
0x8: {  	(tm) =	ssettm $0x1  }
0x9: {  	s18 =	sld [smem:$0x3FFB];
	_ =	sdelay $0x3  }
0xa: {  	_ =	strace s18  }
0xb: {  	s1 =	sld [smem:$0x3FFC];
	_ =	sdelay $0x3  }
0xc: {  	_ =	strace s1  }
0xd: {  	s1 =	sld [smem:$0x3FFD];
	_ =	sdelay $0x3  }
0xe: {  	_ =	strace s1  }
0xf: {  	_ =	strace $0x8FFFFFFF  }
0x10: {  	s19 =	sld [smem:$0x3FDB];
	_ =	sdelay $0x1  }
0x11: {  	s20 =	simm.s32 $_scs_section_size  }
0x12: {  	s4 =	simm.s32 $_size__tile_overlayer_lowered;
	s5 =	simm.s32 $_tile_overlayer_lowered  }
0x13: {  	s23 =	simm.s32 $0x1BFF;
	s22 =	sshll.u32 s5, $0x1;
	s1 =	sadd.s32 s20, s19  }
0x14: {  	s6 =	simm.s32 $0x0;
	s21 =	sshll.u32 s4, $0x1;
	s4 =	sadd.s32 s22, s1  }
0x15: {  	[timem:s6], [sflag:s23] =	dma.local [hbm:s4], s21  }
0x16: {  	_ =	swait.ge [sflag:s23], s21  }
0x17: {  	s2 =	ssub.s32 $0x0, s21;
	[sflag:s23] =	ssyncset.done $0x0  }
0x18: {  	[sflag:s23] =	ssyncadd.s32 s2;
	_ =	sdelay $0x1  }
0x19: {  	s24 =	simm.s32 $0x1B8B  }
0x1a: {  	_ =	swait.ge [sflag:s24], $0x1  }
0x1b: {  	[sflag:s24] =	ssyncset.done $0x0  }
0x1c: {  	s26 =	simm.s32 $0x1B8E;
	s25 =	sld [smem:$0x3FFE];
	[sflag:s24] =	ssyncadd.s32 $0xFFFFFFFF  }
0x1d: {  	s27 =	simm.s32 $execute0_lowered;
	[smem:$0x3FD2] =	sst s26  }
0x1e: {  	s4 =	sshll.u32 s27, $0x1;
	_ =	strace $0x80000046;
	[dreg:$0x1] =	wrdreg $0xFFFFFFFF  }
0x1f: {  	s28 =	simm.s32 $_size_execute0_lowered;
	s1 =	sadd.s32 s1, s4;
	[dreg:$0x0] =	wrdreg $0x0  }
0x20: {  	s4 =	sshll.u32 s28, $0x1;
	[dreg:$0x2] =	wrdreg s1  }
0x21: {  	[dreg:$0x3] =	wrdreg s4  }
0x22: {  	[dreg:$0x4] =	wrdreg $0xC0  }
0x23: {  	_ =	task [dreg:s6], $0x5FFFF  }
0x24: {  	[dreg:$0x1] =	wrdreg $0xFFFFFFFF  }
0x25: {  	[dreg:$0x0] =	wrdreg $0x60  }
0x26: {  	[dreg:$0x2] =	wrdreg s25  }
0x27: {  	[dreg:$0x3] =	wrdreg $0x9  }
0x28: {  	_ =	task.clear_ibuf [dreg:s6], $0x4FFFF;
	_ =	strace $0x90000046  }
0x29: {  	s29 =	simm.s32 $0x9;
	_ =	strace $0x80000048  }
0x2a: {  	_ =	swait.ge [sflag:s29], $0x1  }
0x2b: {  	[sflag:s29] =	ssyncadd.s32 $0xFFFFFFFF  }
0x2c: {  	_ =	strace $0x90000048  }
0x2d: {  	_ =	sfence  }
0x2e: {  	s30 =	sld [smem:$0x0];
	_ =	sdelay $0x2  }
0x2f: {  	s31 =	sshll.u32 s3, $0xD;
	s3 =	sshrl.u32 s3, $0x2  }
0x30: {  	s2 =	sand.u32 $0x4000, s31;
	s1 =	sadd.s32 s3, s30  }
0x31: {  	s0 =	sor.u32 s2, s0;
	s1 =	sshll.u32 s1, $0x11  }
0x32: {  	s0 =	sor.u32 s1, s0  }
0x33: {  	s0 =	sadd.s32 $0x8F2B, s0  }
0x34: {  	[sflag:s0] =	ssyncadd.remote.s32 $0x1  }
0x35: {  	_ =	sfence.sel $0xFFFF  }
0x36: {  	[dreg:$0x0] =	wrdreg $0xFFFFFFFF;
	(pc) =	sbr.abs _section_cstart, $3  }
0x37: {  	[dreg:$0x1] =	wrdreg $0xFFFFFFFF  }
0x38: {  	_ =	task.clear_ibuf [dreg:s6], $0x2FFFF;
	_ =	strace $0x9FFFFFFF  }
0x39: {  	(tm) =	ssettm $0x7FFFFFFF  }
tec
execute0_lowered:
.L_overlay_start_1:
0x0: {  	(tag) =	ssettag $0x1  }
0x1: {  	s1 =	rddreg [dreg:$0x0]  }
0x2: {  	s0 =	rddreg [dreg:$0x1]  }
0x3: {  	_ =	strace $0x80000047;
	s4 =	srdreg.scid;
	s6 =	simm.s32 $0x2  }
0x4: {  	s11 =	simm.s32 $0x0;
	p0 =	por $0x0, $0x0;
	s7 =	simm.s32 $0x1000  }
.Ltmp0:
0x5: {  	s12 =	simm.s32 $0x0;
	s9 =	simm.s32 $0x0;
	(pc) =	sbr.rel .LBB1_1-.Ltmp0, $4  }
0x6: {  	s2 =	sadd.s32 $0x4A00, s1;
	s3 =	sadd.s32 $0x204A00, s1;
	s5 =	sshll.u32 s4, $0x4  }
0x7: {  	s1 =	stileid.u32;
	s4 =	simm.s32 $0x1;
	s5 =	sand.u32 $0x10, s5  }
0x8: {  	s8 =	simm.s32 $0x0;
	[sflag:s4] =	ssyncpa.u1 $0x0;
	s5 =	sor.u32 s1, s5  }
0x9: {  	[sflag:s6] =	ssyncpa.u1 $0x0;
	s6 =	simm.s32 $0x800;
	s10 =	smov.u32 s5  }
.LBB1_7:
0xa: {  	s13 =	sadd.s32 $0x10, s9  }
0xb: {  	s11 =	sadd.s32 $0x20, s10;
	s15 =	smov.u32 s10;
	p2 =	sgt.s32 s13, $0x1F  }
0xc: {  	p1 =	slt.u32 s8, $0x2;
	s15 =	smov.u32 @p2 s11  }
0xd: {  	s8 =	sadd.s32 $0x1, s8;
	s13 =	simm.s32 @p2 $0x0;
	p2 =	sgt.s32 s15, $0x1FF  }
0xe: {  	s15 =	smov.u32 @p2 s5;
	p2 =	sne.s32 s8, $0x22  }
.Ltmp1:
0xf: {  	_ = 	snop;
	(pc) =	sbr.rel @!p2 .LBB1_8-.Ltmp1, $4  }
0x10: {  	s14 =	simm.s32 @!p1 $0x2  }
0x11: {  	s12 =	smov.u32 s10;
	_ =	swait.ge @!p1 [sflag:s14], $0x4000  }
0x12: {  	p0 =	por !p0, !p0;
	s11 =	smov.u32 s9;
	[sflag:s14] =	ssyncset.done @!p1 $0x0  }
0x13: {  	s9 =	smov.u32 s13;
	[sflag:s14] =	ssyncadd.s32 @!p1 $0xFFFFC000;
	s10 =	smov.u32 s15  }
.LBB1_1:
0x14: {  	p1 =	sgt.u32 s8, $0x1F  }
0x15: {  	s13 =	sxor.u32 @!p1 $0xFFFFFFFF, s8;
	s14 =	sshll.u32 @!p1 s10, $0xC  }
0x16: {  	s15 =	sshll.u32 @!p1 s9, $0x7;
	s13 =	sshll.u32 @!p1 s13, $0xE;
	s14 =	sadd.s32 @!p1 s2, s14  }
0x17: {  	s13 =	sand.u32 @!p1 $0x4000, s13;
	s14 =	sadd.s32 @!p1 s15, s14;
	s15 =	simm.s32 @!p1 $0x0  }
0x18: {  	[tilespmem:s13], [sflag:$0x1] =	stream.linear.gather @!p1 [hbm4b:s14+s15], $0x4000, $0x38;
	[tilespmem:$0x10000] =	vst v63  }
0x19: {  	p1 =	seq.s32 s8, $0x0  }
0x1a: {  	p2 =	seq.s32 @!p1 s8, $0x21  }
0x1b: {  	p1 =	por p1, p2  }
.Ltmp2:
0x1c: {  	_ = 	snop;
	(pc) =	sbr.rel @p1 .LBB1_7-.Ltmp2, $1  }
0x1d: {  	_ =	sdelay $0x3  }
0x1e: {  	s13 =	simm.s32 $0x1;
	_ =	swait.ge [sflag:s4], $0x4000;
	s16 =	sshll.u32 s8, $0xE  }
0x1f: {  	s13 =	simm.s32 @!p0 $0x0;
	[sflag:s4] =	ssyncset.done $0x0;
	s31 =	sand.u32 $0x4000, s16  }
0x20: {  	s16 =	simm.s32 $0x0;
	s14 =	sshll.u32 s13, $0xE;
	[sflag:s4] =	ssyncadd.s32 $0xFFFFC000  }
0x21: {  	s13 =	sor.u32 $0x8040, s14;
	s15 =	sor.u32 $0x40, s14;
	s14 =	sor.u32 $0x8000, s31  }
.LBB1_3:
0x22: {  	v0 =	vmov s15;
	_ =	sdelay $0x3  }
0x23: {  	s18 =	simm.s32 $0x0  }
0x24: {  	v6 =	vld.idx.msk [tilespmem:v0+s18+$0x30 ss:$0x1], $0xffff  }
0x25: {  	v7 =	vld.idx.msk [tilespmem:v0+s18+$0xFFFFFFC0 ss:$0x1], $0xffff  }
0x26: {  	v5 =	vld.idx.msk [tilespmem:v0+s18+$0xFFFFFFD0 ss:$0x1], $0xffff  }
0x27: {  	v4 =	vld.idx.msk [tilespmem:v0+s18+$0xFFFFFFE0 ss:$0x1], $0xffff  }
0x28: {  	v3 =	vld.idx.msk [tilespmem:v0+s18+$0xFFFFFFF0 ss:$0x1], $0xffff  }
0x29: {  	v1 =	vld.idx.msk [tilespmem:v0+s18+$0x0 ss:$0x1], $0xffff  }
0x2a: {  	v2 =	vld.idx.msk [tilespmem:v0+s18+$0x10 ss:$0x1], $0xffff;
	[tilespmem:s13+$0x30] =	vst v6  }
0x2b: {  	s17 =	simm.s32 $0x80;
	s19 =	simm.s32 $0x400;
	[tilespmem:s13+$0xFFFFFFC0] =	vst v7;
	v6 =	vld.idx.msk [tilespmem:v0+s18+$0x20 ss:$0x1], $0xffff;
	s18 =	smov.u32 s13  }
.LBB1_4:
0x2c: {  	p1 =	sne.s32 s19, $0xE00;
	v7 =	vld.idx.msk [tilespmem:v0+s17+$0x30 ss:$0x1], $0xffff;
	[tilespmem:s18+$0xFFFFFFD0] =	vst v5  }
0x2d: {  	v8 =	vld.idx.msk [tilespmem:v0+s17+$0xFFFFFFC0 ss:$0x1], $0xffff;
	[tilespmem:s18+$0xFFFFFFE0] =	vst v4  }
0x2e: {  	v5 =	vld.idx.msk [tilespmem:v0+s17+$0xFFFFFFD0 ss:$0x1], $0xffff;
	[tilespmem:s18+$0xFFFFFFF0] =	vst v3  }
.Ltmp3:
0x2f: {  	v4 =	vld.idx.msk [tilespmem:v0+s17+$0xFFFFFFE0 ss:$0x1], $0xffff;
	[tilespmem:s18+$0x0] =	vst v1;
	(pc) =	sbr.rel @p1 .LBB1_4-.Ltmp3, $4  }
0x30: {  	v3 =	vld.idx.msk [tilespmem:v0+s17+$0xFFFFFFF0 ss:$0x1], $0xffff;
	[tilespmem:s18+$0x10] =	vst v2  }
0x31: {  	v1 =	vld.idx.msk [tilespmem:v0+s17+$0x0 ss:$0x1], $0xffff;
	[tilespmem:s18+$0x20] =	vst v6;
	s18 =	sadd.s32 $0x800, s18  }
0x32: {  	v2 =	vld.idx.msk [tilespmem:v0+s17+$0x10 ss:$0x1], $0xffff;
	[tilespmem:s18+$0x30] =	vst v7  }
0x33: {  	[tilespmem:s18+$0xFFFFFFC0] =	vst v8;
	v6 =	vld.idx.msk [tilespmem:v0+s17+$0x20 ss:$0x1], $0xffff;
	s17 =	sshra.s32 s19, $0x2;
	s19 =	sadd.s32 $0x200, s19  }
0x34: {  	_ =	sdelay $0x2  }
0x35: {  	[tilespmem:s18+$0xFFFFFFD0] =	vst v5  }
0x36: {  	v56 =	vld.idx.msk [tilespmem:v0+s17+$0x30 ss:$0x1], $0xffff;
	[tilespmem:s18+$0xFFFFFFE0] =	vst v4  }
0x37: {  	v57 =	vld.idx.msk [tilespmem:v0+s17+$0xFFFFFFC0 ss:$0x1], $0xffff;
	[tilespmem:s18+$0xFFFFFFF0] =	vst v3  }
0x38: {  	v58 =	vld.idx.msk [tilespmem:v0+s17+$0xFFFFFFD0 ss:$0x1], $0xffff;
	[tilespmem:s18+$0x0] =	vst v1  }
0x39: {  	v59 =	vld.idx.msk [tilespmem:v0+s17+$0xFFFFFFE0 ss:$0x1], $0xffff;
	[tilespmem:s18+$0x10] =	vst v2  }
0x3a: {  	v60 =	vld.idx.msk [tilespmem:v0+s17+$0xFFFFFFF0 ss:$0x1], $0xffff;
	s31 =	sadd.s32 $0x800, s18;
	[tilespmem:s18+$0x20] =	vst v6  }
0x3b: {  	v61 =	vld.idx.msk [tilespmem:v0+s17+$0x0 ss:$0x1], $0xffff;
	[tilespmem:s31+$0x30] =	vst v56  }
0x3c: {  	v62 =	vld.idx.msk [tilespmem:v0+s17+$0x10 ss:$0x1], $0xffff;
	s16 =	sadd.s32 $0x1, s16;
	[tilespmem:s31+$0xFFFFFFC0] =	vst v57  }
0x3d: {  	v63 =	vld.idx.msk [tilespmem:v0+s17+$0x20 ss:$0x1], $0xffff;
	p1 =	sne.s32 s16, $0x10;
	[tilespmem:s31+$0xFFFFFFD0] =	vst v58  }
.Ltmp4:
0x3e: {  	[tilespmem:s31+$0xFFFFFFE0] =	vst v59;
	(pc) =	sbr.rel @p1 .LBB1_3-.Ltmp4, $4  }
0x3f: {  	[tilespmem:s31+$0xFFFFFFF0] =	vst v60  }
0x40: {  	[tilespmem:s31+$0x0] =	vst v61  }
0x41: {  	[tilespmem:s31+$0x10] =	vst v62  }
0x42: {  	s13 =	sadd.s32 $0x80, s13;
	s15 =	sadd.s32 $0x400, s15;
	[tilespmem:s31+$0x20] =	vst v63  }
.Ltmp5:
0x43: {  	(pc) =	sbr.rel .LBB1_7-.Ltmp5, $4  }
0x44: {  	s12 =	sshll.u32 s12, $0xC;
	s11 =	sshll.u32 s11, $0x4  }
0x45: {  	s11 =	sand.u32 $0x1F0, s11;
	s12 =	sadd.s32 s3, s12  }
0x46: {  	s11 =	sadd.s32 s11, s12  }
0x47: {  	[hbm4b:s11+s6] =	stream.strided.scatter [tilespmem:s14], [sflag:$0x2], $0x4000, s7, s6, $0x38;
	[tilespmem:$0x10000] =	vst v63  }
.LBB1_8:
0x48: {  	_ =	sfence.sel $0x180000  }
0x49: {  	s2 =	simm.s32 $0x1;
	[bflag:$0x0] =	sbarrier.arrive $0xFFFF  }
0x4a: {  	s31 =	simm.s32 $0x2;
	[sflag:s2] =	ssyncpa.u1 $0x1  }
0x4b: {  	[sflag:s31] =	ssyncpa.u1 $0x1  }
0x4c: {  	p0 =	sne.s32 s1, $0x0;
	_ =	strace $0x90000047  }
0x4d: {  	s0 =	sadd.s32 @!p0 $0x100000, s0;
	[bflag:$0x2] =	sbarrier.arrive $0xFFFF  }
0x4e: {  	[sflag:s0] =	ssyncadd.tile.s32 @!p0 $0x1;
	_ =	shalt  }
.Lfunc_end1:
_tile_overlayer_lowered:
.L_overlay_start_2:
0x4f: {  	(tag) =	ssettag $0x2  }
0x50: {  	s0 =	rddreg [dreg:$0x0];
	s2 =	stileid.u32  }
0x51: {  	s1 =	rddreg [dreg:$0x1];
	p0 =	sne.s32 s2, $0x0  }
0x52: {  	s3 =	rddreg [dreg:$0x2];
	[bflag:$0x3] =	sbarrier.arrive $0xFFFF;
	s2 =	simm.s32 @!p0 $0x1C01  }
0x53: {  	[timem:s3], [sflag:s2] =	dma.local @!p0 [hbm:s0], s1  }
0x54: {  	s0 =	simm.s32 @!p0 $0x1  }
0x55: {  	_ =	swait.ge @!p0 [sflag:s0], s1  }
0x56: {  	s1 =	ssub.s32 @!p0 $0x0, s1;
	[sflag:s0] =	ssyncset.done @!p0 $0x0  }
0x57: {  	[sflag:s0] =	ssyncadd.s32 @!p0 s1  }
0x58: {  	[bflag:$0x3] =	sbarrier.arrive $0xFFFF  }
0x59: {  	_ =	shalt  }

</sc_bundles>
